<compile_context>
chip_gen: v7x
topology: tpu7x:2x2x1
jax: 0.10.2.dev20260603
libtpu: 0.0.44.dev20260713+nightly
codegen_flags: <defaults>
</compile_context>

<pallas_src>
import dataclasses

import jax
import jax.numpy as jnp
from jax import lax
from jax.experimental import pallas as pl
from jax.experimental.pallas import tpu as pltpu
from jax.experimental.pallas import tpu_sc as plsc

N = 10000
E = 320000
D = 128
FC = 256
NC = 40
G = 16

NPAD = 10240
NTILES = 32
RPT = NPAD // 16

DCHUNK = 128
DCPT = 80
DEPAD = NTILES * DCPT * DCHUNK

SCHUNK = 128
SCPT = 80
SEPAD = NTILES * SCPT * SCHUNK
KS = 2
NW = 8
NWIN = SCPT // NW

_MESH = plsc.VectorSubcoreMesh(core_axis_name="c", subcore_axis_name="s")
_f32 = jnp.float32

_SC_PARAMS = pltpu.CompilerParams()
if "needs_layout_passes" in pltpu.CompilerParams.__dataclass_fields__:
    _SC_PARAMS = dataclasses.replace(_SC_PARAMS, needs_layout_passes=False)


def _deg_body(col_hbm, z1_hbm, out_hbm, idx_v, deg_v, sem):
    c = lax.axis_index("c")
    s = lax.axis_index("s")
    wid = c * 16 + s
    pltpu.async_copy(col_hbm.at[wid], idx_v, sem).wait()
    pltpu.async_copy(z1_hbm, deg_v, sem).wait()
    ones16 = jnp.ones((16,), _f32)

    @pl.loop(0, DCPT)
    def _(j):
        for k in range(DCHUNK // 16):
            col16 = idx_v[j, pl.ds(k * 16, 16)]
            plsc.addupdate_scatter(deg_v, [col16], ones16)

    pltpu.async_copy(deg_v, out_hbm.at[wid], sem).wait()


_deg_call = pl.kernel(
    _deg_body,
    out_type=jax.ShapeDtypeStruct((NTILES, NPAD), _f32),
    mesh=_MESH,
    scratch_types=[
        pltpu.VMEM((DCPT, DCHUNK), jnp.int32),
        pltpu.VMEM((NPAD,), _f32),
        pltpu.SemaphoreType.DMA,
    ],
    compiler_params=_SC_PARAMS,
)


def _scat_body(h_hbm, row_hbm, col_hbm, zd_hbm, out_hbm,
               rid_v, cid_v, tmp_v, acc_sh, gsem, ssem, isem):
    c = lax.axis_index("c")
    s = lax.axis_index("s")
    wid = c * 16 + s
    sl = pl.ds(s * RPT, RPT)
    pltpu.sync_copy(zd_hbm.at[sl], acc_sh.at[sl])
    pltpu.async_copy(row_hbm.at[wid, pl.ds(0, NW)], rid_v.at[0], isem.at[0])
    pltpu.async_copy(col_hbm.at[wid, pl.ds(0, NW)], cid_v.at[0], isem.at[1])
    plsc.subcore_barrier()

    @pl.loop(0, NWIN)
    def _(w):
        wb = w % 2

        @pl.when(w + 1 < NWIN)
        def _():
            nb = (w + 1) % 2
            nsl = pl.ds((w + 1) * NW, NW)
            pltpu.async_copy(row_hbm.at[wid, nsl], rid_v.at[nb],
                             isem.at[2 * nb])
            pltpu.async_copy(col_hbm.at[wid, nsl], cid_v.at[nb],
                             isem.at[2 * nb + 1])

        wsl = pl.ds(w * NW, NW)
        pltpu.make_async_copy(row_hbm.at[wid, wsl], rid_v.at[wb],
                              isem.at[2 * wb]).wait()
        pltpu.make_async_copy(col_hbm.at[wid, wsl], cid_v.at[wb],
                              isem.at[2 * wb + 1]).wait()

        @pl.loop(0, NW // KS)
        def _(g):
            gd = []
            for p in range(KS):
                @pl.when((w > 0) | (g > 0))
                def _():
                    pltpu.make_async_copy(
                        tmp_v.at[p], acc_sh.at[cid_v.at[wb, g * KS + p]],
                        ssem.at[p]).wait()
                gd.append(
                    pltpu.async_copy(h_hbm.at[rid_v.at[wb, g * KS + p]],
                                     tmp_v.at[p], gsem.at[p]))
            for p in range(KS):
                gd[p].wait()
                pltpu.async_copy(tmp_v.at[p],
                                 acc_sh.at[cid_v.at[wb, g * KS + p]],
                                 ssem.at[p], add=True)

    for p in range(KS):
        pltpu.make_async_copy(tmp_v.at[p], acc_sh.at[pl.ds(0, SCHUNK)],
                              ssem.at[p]).wait()
    plsc.subcore_barrier()
    pltpu.sync_copy(acc_sh.at[sl], out_hbm.at[c, sl])


_scat_call = pl.kernel(
    _scat_body,
    out_type=jax.ShapeDtypeStruct((2, NPAD, D), _f32),
    mesh=_MESH,
    scratch_types=[
        pltpu.VMEM((2, NW, SCHUNK), jnp.int32),
        pltpu.VMEM((2, NW, SCHUNK), jnp.int32),
        pltpu.VMEM((KS, SCHUNK, D), _f32),
        pltpu.VMEM_SHARED((NPAD, D), _f32),
        pltpu.SemaphoreType.DMA((KS,)),
        pltpu.SemaphoreType.DMA((KS,)),
        pltpu.SemaphoreType.DMA((4,)),
    ],
)


def _tc1_body(x_ref, w_ref, deg_ref, hs_ref, dis_ref):
    d = jnp.sum(deg_ref[...], axis=0, keepdims=True)
    disr = jnp.where(d > 0, lax.rsqrt(d), 0.0)
    dis = jnp.transpose(disr, (1, 0))
    dis_ref[...] = dis
    hs_ref[...] = jnp.dot(x_ref[...], w_ref[...],
                          preferred_element_type=_f32) * dis


_tc1_call = pl.pallas_call(
    _tc1_body,
    out_shape=(jax.ShapeDtypeStruct((NPAD, D), _f32),
               jax.ShapeDtypeStruct((NPAD, 1), _f32)))


def _mid_body(acc_ref, dis_ref, b_ref, g_ref, be_ref, w_ref, o_ref):
    dis = dis_ref[...]
    h = (acc_ref[0] + acc_ref[1]) * dis + b_ref[...]
    hr = h[0:N]
    m = jnp.mean(hr, axis=0, keepdims=True)
    v = jnp.mean((hr - m) ** 2, axis=0, keepdims=True)
    hn = (h - m) * lax.rsqrt(v + 1e-5) * g_ref[...] + be_ref[...]
    hn = jnp.maximum(hn, 0.0)
    o_ref[...] = jnp.dot(hn, w_ref[...], preferred_element_type=_f32) * dis


_mid_call = pl.pallas_call(
    _mid_body, out_shape=jax.ShapeDtypeStruct((NPAD, D), _f32))


def _fin_body(acc_ref, dis_ref, b_ref, g_ref, be_ref, batch_ref,
              w1_ref, b1_ref, w2_ref, b2_ref, o_ref):
    h = (acc_ref[0] + acc_ref[1]) * dis_ref[...] + b_ref[...]
    hr = h[0:N]
    m = jnp.mean(hr, axis=0, keepdims=True)
    v = jnp.mean((hr - m) ** 2, axis=0, keepdims=True)
    hn = (hr - m) * lax.rsqrt(v + 1e-5) * g_ref[...] + be_ref[...]
    hn = jnp.maximum(hn, 0.0)
    oh = (batch_ref[...] ==
          lax.broadcasted_iota(jnp.int32, (G, N), 0)).astype(_f32)
    pooled = jnp.dot(oh, hn, preferred_element_type=_f32)
    cnt = jnp.dot(oh, jnp.ones((N, 1), _f32), preferred_element_type=_f32)
    pooled = pooled / jnp.maximum(cnt, 1.0)
    z = jnp.maximum(
        jnp.dot(pooled, w1_ref[...], preferred_element_type=_f32) + b1_ref[...],
        0.0)
    o_ref[...] = jnp.dot(z, w2_ref[...], preferred_element_type=_f32) + b2_ref[...]


_fin_call = pl.pallas_call(
    _fin_body, out_shape=jax.ShapeDtypeStruct((G, NC), _f32))


def kernel(x, edge_index, batch, W0, b0, g0, be0, W1, b1, g1, be1,
           fc1_W, fc1_b, fc2_W, fc2_b):
    dpad = N + jnp.arange(DEPAD - E, dtype=jnp.int32) % (NPAD - N)
    spad = N + jnp.arange(SEPAD - E, dtype=jnp.int32) % (NPAD - N)
    col_d = jnp.concatenate([edge_index[1], dpad]).reshape(NTILES, DCPT, DCHUNK)
    row_s = jnp.concatenate([edge_index[0], spad]).reshape(NTILES, SCPT, SCHUNK)
    col_s = jnp.concatenate([edge_index[1], spad]).reshape(NTILES, SCPT, SCHUNK)
    x_pad = jnp.pad(x, ((0, NPAD - N), (0, 0)))
    zD = jnp.zeros((NPAD, D), _f32)

    degp = _deg_call(col_d, jnp.zeros((NPAD,), _f32))
    hs0, dis = _tc1_call(x_pad, W0, degp)
    acc1 = _scat_call(hs0, row_s, col_s, zD)
    hs1 = _mid_call(acc1, dis, b0.reshape(1, D), g0.reshape(1, D),
                    be0.reshape(1, D), W1)
    acc2 = _scat_call(hs1, row_s, col_s, zD)
    out = _fin_call(acc2, dis, b1.reshape(1, D), g1.reshape(1, D),
                    be1.reshape(1, D), batch.reshape(1, N),
                    fc1_W, fc1_b.reshape(1, FC), fc2_W, fc2_b.reshape(1, NC))
    return out

# --- scband reference (transcript-rebuilt; emitter-appended) ---
"""Pipeline reference for scband-mesh-conv-net-75952201663132 (READ-ONLY COPY).

The authoritative reference and input builder live on the scoring server;
editing this copy changes nothing except your own understanding.
"""

import jax, jax.numpy as jnp
import numpy as np

N = 10000
E = 320000
D = 128
FC = 256
NC = 40
G = 16


def setup_inputs(seed: int = 0) -> dict:
    key = jax.random.key(seed)
    ks = jax.random.split(key, 16)
    x = jax.random.normal(ks[0], (N, D), dtype=jnp.float32)
    edge_index = jax.random.randint(ks[1], (2, E), 0, N, dtype=jnp.int32)
    batch = jnp.sort(jax.random.randint(ks[2], (N,), 0, G, dtype=jnp.int32))
    W0 = jax.random.normal(ks[3], (D, D), dtype=jnp.float32) * 0.05
    b0 = jnp.zeros((D,), dtype=jnp.float32)
    g0 = jnp.ones((D,), dtype=jnp.float32)
    be0 = jnp.zeros((D,), dtype=jnp.float32)
    W1 = jax.random.normal(ks[4], (D, D), dtype=jnp.float32) * 0.05
    b1 = jnp.zeros((D,), dtype=jnp.float32)
    g1 = jnp.ones((D,), dtype=jnp.float32)
    be1 = jnp.zeros((D,), dtype=jnp.float32)
    fc1_W = jax.random.normal(ks[5], (D, FC), dtype=jnp.float32) * 0.05
    fc1_b = jnp.zeros((FC,), dtype=jnp.float32)
    fc2_W = jax.random.normal(ks[6], (FC, NC), dtype=jnp.float32) * 0.05
    fc2_b = jnp.zeros((NC,), dtype=jnp.float32)
    return {"x": x, "edge_index": edge_index, "batch": batch,
            "W0": W0, "b0": b0, "g0": g0, "be0": be0,
            "W1": W1, "b1": b1, "g1": g1, "be1": be1,
            "fc1_W": fc1_W, "fc1_b": fc1_b, "fc2_W": fc2_W, "fc2_b": fc2_b}


def _gcn_conv(x, row, col, W, b):
    # GCNConv(add_self_loops=False, normalize=True):
    # h = x @ W; deg over dst (col); sym norm; scatter-add to dst; + bias
    h = x @ W
    deg = jnp.zeros((x.shape[0],), dtype=x.dtype).at[col].add(1.0)
    dis = jnp.where(deg > 0, 1.0 / jnp.sqrt(deg), 0.0)
    norm = dis[row] * dis[col]
    out = jnp.zeros_like(h).at[col].add(norm[:, None] * h[row])
    return out + b


def _batch_norm(x, g, b, eps=1e-5):
    m = jnp.mean(x, axis=0)
    v = jnp.var(x, axis=0)
    return (x - m) / jnp.sqrt(v + eps) * g + b


def reference(x, edge_index, batch, W0, b0, g0, be0, W1, b1, g1, be1, fc1_W, fc1_b, fc2_W, fc2_b):
    row = edge_index[0]
    col = edge_index[1]
    h = jax.nn.relu(_batch_norm(_gcn_conv(x, row, col, W0, b0), g0, be0))
    h = jax.nn.relu(_batch_norm(_gcn_conv(h, row, col, W1, b1), g1, be1))
    # global_mean_pool
    s = jax.ops.segment_sum(h, batch, num_segments=G)
    cnt = jax.ops.segment_sum(jnp.ones((h.shape[0], 1), dtype=h.dtype), batch, num_segments=G)
    pooled = s / jnp.maximum(cnt, 1.0)
    h = jax.nn.relu(pooled @ fc1_W + fc1_b)
    return h @ fc2_W + fc2_b

if __name__ == "__main__":
    import jax
    _d = setup_inputs()
    print(jax.jit(kernel)(*tuple(_d.values())))

</pallas_src>

<mosaic_0001>
#map = affine_map<(d0, d1) -> (0, 0, 0)>
#map1 = affine_map<(d0, d1) -> (0)>
#map2 = affine_map<(d0, d1) -> (0, 0)>
module attributes {stable_mosaic.version = 14 : i64} {
  func.func @_deg_body(%arg0: i32, %arg1: i32, %arg2: memref<32x80x128xi32, #tpu.memory_space<hbm>>, %arg3: memref<10240xf32, #tpu.memory_space<hbm>>, %arg4: memref<32x10240xf32, #tpu.memory_space<hbm>>, %arg5: memref<80x128xi32, #tpu.memory_space<vmem>>, %arg6: memref<10240xf32, #tpu.memory_space<vmem>>, %arg7: memref<!tpu.dma_semaphore, #tpu.memory_space<semaphore_mem>>) attributes {dimension_semantics = [#tpu.dimension_semantics<core_parallel>, #tpu.dimension_semantics<subcore_parallel>], iteration_bounds = array<i64: 2, 16>, scalar_prefetch = 0 : i64, scratch_operands = 3 : i64, tpu.core_type = #tpu.core_type<sc_vector_subcore>, window_params = [{transform_indices = #map}, {transform_indices = #map1}, {transform_indices = #map2}]} {
    %mul3A = arith.constant 16 : i32
    %mul3A_0 = arith.muli %arg0, %mul3A : i32
    %add3A = arith.addi %mul3A_0, %arg1 : i32
    %dma_start3A = arith.constant 0 : i32
    %dma_start3A_1 = arith.constant 0 : i32
    %dma_start3A_2 = tpu.memref_slice %arg2[%add3A, %dma_start3A, %dma_start3A_1] : memref<32x80x128xi32, #tpu.memory_space<hbm>> -> memref<1x80x128xi32, #tpu.memory_space<hbm>>
    %dma_start3A_3 = tpu.memref_squeeze %dma_start3A_2 : memref<1x80x128xi32, #tpu.memory_space<hbm>> -> memref<80x128xi32, #tpu.memory_space<hbm>>
    %dma_start3A_4 = arith.constant 0 : i32
    %dma_start3A_5 = arith.constant 0 : i32
    %dma_start3A_6 = tpu.memref_slice %arg2[%add3A, %dma_start3A_4, %dma_start3A_5] : memref<32x80x128xi32, #tpu.memory_space<hbm>> -> memref<1x80x128xi32, #tpu.memory_space<hbm>>
    %dma_start3A_7 = tpu.memref_squeeze %dma_start3A_6 : memref<1x80x128xi32, #tpu.memory_space<hbm>> -> memref<80x128xi32, #tpu.memory_space<hbm>>
    tpu.enqueue_dma source(%dma_start3A_7 : memref<80x128xi32, #tpu.memory_space<hbm>>) target(%arg5 : memref<80x128xi32, #tpu.memory_space<vmem>>) target_semaphore(%arg7 : memref<!tpu.dma_semaphore, #tpu.memory_space<semaphore_mem>>)
    %dma_wait3A = arith.constant 0 : i32
    %dma_wait3A_8 = arith.constant 0 : i32
    %dma_wait3A_9 = tpu.memref_slice %arg2[%add3A, %dma_wait3A, %dma_wait3A_8] : memref<32x80x128xi32, #tpu.memory_space<hbm>> -> memref<1x80x128xi32, #tpu.memory_space<hbm>>
    %dma_wait3A_10 = tpu.memref_squeeze %dma_wait3A_9 : memref<1x80x128xi32, #tpu.memory_space<hbm>> -> memref<80x128xi32, #tpu.memory_space<hbm>>
    %dma_wait3A_11 = arith.constant 0 : i32
    %dma_wait3A_12 = arith.constant 0 : i32
    %dma_wait3A_13 = tpu.memref_slice %arg2[%add3A, %dma_wait3A_11, %dma_wait3A_12] : memref<32x80x128xi32, #tpu.memory_space<hbm>> -> memref<1x80x128xi32, #tpu.memory_space<hbm>>
    %dma_wait3A_14 = tpu.memref_squeeze %dma_wait3A_13 : memref<1x80x128xi32, #tpu.memory_space<hbm>> -> memref<80x128xi32, #tpu.memory_space<hbm>>
    tpu.wait_dma2 semaphore(%arg7 : memref<!tpu.dma_semaphore, #tpu.memory_space<semaphore_mem>>) src(%dma_wait3A_14 : memref<80x128xi32, #tpu.memory_space<hbm>>) dst(%arg5 : memref<80x128xi32, #tpu.memory_space<vmem>>)
    tpu.enqueue_dma source(%arg3 : memref<10240xf32, #tpu.memory_space<hbm>>) target(%arg6 : memref<10240xf32, #tpu.memory_space<vmem>>) target_semaphore(%arg7 : memref<!tpu.dma_semaphore, #tpu.memory_space<semaphore_mem>>)
    tpu.wait_dma2 semaphore(%arg7 : memref<!tpu.dma_semaphore, #tpu.memory_space<semaphore_mem>>) src(%arg3 : memref<10240xf32, #tpu.memory_space<hbm>>) dst(%arg6 : memref<10240xf32, #tpu.memory_space<vmem>>)
    %broadcast_in_dim3A = arith.constant 1.000000e+00 : f32
    %broadcast_in_dim3A_15 = vector.broadcast %broadcast_in_dim3A : f32 to vector<16xf32>
    %scan3A = arith.constant 0 : i32
    %scan3A_16 = arith.constant 80 : i32
    %scan3A_17 = arith.addi %scan3A, %scan3A_16 : i32
    %scan3A_18 = arith.constant 1 : i32
    scf.for %scan3A_32 = %scan3A to %scan3A_17 step %scan3A_18  : i32 {
      %mul3A_33 = arith.constant 1 : i32
      %mul3A_34 = arith.muli %scan3A_32, %mul3A_33 : i32
      %add3A_35 = arith.constant 0 : i32
      %add3A_36 = arith.addi %add3A_35, %mul3A_34 : i32
      %get3A = arith.index_cast %add3A_36 : i32 to index
      %get3A_37 = arith.constant 0 : index
      %get3A_38 = tpu.vector_load %arg5[%get3A, %get3A_37] {strides = array<i32>} : memref<80x128xi32, #tpu.memory_space<vmem>>, vector<16xi32>,
      tpu.vector_store_idx %arg6[%get3A_38], %broadcast_in_dim3A_15 {add = true} : memref<10240xf32, #tpu.memory_space<vmem>>[vector<16xi32>], vector<16xf32>,
      %get3A_39 = arith.index_cast %add3A_36 : i32 to index
      %get3A_40 = arith.constant 16 : index
      %get3A_41 = tpu.vector_load %arg5[%get3A_39, %get3A_40] {strides = array<i32>} : memref<80x128xi32, #tpu.memory_space<vmem>>, vector<16xi32>,
      tpu.vector_store_idx %arg6[%get3A_41], %broadcast_in_dim3A_15 {add = true} : memref<10240xf32, #tpu.memory_space<vmem>>[vector<16xi32>], vector<16xf32>,
      %get3A_42 = arith.index_cast %add3A_36 : i32 to index
      %get3A_43 = arith.constant 32 : index
      %get3A_44 = tpu.vector_load %arg5[%get3A_42, %get3A_43] {strides = array<i32>} : memref<80x128xi32, #tpu.memory_space<vmem>>, vector<16xi32>,
      tpu.vector_store_idx %arg6[%get3A_44], %broadcast_in_dim3A_15 {add = true} : memref<10240xf32, #tpu.memory_space<vmem>>[vector<16xi32>], vector<16xf32>,
      %get3A_45 = arith.index_cast %add3A_36 : i32 to index
      %get3A_46 = arith.constant 48 : index
      %get3A_47 = tpu.vector_load %arg5[%get3A_45, %get3A_46] {strides = array<i32>} : memref<80x128xi32, #tpu.memory_space<vmem>>, vector<16xi32>,
      tpu.vector_store_idx %arg6[%get3A_47], %broadcast_in_dim3A_15 {add = true} : memref<10240xf32, #tpu.memory_space<vmem>>[vector<16xi32>], vector<16xf32>,
      %get3A_48 = arith.index_cast %add3A_36 : i32 to index
      %get3A_49 = arith.constant 64 : index
      %get3A_50 = tpu.vector_load %arg5[%get3A_48, %get3A_49] {strides = array<i32>} : memref<80x128xi32, #tpu.memory_space<vmem>>, vector<16xi32>,
      tpu.vector_store_idx %arg6[%get3A_50], %broadcast_in_dim3A_15 {add = true} : memref<10240xf32, #tpu.memory_space<vmem>>[vector<16xi32>], vector<16xf32>,
      %get3A_51 = arith.index_cast %add3A_36 : i32 to index
      %get3A_52 = arith.constant 80 : index
      %get3A_53 = tpu.vector_load %arg5[%get3A_51, %get3A_52] {strides = array<i32>} : memref<80x128xi32, #tpu.memory_space<vmem>>, vector<16xi32>,
      tpu.vector_store_idx %arg6[%get3A_53], %broadcast_in_dim3A_15 {add = true} : memref<10240xf32, #tpu.memory_space<vmem>>[vector<16xi32>], vector<16xf32>,
      %get3A_54 = arith.index_cast %add3A_36 : i32 to index
      %get3A_55 = arith.constant 96 : index
      %get3A_56 = tpu.vector_load %arg5[%get3A_54, %get3A_55] {strides = array<i32>} : memref<80x128xi32, #tpu.memory_space<vmem>>, vector<16xi32>,
      tpu.vector_store_idx %arg6[%get3A_56], %broadcast_in_dim3A_15 {add = true} : memref<10240xf32, #tpu.memory_space<vmem>>[vector<16xi32>], vector<16xf32>,
      %get3A_57 = arith.index_cast %add3A_36 : i32 to index
      %get3A_58 = arith.constant 112 : index
      %get3A_59 = tpu.vector_load %arg5[%get3A_57, %get3A_58] {strides = array<i32>} : memref<80x128xi32, #tpu.memory_space<vmem>>, vector<16xi32>,
      tpu.vector_store_idx %arg6[%get3A_59], %broadcast_in_dim3A_15 {add = true} : memref<10240xf32, #tpu.memory_space<vmem>>[vector<16xi32>], vector<16xf32>,
    }
    %scan3A_19 = arith.constant 80 : i32
    %dma_start3A_20 = arith.constant 0 : i32
    %dma_start3A_21 = tpu.memref_slice %arg4[%add3A, %dma_start3A_20] : memref<32x10240xf32, #tpu.memory_space<hbm>> -> memref<1x10240xf32, #tpu.memory_space<hbm>>
    %dma_start3A_22 = tpu.memref_squeeze %dma_start3A_21 : memref<1x10240xf32, #tpu.memory_space<hbm>> -> memref<10240xf32, #tpu.memory_space<hbm>>
    %dma_start3A_23 = arith.constant 0 : i32
    %dma_start3A_24 = tpu.memref_slice %arg4[%add3A, %dma_start3A_23] : memref<32x10240xf32, #tpu.memory_space<hbm>> -> memref<1x10240xf32, #tpu.memory_space<hbm>>
    %dma_start3A_25 = tpu.memref_squeeze %dma_start3A_24 : memref<1x10240xf32, #tpu.memory_space<hbm>> -> memref<10240xf32, #tpu.memory_space<hbm>>
    tpu.enqueue_dma source(%arg6 : memref<10240xf32, #tpu.memory_space<vmem>>) target(%dma_start3A_25 : memref<10240xf32, #tpu.memory_space<hbm>>) target_semaphore(%arg7 : memref<!tpu.dma_semaphore, #tpu.memory_space<semaphore_mem>>)
    %dma_wait3A_26 = arith.constant 0 : i32
    %dma_wait3A_27 = tpu.memref_slice %arg4[%add3A, %dma_wait3A_26] : memref<32x10240xf32, #tpu.memory_space<hbm>> -> memref<1x10240xf32, #tpu.memory_space<hbm>>
    %dma_wait3A_28 = tpu.memref_squeeze %dma_wait3A_27 : memref<1x10240xf32, #tpu.memory_space<hbm>> -> memref<10240xf32, #tpu.memory_space<hbm>>
    %dma_wait3A_29 = arith.constant 0 : i32
    %dma_wait3A_30 = tpu.memref_slice %arg4[%add3A, %dma_wait3A_29] : memref<32x10240xf32, #tpu.memory_space<hbm>> -> memref<1x10240xf32, #tpu.memory_space<hbm>>
    %dma_wait3A_31 = tpu.memref_squeeze %dma_wait3A_30 : memref<1x10240xf32, #tpu.memory_space<hbm>> -> memref<10240xf32, #tpu.memory_space<hbm>>
    tpu.wait_dma2 semaphore(%arg7 : memref<!tpu.dma_semaphore, #tpu.memory_space<semaphore_mem>>) src(%arg6 : memref<10240xf32, #tpu.memory_space<vmem>>) dst(%dma_wait3A_31 : memref<10240xf32, #tpu.memory_space<hbm>>)
    return
  }
}

#map = affine_map<(d0, d1) -> (0, 0)>
#map1 = affine_map<(d0, d1) -> (0, 0, 0)>
module attributes {stable_mosaic.version = 14 : i64} {
  func.func @_scat_body(%arg0: i32, %arg1: i32, %arg2: memref<10240x128xf32, #tpu.memory_space<hbm>>, %arg3: memref<32x80x128xi32, #tpu.memory_space<hbm>>, %arg4: memref<32x80x128xi32, #tpu.memory_space<hbm>>, %arg5: memref<10240x128xf32, #tpu.memory_space<hbm>>, %arg6: memref<2x10240x128xf32, #tpu.memory_space<hbm>>, %arg7: memref<2x8x128xi32, #tpu.memory_space<vmem>>, %arg8: memref<2x8x128xi32, #tpu.memory_space<vmem>>, %arg9: memref<2x128x128xf32, #tpu.memory_space<vmem>>, %arg10: memref<10240x128xf32, #tpu.memory_space<vmem_shared>>, %arg11: memref<2x!tpu.dma_semaphore, #tpu.memory_space<semaphore_mem>>, %arg12: memref<2x!tpu.dma_semaphore, #tpu.memory_space<semaphore_mem>>, %arg13: memref<4x!tpu.dma_semaphore, #tpu.memory_space<semaphore_mem>>) attributes {dimension_semantics = [#tpu.dimension_semantics<core_parallel>, #tpu.dimension_semantics<subcore_parallel>], iteration_bounds = array<i64: 2, 16>, scalar_prefetch = 0 : i64, scratch_operands = 7 : i64, tpu.core_type = #tpu.core_type<sc_vector_subcore>, window_params = [{transform_indices = #map}, {transform_indices = #map1}, {transform_indices = #map1}, {transform_indices = #map}, {transform_indices = #map1}]} {
    %mul3A = arith.constant 16 : i32
    %mul3A_0 = arith.muli %arg0, %mul3A : i32
    %add3A = arith.addi %mul3A_0, %arg1 : i32
    %mul3A_1 = arith.constant 640 : i32
    %mul3A_2 = arith.muli %arg1, %mul3A_1 : i32
    "tpu.region"() ({
      %run_scoped3A = tpu.sem_alloc : memref<!tpu.dma_semaphore, #tpu.memory_space<semaphore_mem>>
      %dma_start3A_82 = arith.constant 0 : i32
      %dma_start3A_83 = tpu.memref_slice %arg10[%mul3A_2, %dma_start3A_82] : memref<10240x128xf32, #tpu.memory_space<vmem_shared>> -> memref<640x128xf32, #tpu.memory_space<vmem_shared>>
      %dma_start3A_84 = arith.constant 0 : i32
      %dma_start3A_85 = tpu.memref_slice %arg5[%mul3A_2, %dma_start3A_84] : memref<10240x128xf32, #tpu.memory_space<hbm>> -> memref<640x128xf32, #tpu.memory_space<hbm>>
      tpu.enqueue_dma source(%dma_start3A_85 : memref<640x128xf32, #tpu.memory_space<hbm>>) target(%dma_start3A_83 : memref<640x128xf32, #tpu.memory_space<vmem_shared>>) target_semaphore(%run_scoped3A : memref<!tpu.dma_semaphore, #tpu.memory_space<semaphore_mem>>)
      %dma_wait3A_86 = arith.constant 0 : i32
      %dma_wait3A_87 = tpu.memref_slice %arg10[%mul3A_2, %dma_wait3A_86] : memref<10240x128xf32, #tpu.memory_space<vmem_shared>> -> memref<640x128xf32, #tpu.memory_space<vmem_shared>>
      %dma_wait3A_88 = arith.constant 0 : i32
      %dma_wait3A_89 = tpu.memref_slice %arg5[%mul3A_2, %dma_wait3A_88] : memref<10240x128xf32, #tpu.memory_space<hbm>> -> memref<640x128xf32, #tpu.memory_space<hbm>>
      tpu.wait_dma2 semaphore(%run_scoped3A : memref<!tpu.dma_semaphore, #tpu.memory_space<semaphore_mem>>) src(%dma_wait3A_89 : memref<640x128xf32, #tpu.memory_space<hbm>>) dst(%dma_wait3A_87 : memref<640x128xf32, #tpu.memory_space<vmem_shared>>)
      tpu.yield
    }) : () -> ()
    %dma_start3A = arith.constant 0 : i32
    %dma_start3A_3 = arith.constant 0 : i32
    %dma_start3A_4 = arith.constant 0 : i32
    %dma_start3A_5 = arith.constant 0 : i32
    %dma_start3A_6 = tpu.memref_slice %arg7[%dma_start3A, %dma_start3A_4, %dma_start3A_5] : memref<2x8x128xi32, #tpu.memory_space<vmem>> -> memref<1x8x128xi32, #tpu.memory_space<vmem>>
    %dma_start3A_7 = tpu.memref_squeeze %dma_start3A_6 : memref<1x8x128xi32, #tpu.memory_space<vmem>> -> memref<8x128xi32, #tpu.memory_space<vmem>>
    %dma_start3A_8 = arith.constant 0 : i32
    %dma_start3A_9 = arith.constant 0 : i32
    %dma_start3A_10 = tpu.memref_slice %arg3[%add3A, %dma_start3A_8, %dma_start3A_9] : memref<32x80x128xi32, #tpu.memory_space<hbm>> -> memref<1x8x128xi32, #tpu.memory_space<hbm>>
    %dma_start3A_11 = tpu.memref_squeeze %dma_start3A_10 : memref<1x8x128xi32, #tpu.memory_space<hbm>> -> memref<8x128xi32, #tpu.memory_space<hbm>>
    %dma_start3A_12 = tpu.memref_slice %arg13[%dma_start3A_3] : memref<4x!tpu.dma_semaphore, #tpu.memory_space<semaphore_mem>> -> memref<1x!tpu.dma_semaphore, #tpu.memory_space<semaphore_mem>>
    %dma_start3A_13 = tpu.memref_squeeze %dma_start3A_12 : memref<1x!tpu.dma_semaphore, #tpu.memory_space<semaphore_mem>> -> memref<!tpu.dma_semaphore, #tpu.memory_space<semaphore_mem>>
    %dma_start3A_14 = arith.constant 0 : i32
    %dma_start3A_15 = arith.constant 0 : i32
    %dma_start3A_16 = tpu.memref_slice %arg7[%dma_start3A, %dma_start3A_14, %dma_start3A_15] : memref<2x8x128xi32, #tpu.memory_space<vmem>> -> memref<1x8x128xi32, #tpu.memory_space<vmem>>
    %dma_start3A_17 = tpu.memref_squeeze %dma_start3A_16 : memref<1x8x128xi32, #tpu.memory_space<vmem>> -> memref<8x128xi32, #tpu.memory_space<vmem>>
    %dma_start3A_18 = arith.constant 0 : i32
    %dma_start3A_19 = arith.constant 0 : i32
    %dma_start3A_20 = tpu.memref_slice %arg3[%add3A, %dma_start3A_18, %dma_start3A_19] : memref<32x80x128xi32, #tpu.memory_space<hbm>> -> memref<1x8x128xi32, #tpu.memory_space<hbm>>
    %dma_start3A_21 = tpu.memref_squeeze %dma_start3A_20 : memref<1x8x128xi32, #tpu.memory_space<hbm>> -> memref<8x128xi32, #tpu.memory_space<hbm>>
    tpu.enqueue_dma source(%dma_start3A_21 : memref<8x128xi32, #tpu.memory_space<hbm>>) target(%dma_start3A_17 : memref<8x128xi32, #tpu.memory_space<vmem>>) target_semaphore(%dma_start3A_13 : memref<!tpu.dma_semaphore, #tpu.memory_space<semaphore_mem>>)
    %dma_start3A_22 = arith.constant 0 : i32
    %dma_start3A_23 = arith.constant 1 : i32
    %dma_start3A_24 = arith.constant 0 : i32
    %dma_start3A_25 = arith.constant 0 : i32
    %dma_start3A_26 = tpu.memref_slice %arg8[%dma_start3A_22, %dma_start3A_24, %dma_start3A_25] : memref<2x8x128xi32, #tpu.memory_space<vmem>> -> memref<1x8x128xi32, #tpu.memory_space<vmem>>
    %dma_start3A_27 = tpu.memref_squeeze %dma_start3A_26 : memref<1x8x128xi32, #tpu.memory_space<vmem>> -> memref<8x128xi32, #tpu.memory_space<vmem>>
    %dma_start3A_28 = arith.constant 0 : i32
    %dma_start3A_29 = arith.constant 0 : i32
    %dma_start3A_30 = tpu.memref_slice %arg4[%add3A, %dma_start3A_28, %dma_start3A_29] : memref<32x80x128xi32, #tpu.memory_space<hbm>> -> memref<1x8x128xi32, #tpu.memory_space<hbm>>
    %dma_start3A_31 = tpu.memref_squeeze %dma_start3A_30 : memref<1x8x128xi32, #tpu.memory_space<hbm>> -> memref<8x128xi32, #tpu.memory_space<hbm>>
    %dma_start3A_32 = tpu.memref_slice %arg13[%dma_start3A_23] : memref<4x!tpu.dma_semaphore, #tpu.memory_space<semaphore_mem>> -> memref<1x!tpu.dma_semaphore, #tpu.memory_space<semaphore_mem>>
    %dma_start3A_33 = tpu.memref_squeeze %dma_start3A_32 : memref<1x!tpu.dma_semaphore, #tpu.memory_space<semaphore_mem>> -> memref<!tpu.dma_semaphore, #tpu.memory_space<semaphore_mem>>
    %dma_start3A_34 = arith.constant 0 : i32
    %dma_start3A_35 = arith.constant 0 : i32
    %dma_start3A_36 = tpu.memref_slice %arg8[%dma_start3A_22, %dma_start3A_34, %dma_start3A_35] : memref<2x8x128xi32, #tpu.memory_space<vmem>> -> memref<1x8x128xi32, #tpu.memory_space<vmem>>
    %dma_start3A_37 = tpu.memref_squeeze %dma_start3A_36 : memref<1x8x128xi32, #tpu.memory_space<vmem>> -> memref<8x128xi32, #tpu.memory_space<vmem>>
    %dma_start3A_38 = arith.constant 0 : i32
    %dma_start3A_39 = arith.constant 0 : i32
    %dma_start3A_40 = tpu.memref_slice %arg4[%add3A, %dma_start3A_38, %dma_start3A_39] : memref<32x80x128xi32, #tpu.memory_space<hbm>> -> memref<1x8x128xi32, #tpu.memory_space<hbm>>
    %dma_start3A_41 = tpu.memref_squeeze %dma_start3A_40 : memref<1x8x128xi32, #tpu.memory_space<hbm>> -> memref<8x128xi32, #tpu.memory_space<hbm>>
    tpu.enqueue_dma source(%dma_start3A_41 : memref<8x128xi32, #tpu.memory_space<hbm>>) target(%dma_start3A_37 : memref<8x128xi32, #tpu.memory_space<vmem>>) target_semaphore(%dma_start3A_33 : memref<!tpu.dma_semaphore, #tpu.memory_space<semaphore_mem>>)
    %barrier3A = arith.constant 0 : index
    tpu.barrier barrier_id(%barrier3A)
    %scan3A = arith.constant 0 : i32
    %scan3A_42 = arith.constant 10 : i32
    %scan3A_43 = arith.addi %scan3A, %scan3A_42 : i32
    %scan3A_44 = arith.constant 1 : i32
    scf.for %scan3A_82 = %scan3A to %scan3A_43 step %scan3A_44  : i32 {
      %mul3A_83 = arith.constant 1 : i32
      %mul3A_84 = arith.muli %scan3A_82, %mul3A_83 : i32
      %add3A_85 = arith.constant 0 : i32
      %add3A_86 = arith.addi %add3A_85, %mul3A_84 : i32
      %jit3A = arith.constant 2 : i32
      %eq3A = arith.constant 0 : i32
      %eq3A_87 = arith.cmpi eq, %jit3A, %eq3A : i32
      %jit3A_88 = arith.constant 1 : i32
      %select_n3A = arith.select %eq3A_87, %jit3A_88, %jit3A : i32
      %rem3A = arith.remsi %add3A_86, %select_n3A : i32
      %ne3A = arith.constant 0 : i32
      %ne3A_89 = arith.cmpi ne, %rem3A, %ne3A : i32
      %lt3A = arith.constant 0 : i32
      %lt3A_90 = arith.cmpi slt, %rem3A, %lt3A : i32
      %lt3A_91 = arith.constant 0 : i32
      %lt3A_92 = arith.cmpi slt, %select_n3A, %lt3A_91 : i32
      %ne3A_93 = arith.xori %lt3A_90, %lt3A_92 : i1
      %and3A = arith.andi %ne3A_93, %ne3A_89 : i1
      %add3A_94 = arith.addi %rem3A, %select_n3A : i32
      %select_n3A_95 = arith.select %and3A, %add3A_94, %rem3A : i32
      %add3A_96 = arith.constant 1 : i32
      %add3A_97 = arith.addi %add3A_86, %add3A_96 : i32
      %lt3A_98 = arith.constant 10 : i32
      %lt3A_99 = arith.cmpi slt, %add3A_97, %lt3A_98 : i32
      %convert_element_type3A = arith.extui %lt3A_99 : i1 to i32
      %cond3A = arith.constant 0 : i32
      %cond3A_100 = arith.cmpi ne, %convert_element_type3A, %cond3A : i32
      scf.if %cond3A_100 {
        %add3A_146 = arith.constant 1 : i32
        %add3A_147 = arith.addi %add3A_86, %add3A_146 : i32
        %jit3A_148 = arith.constant 2 : i32
        %eq3A_149 = arith.constant 0 : i32
        %eq3A_150 = arith.cmpi eq, %jit3A_148, %eq3A_149 : i32
        %jit3A_151 = arith.constant 1 : i32
        %select_n3A_152 = arith.select %eq3A_150, %jit3A_151, %jit3A_148 : i32
        %rem3A_153 = arith.remsi %add3A_147, %select_n3A_152 : i32
        %ne3A_154 = arith.constant 0 : i32
        %ne3A_155 = arith.cmpi ne, %rem3A_153, %ne3A_154 : i32
        %lt3A_156 = arith.constant 0 : i32
        %lt3A_157 = arith.cmpi slt, %rem3A_153, %lt3A_156 : i32
        %lt3A_158 = arith.constant 0 : i32
        %lt3A_159 = arith.cmpi slt, %select_n3A_152, %lt3A_158 : i32
        %ne3A_160 = arith.xori %lt3A_157, %lt3A_159 : i1
        %and3A_161 = arith.andi %ne3A_160, %ne3A_155 : i1
        %add3A_162 = arith.addi %rem3A_153, %select_n3A_152 : i32
        %select_n3A_163 = arith.select %and3A_161, %add3A_162, %rem3A_153 : i32
        %add3A_164 = arith.constant 1 : i32
        %add3A_165 = arith.addi %add3A_86, %add3A_164 : i32
        %mul3A_166 = arith.constant 8 : i32
        %mul3A_167 = arith.muli %add3A_165, %mul3A_166 : i32
        %mul3A_168 = arith.constant 2 : i32
        %mul3A_169 = arith.muli %mul3A_168, %select_n3A_163 : i32
        %dma_start3A_170 = arith.constant 0 : i32
        %dma_start3A_171 = arith.constant 0 : i32
        %dma_start3A_172 = tpu.memref_slice %arg7[%select_n3A_163, %dma_start3A_170, %dma_start3A_171] : memref<2x8x128xi32, #tpu.memory_space<vmem>> -> memref<1x8x128xi32, #tpu.memory_space<vmem>>
        %dma_start3A_173 = tpu.memref_squeeze %dma_start3A_172 : memref<1x8x128xi32, #tpu.memory_space<vmem>> -> memref<8x128xi32, #tpu.memory_space<vmem>>
        %dma_start3A_174 = arith.constant 0 : i32
        %dma_start3A_175 = tpu.memref_slice %arg3[%add3A, %mul3A_167, %dma_start3A_174] : memref<32x80x128xi32, #tpu.memory_space<hbm>> -> memref<1x8x128xi32, #tpu.memory_space<hbm>>
        %dma_start3A_176 = tpu.memref_squeeze %dma_start3A_175 : memref<1x8x128xi32, #tpu.memory_space<hbm>> -> memref<8x128xi32, #tpu.memory_space<hbm>>
        %dma_start3A_177 = tpu.memref_slice %arg13[%mul3A_169] : memref<4x!tpu.dma_semaphore, #tpu.memory_space<semaphore_mem>> -> memref<1x!tpu.dma_semaphore, #tpu.memory_space<semaphore_mem>>
        %dma_start3A_178 = tpu.memref_squeeze %dma_start3A_177 : memref<1x!tpu.dma_semaphore, #tpu.memory_space<semaphore_mem>> -> memref<!tpu.dma_semaphore, #tpu.memory_space<semaphore_mem>>
        %dma_start3A_179 = arith.constant 0 : i32
        %dma_start3A_180 = arith.constant 0 : i32
        %dma_start3A_181 = tpu.memref_slice %arg7[%select_n3A_163, %dma_start3A_179, %dma_start3A_180] : memref<2x8x128xi32, #tpu.memory_space<vmem>> -> memref<1x8x128xi32, #tpu.memory_space<vmem>>
        %dma_start3A_182 = tpu.memref_squeeze %dma_start3A_181 : memref<1x8x128xi32, #tpu.memory_space<vmem>> -> memref<8x128xi32, #tpu.memory_space<vmem>>
        %dma_start3A_183 = arith.constant 0 : i32
        %dma_start3A_184 = tpu.memref_slice %arg3[%add3A, %mul3A_167, %dma_start3A_183] : memref<32x80x128xi32, #tpu.memory_space<hbm>> -> memref<1x8x128xi32, #tpu.memory_space<hbm>>
        %dma_start3A_185 = tpu.memref_squeeze %dma_start3A_184 : memref<1x8x128xi32, #tpu.memory_space<hbm>> -> memref<8x128xi32, #tpu.memory_space<hbm>>
        tpu.enqueue_dma source(%dma_start3A_185 : memref<8x128xi32, #tpu.memory_space<hbm>>) target(%dma_start3A_182 : memref<8x128xi32, #tpu.memory_space<vmem>>) target_semaphore(%dma_start3A_178 : memref<!tpu.dma_semaphore, #tpu.memory_space<semaphore_mem>>)
        %mul3A_186 = arith.constant 2 : i32
        %mul3A_187 = arith.muli %mul3A_186, %select_n3A_163 : i32
        %add3A_188 = arith.constant 1 : i32
        %add3A_189 = arith.addi %mul3A_187, %add3A_188 : i32
        %dma_start3A_190 = arith.constant 0 : i32
        %dma_start3A_191 = arith.constant 0 : i32
        %dma_start3A_192 = tpu.memref_slice %arg8[%select_n3A_163, %dma_start3A_190, %dma_start3A_191] : memref<2x8x128xi32, #tpu.memory_space<vmem>> -> memref<1x8x128xi32, #tpu.memory_space<vmem>>
        %dma_start3A_193 = tpu.memref_squeeze %dma_start3A_192 : memref<1x8x128xi32, #tpu.memory_space<vmem>> -> memref<8x128xi32, #tpu.memory_space<vmem>>
        %dma_start3A_194 = arith.constant 0 : i32
        %dma_start3A_195 = tpu.memref_slice %arg4[%add3A, %mul3A_167, %dma_start3A_194] : memref<32x80x128xi32, #tpu.memory_space<hbm>> -> memref<1x8x128xi32, #tpu.memory_space<hbm>>
        %dma_start3A_196 = tpu.memref_squeeze %dma_start3A_195 : memref<1x8x128xi32, #tpu.memory_space<hbm>> -> memref<8x128xi32, #tpu.memory_space<hbm>>
        %dma_start3A_197 = tpu.memref_slice %arg13[%add3A_189] : memref<4x!tpu.dma_semaphore, #tpu.memory_space<semaphore_mem>> -> memref<1x!tpu.dma_semaphore, #tpu.memory_space<semaphore_mem>>
        %dma_start3A_198 = tpu.memref_squeeze %dma_start3A_197 : memref<1x!tpu.dma_semaphore, #tpu.memory_space<semaphore_mem>> -> memref<!tpu.dma_semaphore, #tpu.memory_space<semaphore_mem>>
        %dma_start3A_199 = arith.constant 0 : i32
        %dma_start3A_200 = arith.constant 0 : i32
        %dma_start3A_201 = tpu.memref_slice %arg8[%select_n3A_163, %dma_start3A_199, %dma_start3A_200] : memref<2x8x128xi32, #tpu.memory_space<vmem>> -> memref<1x8x128xi32, #tpu.memory_space<vmem>>
        %dma_start3A_202 = tpu.memref_squeeze %dma_start3A_201 : memref<1x8x128xi32, #tpu.memory_space<vmem>> -> memref<8x128xi32, #tpu.memory_space<vmem>>
        %dma_start3A_203 = arith.constant 0 : i32
        %dma_start3A_204 = tpu.memref_slice %arg4[%add3A, %mul3A_167, %dma_start3A_203] : memref<32x80x128xi32, #tpu.memory_space<hbm>> -> memref<1x8x128xi32, #tpu.memory_space<hbm>>
        %dma_start3A_205 = tpu.memref_squeeze %dma_start3A_204 : memref<1x8x128xi32, #tpu.memory_space<hbm>> -> memref<8x128xi32, #tpu.memory_space<hbm>>
        tpu.enqueue_dma source(%dma_start3A_205 : memref<8x128xi32, #tpu.memory_space<hbm>>) target(%dma_start3A_202 : memref<8x128xi32, #tpu.memory_space<vmem>>) target_semaphore(%dma_start3A_198 : memref<!tpu.dma_semaphore, #tpu.memory_space<semaphore_mem>>)
      } else {
      }
      %mul3A_101 = arith.constant 8 : i32
      %mul3A_102 = arith.muli %add3A_86, %mul3A_101 : i32
      %mul3A_103 = arith.constant 2 : i32
      %mul3A_104 = arith.muli %mul3A_103, %select_n3A_95 : i32
      %dma_wait3A_105 = arith.constant 0 : i32
      %dma_wait3A_106 = arith.constant 0 : i32
      %dma_wait3A_107 = tpu.memref_slice %arg7[%select_n3A_95, %dma_wait3A_105, %dma_wait3A_106] : memref<2x8x128xi32, #tpu.memory_space<vmem>> -> memref<1x8x128xi32, #tpu.memory_space<vmem>>
      %dma_wait3A_108 = tpu.memref_squeeze %dma_wait3A_107 : memref<1x8x128xi32, #tpu.memory_space<vmem>> -> memref<8x128xi32, #tpu.memory_space<vmem>>
      %dma_wait3A_109 = arith.constant 0 : i32
      %dma_wait3A_110 = tpu.memref_slice %arg3[%add3A, %mul3A_102, %dma_wait3A_109] : memref<32x80x128xi32, #tpu.memory_space<hbm>> -> memref<1x8x128xi32, #tpu.memory_space<hbm>>
      %dma_wait3A_111 = tpu.memref_squeeze %dma_wait3A_110 : memref<1x8x128xi32, #tpu.memory_space<hbm>> -> memref<8x128xi32, #tpu.memory_space<hbm>>
      %dma_wait3A_112 = tpu.memref_slice %arg13[%mul3A_104] : memref<4x!tpu.dma_semaphore, #tpu.memory_space<semaphore_mem>> -> memref<1x!tpu.dma_semaphore, #tpu.memory_space<semaphore_mem>>
      %dma_wait3A_113 = tpu.memref_squeeze %dma_wait3A_112 : memref<1x!tpu.dma_semaphore, #tpu.memory_space<semaphore_mem>> -> memref<!tpu.dma_semaphore, #tpu.memory_space<semaphore_mem>>
      %dma_wait3A_114 = arith.constant 0 : i32
      %dma_wait3A_115 = arith.constant 0 : i32
      %dma_wait3A_116 = tpu.memref_slice %arg7[%select_n3A_95, %dma_wait3A_114, %dma_wait3A_115] : memref<2x8x128xi32, #tpu.memory_space<vmem>> -> memref<1x8x128xi32, #tpu.memory_space<vmem>>
      %dma_wait3A_117 = tpu.memref_squeeze %dma_wait3A_116 : memref<1x8x128xi32, #tpu.memory_space<vmem>> -> memref<8x128xi32, #tpu.memory_space<vmem>>
      %dma_wait3A_118 = arith.constant 0 : i32
      %dma_wait3A_119 = tpu.memref_slice %arg3[%add3A, %mul3A_102, %dma_wait3A_118] : memref<32x80x128xi32, #tpu.memory_space<hbm>> -> memref<1x8x128xi32, #tpu.memory_space<hbm>>
      %dma_wait3A_120 = tpu.memref_squeeze %dma_wait3A_119 : memref<1x8x128xi32, #tpu.memory_space<hbm>> -> memref<8x128xi32, #tpu.memory_space<hbm>>
      tpu.wait_dma2 semaphore(%dma_wait3A_113 : memref<!tpu.dma_semaphore, #tpu.memory_space<semaphore_mem>>) src(%dma_wait3A_120 : memref<8x128xi32, #tpu.memory_space<hbm>>) dst(%dma_wait3A_117 : memref<8x128xi32, #tpu.memory_space<vmem>>)
      %mul3A_121 = arith.constant 2 : i32
      %mul3A_122 = arith.muli %mul3A_121, %select_n3A_95 : i32
      %add3A_123 = arith.constant 1 : i32
      %add3A_124 = arith.addi %mul3A_122, %add3A_123 : i32
      %dma_wait3A_125 = arith.constant 0 : i32
      %dma_wait3A_126 = arith.constant 0 : i32
      %dma_wait3A_127 = tpu.memref_slice %arg8[%select_n3A_95, %dma_wait3A_125, %dma_wait3A_126] : memref<2x8x128xi32, #tpu.memory_space<vmem>> -> memref<1x8x128xi32, #tpu.memory_space<vmem>>
      %dma_wait3A_128 = tpu.memref_squeeze %dma_wait3A_127 : memref<1x8x128xi32, #tpu.memory_space<vmem>> -> memref<8x128xi32, #tpu.memory_space<vmem>>
      %dma_wait3A_129 = arith.constant 0 : i32
      %dma_wait3A_130 = tpu.memref_slice %arg4[%add3A, %mul3A_102, %dma_wait3A_129] : memref<32x80x128xi32, #tpu.memory_space<hbm>> -> memref<1x8x128xi32, #tpu.memory_space<hbm>>
      %dma_wait3A_131 = tpu.memref_squeeze %dma_wait3A_130 : memref<1x8x128xi32, #tpu.memory_space<hbm>> -> memref<8x128xi32, #tpu.memory_space<hbm>>
      %dma_wait3A_132 = tpu.memref_slice %arg13[%add3A_124] : memref<4x!tpu.dma_semaphore, #tpu.memory_space<semaphore_mem>> -> memref<1x!tpu.dma_semaphore, #tpu.memory_space<semaphore_mem>>
      %dma_wait3A_133 = tpu.memref_squeeze %dma_wait3A_132 : memref<1x!tpu.dma_semaphore, #tpu.memory_space<semaphore_mem>> -> memref<!tpu.dma_semaphore, #tpu.memory_space<semaphore_mem>>
      %dma_wait3A_134 = arith.constant 0 : i32
      %dma_wait3A_135 = arith.constant 0 : i32
      %dma_wait3A_136 = tpu.memref_slice %arg8[%select_n3A_95, %dma_wait3A_134, %dma_wait3A_135] : memref<2x8x128xi32, #tpu.memory_space<vmem>> -> memref<1x8x128xi32, #tpu.memory_space<vmem>>
      %dma_wait3A_137 = tpu.memref_squeeze %dma_wait3A_136 : memref<1x8x128xi32, #tpu.memory_space<vmem>> -> memref<8x128xi32, #tpu.memory_space<vmem>>
      %dma_wait3A_138 = arith.constant 0 : i32
      %dma_wait3A_139 = tpu.memref_slice %arg4[%add3A, %mul3A_102, %dma_wait3A_138] : memref<32x80x128xi32, #tpu.memory_space<hbm>> -> memref<1x8x128xi32, #tpu.memory_space<hbm>>
      %dma_wait3A_140 = tpu.memref_squeeze %dma_wait3A_139 : memref<1x8x128xi32, #tpu.memory_space<hbm>> -> memref<8x128xi32, #tpu.memory_space<hbm>>
      tpu.wait_dma2 semaphore(%dma_wait3A_133 : memref<!tpu.dma_semaphore, #tpu.memory_space<semaphore_mem>>) src(%dma_wait3A_140 : memref<8x128xi32, #tpu.memory_space<hbm>>) dst(%dma_wait3A_137 : memref<8x128xi32, #tpu.memory_space<vmem>>)
      %scan3A_141 = arith.constant 0 : i32
      %scan3A_142 = arith.constant 4 : i32
      %scan3A_143 = arith.addi %scan3A_141, %scan3A_142 : i32
      %scan3A_144 = arith.constant 1 : i32
      scf.for %scan3A_146 = %scan3A_141 to %scan3A_143 step %scan3A_144  : i32 {
        %mul3A_147 = arith.constant 1 : i32
        %mul3A_148 = arith.muli %scan3A_146, %mul3A_147 : i32
        %add3A_149 = arith.constant 0 : i32
        %add3A_150 = arith.addi %add3A_149, %mul3A_148 : i32
        %gt3A = arith.constant 0 : i32
        %gt3A_151 = arith.cmpi sgt, %add3A_86, %gt3A : i32
        %gt3A_152 = arith.constant 0 : i32
        %gt3A_153 = arith.cmpi sgt, %add3A_150, %gt3A_152 : i32
        %or3A = arith.ori %gt3A_151, %gt3A_153 : i1
        %convert_element_type3A_154 = arith.extui %or3A : i1 to i32
        %cond3A_155 = arith.constant 0 : i32
        %cond3A_156 = arith.cmpi ne, %convert_element_type3A_154, %cond3A_155 : i32
        scf.if %cond3A_156 {
          %mul3A_265 = arith.constant 2 : i32
          %mul3A_266 = arith.muli %add3A_150, %mul3A_265 : i32
          %add3A_267 = arith.constant 0 : i32
          %add3A_268 = arith.addi %mul3A_266, %add3A_267 : i32
          %dma_wait3A_269 = arith.constant 0 : i32
          %dma_wait3A_270 = arith.constant 0 : i32
          %dma_wait3A_271 = arith.constant 0 : i32
          %dma_wait3A_272 = arith.constant 0 : i32
          %dma_wait3A_273 = tpu.memref_slice %arg9[%dma_wait3A_269, %dma_wait3A_271, %dma_wait3A_272] : memref<2x128x128xf32, #tpu.memory_space<vmem>> -> memref<1x128x128xf32, #tpu.memory_space<vmem>>
          %dma_wait3A_274 = tpu.memref_squeeze %dma_wait3A_273 : memref<1x128x128xf32, #tpu.memory_space<vmem>> -> memref<128x128xf32, #tpu.memory_space<vmem>>
          %dma_wait3A_275 = arith.constant 0 : i32
          %dma_wait3A_276 = tpu.memref_slice %arg8[%select_n3A_95, %add3A_268, %dma_wait3A_275] : memref<2x8x128xi32, #tpu.memory_space<vmem>> -> memref<1x1x128xi32, #tpu.memory_space<vmem>>
          %dma_wait3A_277 = tpu.memref_squeeze %dma_wait3A_276 : memref<1x1x128xi32, #tpu.memory_space<vmem>> -> memref<128xi32, #tpu.memory_space<vmem>>
          %dma_wait3A_278 = arith.constant 0 : i32
          %dma_wait3A_279 = arith.constant 0 : i32
          %dma_wait3A_280 = tpu.memref_slice %arg10[%dma_wait3A_278, %dma_wait3A_279] : memref<10240x128xf32, #tpu.memory_space<vmem_shared>> -> memref<10240x128xf32, #tpu.memory_space<vmem_shared>>
          %dma_wait3A_281 = tpu.memref_slice %arg12[%dma_wait3A_270] : memref<2x!tpu.dma_semaphore, #tpu.memory_space<semaphore_mem>> -> memref<1x!tpu.dma_semaphore, #tpu.memory_space<semaphore_mem>>
          %dma_wait3A_282 = tpu.memref_squeeze %dma_wait3A_281 : memref<1x!tpu.dma_semaphore, #tpu.memory_space<semaphore_mem>> -> memref<!tpu.dma_semaphore, #tpu.memory_space<semaphore_mem>>
          tpu.wait_indirect_dma semaphore(%dma_wait3A_282 : memref<!tpu.dma_semaphore, #tpu.memory_space<semaphore_mem>>) src(%dma_wait3A_274 : memref<128x128xf32, #tpu.memory_space<vmem>>) dst(%dma_wait3A_280 : memref<10240x128xf32, #tpu.memory_space<vmem_shared>>)
        } else {
        }
        %mul3A_157 = arith.constant 2 : i32
        %mul3A_158 = arith.muli %add3A_150, %mul3A_157 : i32
        %add3A_159 = arith.constant 0 : i32
        %add3A_160 = arith.addi %mul3A_158, %add3A_159 : i32
        %dma_start3A_161 = arith.constant 0 : i32
        %dma_start3A_162 = arith.constant 0 : i32
        %dma_start3A_163 = arith.constant 0 : i32
        %dma_start3A_164 = arith.constant 0 : i32
        %dma_start3A_165 = tpu.memref_slice %arg9[%dma_start3A_161, %dma_start3A_163, %dma_start3A_164] : memref<2x128x128xf32, #tpu.memory_space<vmem>> -> memref<1x128x128xf32, #tpu.memory_space<vmem>>
        %dma_start3A_166 = tpu.memref_squeeze %dma_start3A_165 : memref<1x128x128xf32, #tpu.memory_space<vmem>> -> memref<128x128xf32, #tpu.memory_space<vmem>>
        %dma_start3A_167 = arith.constant 0 : i32
        %dma_start3A_168 = tpu.memref_slice %arg7[%select_n3A_95, %add3A_160, %dma_start3A_167] : memref<2x8x128xi32, #tpu.memory_space<vmem>> -> memref<1x1x128xi32, #tpu.memory_space<vmem>>
        %dma_start3A_169 = tpu.memref_squeeze %dma_start3A_168 : memref<1x1x128xi32, #tpu.memory_space<vmem>> -> memref<128xi32, #tpu.memory_space<vmem>>
        %dma_start3A_170 = arith.constant 0 : i32
        %dma_start3A_171 = arith.constant 0 : i32
        %dma_start3A_172 = tpu.memref_slice %arg2[%dma_start3A_170, %dma_start3A_171] : memref<10240x128xf32, #tpu.memory_space<hbm>> -> memref<10240x128xf32, #tpu.memory_space<hbm>>
        %dma_start3A_173 = tpu.memref_slice %arg11[%dma_start3A_162] : memref<2x!tpu.dma_semaphore, #tpu.memory_space<semaphore_mem>> -> memref<1x!tpu.dma_semaphore, #tpu.memory_space<semaphore_mem>>
        %dma_start3A_174 = tpu.memref_squeeze %dma_start3A_173 : memref<1x!tpu.dma_semaphore, #tpu.memory_space<semaphore_mem>> -> memref<!tpu.dma_semaphore, #tpu.memory_space<semaphore_mem>>
        tpu.enqueue_indirect_dma source(%dma_start3A_172 : memref<10240x128xf32, #tpu.memory_space<hbm>>) target(%dma_start3A_166 : memref<128x128xf32, #tpu.memory_space<vmem>>) offsets(%dma_start3A_169 : memref<128xi32, #tpu.memory_space<vmem>>) semaphore(%dma_start3A_174 : memref<!tpu.dma_semaphore, #tpu.memory_space<semaphore_mem>>)
        %gt3A_175 = arith.constant 0 : i32
        %gt3A_176 = arith.cmpi sgt, %add3A_86, %gt3A_175 : i32
        %gt3A_177 = arith.constant 0 : i32
        %gt3A_178 = arith.cmpi sgt, %add3A_150, %gt3A_177 : i32
        %or3A_179 = arith.ori %gt3A_176, %gt3A_178 : i1
        %convert_element_type3A_180 = arith.extui %or3A_179 : i1 to i32
        %cond3A_181 = arith.constant 0 : i32
        %cond3A_182 = arith.cmpi ne, %convert_element_type3A_180, %cond3A_181 : i32
        scf.if %cond3A_182 {
          %mul3A_265 = arith.constant 2 : i32
          %mul3A_266 = arith.muli %add3A_150, %mul3A_265 : i32
          %add3A_267 = arith.constant 1 : i32
          %add3A_268 = arith.addi %mul3A_266, %add3A_267 : i32
          %dma_wait3A_269 = arith.constant 1 : i32
          %dma_wait3A_270 = arith.constant 1 : i32
          %dma_wait3A_271 = arith.constant 0 : i32
          %dma_wait3A_272 = arith.constant 0 : i32
          %dma_wait3A_273 = tpu.memref_slice %arg9[%dma_wait3A_269, %dma_wait3A_271, %dma_wait3A_272] : memref<2x128x128xf32, #tpu.memory_space<vmem>> -> memref<1x128x128xf32, #tpu.memory_space<vmem>>
          %dma_wait3A_274 = tpu.memref_squeeze %dma_wait3A_273 : memref<1x128x128xf32, #tpu.memory_space<vmem>> -> memref<128x128xf32, #tpu.memory_space<vmem>>
          %dma_wait3A_275 = arith.constant 0 : i32
          %dma_wait3A_276 = tpu.memref_slice %arg8[%select_n3A_95, %add3A_268, %dma_wait3A_275] : memref<2x8x128xi32, #tpu.memory_space<vmem>> -> memref<1x1x128xi32, #tpu.memory_space<vmem>>
          %dma_wait3A_277 = tpu.memref_squeeze %dma_wait3A_276 : memref<1x1x128xi32, #tpu.memory_space<vmem>> -> memref<128xi32, #tpu.memory_space<vmem>>
          %dma_wait3A_278 = arith.constant 0 : i32
          %dma_wait3A_279 = arith.constant 0 : i32
          %dma_wait3A_280 = tpu.memref_slice %arg10[%dma_wait3A_278, %dma_wait3A_279] : memref<10240x128xf32, #tpu.memory_space<vmem_shared>> -> memref<10240x128xf32, #tpu.memory_space<vmem_shared>>
          %dma_wait3A_281 = tpu.memref_slice %arg12[%dma_wait3A_270] : memref<2x!tpu.dma_semaphore, #tpu.memory_space<semaphore_mem>> -> memref<1x!tpu.dma_semaphore, #tpu.memory_space<semaphore_mem>>
          %dma_wait3A_282 = tpu.memref_squeeze %dma_wait3A_281 : memref<1x!tpu.dma_semaphore, #tpu.memory_space<semaphore_mem>> -> memref<!tpu.dma_semaphore, #tpu.memory_space<semaphore_mem>>
          tpu.wait_indirect_dma semaphore(%dma_wait3A_282 : memref<!tpu.dma_semaphore, #tpu.memory_space<semaphore_mem>>) src(%dma_wait3A_274 : memref<128x128xf32, #tpu.memory_space<vmem>>) dst(%dma_wait3A_280 : memref<10240x128xf32, #tpu.memory_space<vmem_shared>>)
        } else {
        }
        %mul3A_183 = arith.constant 2 : i32
        %mul3A_184 = arith.muli %add3A_150, %mul3A_183 : i32
        %add3A_185 = arith.constant 1 : i32
        %add3A_186 = arith.addi %mul3A_184, %add3A_185 : i32
        %dma_start3A_187 = arith.constant 1 : i32
        %dma_start3A_188 = arith.constant 1 : i32
        %dma_start3A_189 = arith.constant 0 : i32
        %dma_start3A_190 = arith.constant 0 : i32
        %dma_start3A_191 = tpu.memref_slice %arg9[%dma_start3A_187, %dma_start3A_189, %dma_start3A_190] : memref<2x128x128xf32, #tpu.memory_space<vmem>> -> memref<1x128x128xf32, #tpu.memory_space<vmem>>
        %dma_start3A_192 = tpu.memref_squeeze %dma_start3A_191 : memref<1x128x128xf32, #tpu.memory_space<vmem>> -> memref<128x128xf32, #tpu.memory_space<vmem>>
        %dma_start3A_193 = arith.constant 0 : i32
        %dma_start3A_194 = tpu.memref_slice %arg7[%select_n3A_95, %add3A_186, %dma_start3A_193] : memref<2x8x128xi32, #tpu.memory_space<vmem>> -> memref<1x1x128xi32, #tpu.memory_space<vmem>>
        %dma_start3A_195 = tpu.memref_squeeze %dma_start3A_194 : memref<1x1x128xi32, #tpu.memory_space<vmem>> -> memref<128xi32, #tpu.memory_space<vmem>>
        %dma_start3A_196 = arith.constant 0 : i32
        %dma_start3A_197 = arith.constant 0 : i32
        %dma_start3A_198 = tpu.memref_slice %arg2[%dma_start3A_196, %dma_start3A_197] : memref<10240x128xf32, #tpu.memory_space<hbm>> -> memref<10240x128xf32, #tpu.memory_space<hbm>>
        %dma_start3A_199 = tpu.memref_slice %arg11[%dma_start3A_188] : memref<2x!tpu.dma_semaphore, #tpu.memory_space<semaphore_mem>> -> memref<1x!tpu.dma_semaphore, #tpu.memory_space<semaphore_mem>>
        %dma_start3A_200 = tpu.memref_squeeze %dma_start3A_199 : memref<1x!tpu.dma_semaphore, #tpu.memory_space<semaphore_mem>> -> memref<!tpu.dma_semaphore, #tpu.memory_space<semaphore_mem>>
        tpu.enqueue_indirect_dma source(%dma_start3A_198 : memref<10240x128xf32, #tpu.memory_space<hbm>>) target(%dma_start3A_192 : memref<128x128xf32, #tpu.memory_space<vmem>>) offsets(%dma_start3A_195 : memref<128xi32, #tpu.memory_space<vmem>>) semaphore(%dma_start3A_200 : memref<!tpu.dma_semaphore, #tpu.memory_space<semaphore_mem>>)
        %dma_wait3A_201 = arith.constant 0 : i32
        %dma_wait3A_202 = arith.constant 0 : i32
        %dma_wait3A_203 = arith.constant 0 : i32
        %dma_wait3A_204 = arith.constant 0 : i32
        %dma_wait3A_205 = tpu.memref_slice %arg9[%dma_wait3A_201, %dma_wait3A_203, %dma_wait3A_204] : memref<2x128x128xf32, #tpu.memory_space<vmem>> -> memref<1x128x128xf32, #tpu.memory_space<vmem>>
        %dma_wait3A_206 = tpu.memref_squeeze %dma_wait3A_205 : memref<1x128x128xf32, #tpu.memory_space<vmem>> -> memref<128x128xf32, #tpu.memory_space<vmem>>
        %dma_wait3A_207 = arith.constant 0 : i32
        %dma_wait3A_208 = tpu.memref_slice %arg7[%select_n3A_95, %add3A_160, %dma_wait3A_207] : memref<2x8x128xi32, #tpu.memory_space<vmem>> -> memref<1x1x128xi32, #tpu.memory_space<vmem>>
        %dma_wait3A_209 = tpu.memref_squeeze %dma_wait3A_208 : memref<1x1x128xi32, #tpu.memory_space<vmem>> -> memref<128xi32, #tpu.memory_space<vmem>>
        %dma_wait3A_210 = arith.constant 0 : i32
        %dma_wait3A_211 = arith.constant 0 : i32
        %dma_wait3A_212 = tpu.memref_slice %arg2[%dma_wait3A_210, %dma_wait3A_211] : memref<10240x128xf32, #tpu.memory_space<hbm>> -> memref<10240x128xf32, #tpu.memory_space<hbm>>
        %dma_wait3A_213 = tpu.memref_slice %arg11[%dma_wait3A_202] : memref<2x!tpu.dma_semaphore, #tpu.memory_space<semaphore_mem>> -> memref<1x!tpu.dma_semaphore, #tpu.memory_space<semaphore_mem>>
        %dma_wait3A_214 = tpu.memref_squeeze %dma_wait3A_213 : memref<1x!tpu.dma_semaphore, #tpu.memory_space<semaphore_mem>> -> memref<!tpu.dma_semaphore, #tpu.memory_space<semaphore_mem>>
        tpu.wait_indirect_dma semaphore(%dma_wait3A_214 : memref<!tpu.dma_semaphore, #tpu.memory_space<semaphore_mem>>) src(%dma_wait3A_212 : memref<10240x128xf32, #tpu.memory_space<hbm>>) dst(%dma_wait3A_206 : memref<128x128xf32, #tpu.memory_space<vmem>>)
        %mul3A_215 = arith.constant 2 : i32
        %mul3A_216 = arith.muli %add3A_150, %mul3A_215 : i32
        %add3A_217 = arith.constant 0 : i32
        %add3A_218 = arith.addi %mul3A_216, %add3A_217 : i32
        %dma_start3A_219 = arith.constant 0 : i32
        %dma_start3A_220 = arith.constant 0 : i32
        %dma_start3A_221 = arith.constant 0 : i32
        %dma_start3A_222 = arith.constant 0 : i32
        %dma_start3A_223 = tpu.memref_slice %arg9[%dma_start3A_219, %dma_start3A_221, %dma_start3A_222] : memref<2x128x128xf32, #tpu.memory_space<vmem>> -> memref<1x128x128xf32, #tpu.memory_space<vmem>>
        %dma_start3A_224 = tpu.memref_squeeze %dma_start3A_223 : memref<1x128x128xf32, #tpu.memory_space<vmem>> -> memref<128x128xf32, #tpu.memory_space<vmem>>
        %dma_start3A_225 = arith.constant 0 : i32
        %dma_start3A_226 = tpu.memref_slice %arg8[%select_n3A_95, %add3A_218, %dma_start3A_225] : memref<2x8x128xi32, #tpu.memory_space<vmem>> -> memref<1x1x128xi32, #tpu.memory_space<vmem>>
        %dma_start3A_227 = tpu.memref_squeeze %dma_start3A_226 : memref<1x1x128xi32, #tpu.memory_space<vmem>> -> memref<128xi32, #tpu.memory_space<vmem>>
        %dma_start3A_228 = arith.constant 0 : i32
        %dma_start3A_229 = arith.constant 0 : i32
        %dma_start3A_230 = tpu.memref_slice %arg10[%dma_start3A_228, %dma_start3A_229] : memref<10240x128xf32, #tpu.memory_space<vmem_shared>> -> memref<10240x128xf32, #tpu.memory_space<vmem_shared>>
        %dma_start3A_231 = tpu.memref_slice %arg12[%dma_start3A_220] : memref<2x!tpu.dma_semaphore, #tpu.memory_space<semaphore_mem>> -> memref<1x!tpu.dma_semaphore, #tpu.memory_space<semaphore_mem>>
        %dma_start3A_232 = tpu.memref_squeeze %dma_start3A_231 : memref<1x!tpu.dma_semaphore, #tpu.memory_space<semaphore_mem>> -> memref<!tpu.dma_semaphore, #tpu.memory_space<semaphore_mem>>
        tpu.enqueue_indirect_dma source(%dma_start3A_224 : memref<128x128xf32, #tpu.memory_space<vmem>>) target(%dma_start3A_230 : memref<10240x128xf32, #tpu.memory_space<vmem_shared>>) offsets(%dma_start3A_227 : memref<128xi32, #tpu.memory_space<vmem>>) semaphore(%dma_start3A_232 : memref<!tpu.dma_semaphore, #tpu.memory_space<semaphore_mem>>) {add = true}
        %dma_wait3A_233 = arith.constant 1 : i32
        %dma_wait3A_234 = arith.constant 1 : i32
        %dma_wait3A_235 = arith.constant 0 : i32
        %dma_wait3A_236 = arith.constant 0 : i32
        %dma_wait3A_237 = tpu.memref_slice %arg9[%dma_wait3A_233, %dma_wait3A_235, %dma_wait3A_236] : memref<2x128x128xf32, #tpu.memory_space<vmem>> -> memref<1x128x128xf32, #tpu.memory_space<vmem>>
        %dma_wait3A_238 = tpu.memref_squeeze %dma_wait3A_237 : memref<1x128x128xf32, #tpu.memory_space<vmem>> -> memref<128x128xf32, #tpu.memory_space<vmem>>
        %dma_wait3A_239 = arith.constant 0 : i32
        %dma_wait3A_240 = tpu.memref_slice %arg7[%select_n3A_95, %add3A_186, %dma_wait3A_239] : memref<2x8x128xi32, #tpu.memory_space<vmem>> -> memref<1x1x128xi32, #tpu.memory_space<vmem>>
        %dma_wait3A_241 = tpu.memref_squeeze %dma_wait3A_240 : memref<1x1x128xi32, #tpu.memory_space<vmem>> -> memref<128xi32, #tpu.memory_space<vmem>>
        %dma_wait3A_242 = arith.constant 0 : i32
        %dma_wait3A_243 = arith.constant 0 : i32
        %dma_wait3A_244 = tpu.memref_slice %arg2[%dma_wait3A_242, %dma_wait3A_243] : memref<10240x128xf32, #tpu.memory_space<hbm>> -> memref<10240x128xf32, #tpu.memory_space<hbm>>
        %dma_wait3A_245 = tpu.memref_slice %arg11[%dma_wait3A_234] : memref<2x!tpu.dma_semaphore, #tpu.memory_space<semaphore_mem>> -> memref<1x!tpu.dma_semaphore, #tpu.memory_space<semaphore_mem>>
        %dma_wait3A_246 = tpu.memref_squeeze %dma_wait3A_245 : memref<1x!tpu.dma_semaphore, #tpu.memory_space<semaphore_mem>> -> memref<!tpu.dma_semaphore, #tpu.memory_space<semaphore_mem>>
        tpu.wait_indirect_dma semaphore(%dma_wait3A_246 : memref<!tpu.dma_semaphore, #tpu.memory_space<semaphore_mem>>) src(%dma_wait3A_244 : memref<10240x128xf32, #tpu.memory_space<hbm>>) dst(%dma_wait3A_238 : memref<128x128xf32, #tpu.memory_space<vmem>>)
        %mul3A_247 = arith.constant 2 : i32
        %mul3A_248 = arith.muli %add3A_150, %mul3A_247 : i32
        %add3A_249 = arith.constant 1 : i32
        %add3A_250 = arith.addi %mul3A_248, %add3A_249 : i32
        %dma_start3A_251 = arith.constant 1 : i32
        %dma_start3A_252 = arith.constant 1 : i32
        %dma_start3A_253 = arith.constant 0 : i32
        %dma_start3A_254 = arith.constant 0 : i32
        %dma_start3A_255 = tpu.memref_slice %arg9[%dma_start3A_251, %dma_start3A_253, %dma_start3A_254] : memref<2x128x128xf32, #tpu.memory_space<vmem>> -> memref<1x128x128xf32, #tpu.memory_space<vmem>>
        %dma_start3A_256 = tpu.memref_squeeze %dma_start3A_255 : memref<1x128x128xf32, #tpu.memory_space<vmem>> -> memref<128x128xf32, #tpu.memory_space<vmem>>
        %dma_start3A_257 = arith.constant 0 : i32
        %dma_start3A_258 = tpu.memref_slice %arg8[%select_n3A_95, %add3A_250, %dma_start3A_257] : memref<2x8x128xi32, #tpu.memory_space<vmem>> -> memref<1x1x128xi32, #tpu.memory_space<vmem>>
        %dma_start3A_259 = tpu.memref_squeeze %dma_start3A_258 : memref<1x1x128xi32, #tpu.memory_space<vmem>> -> memref<128xi32, #tpu.memory_space<vmem>>
        %dma_start3A_260 = arith.constant 0 : i32
        %dma_start3A_261 = arith.constant 0 : i32
        %dma_start3A_262 = tpu.memref_slice %arg10[%dma_start3A_260, %dma_start3A_261] : memref<10240x128xf32, #tpu.memory_space<vmem_shared>> -> memref<10240x128xf32, #tpu.memory_space<vmem_shared>>
        %dma_start3A_263 = tpu.memref_slice %arg12[%dma_start3A_252] : memref<2x!tpu.dma_semaphore, #tpu.memory_space<semaphore_mem>> -> memref<1x!tpu.dma_semaphore, #tpu.memory_space<semaphore_mem>>
        %dma_start3A_264 = tpu.memref_squeeze %dma_start3A_263 : memref<1x!tpu.dma_semaphore, #tpu.memory_space<semaphore_mem>> -> memref<!tpu.dma_semaphore, #tpu.memory_space<semaphore_mem>>
        tpu.enqueue_indirect_dma source(%dma_start3A_256 : memref<128x128xf32, #tpu.memory_space<vmem>>) target(%dma_start3A_262 : memref<10240x128xf32, #tpu.memory_space<vmem_shared>>) offsets(%dma_start3A_259 : memref<128xi32, #tpu.memory_space<vmem>>) semaphore(%dma_start3A_264 : memref<!tpu.dma_semaphore, #tpu.memory_space<semaphore_mem>>) {add = true}
      }
      %scan3A_145 = arith.constant 4 : i32
    }
    %scan3A_45 = arith.constant 10 : i32
    %dma_wait3A = arith.constant 0 : i32
    %dma_wait3A_46 = arith.constant 0 : i32
    %dma_wait3A_47 = arith.constant 0 : i32
    %dma_wait3A_48 = arith.constant 0 : i32
    %dma_wait3A_49 = tpu.memref_slice %arg9[%dma_wait3A, %dma_wait3A_47, %dma_wait3A_48] : memref<2x128x128xf32, #tpu.memory_space<vmem>> -> memref<1x128x128xf32, #tpu.memory_space<vmem>>
    %dma_wait3A_50 = tpu.memref_squeeze %dma_wait3A_49 : memref<1x128x128xf32, #tpu.memory_space<vmem>> -> memref<128x128xf32, #tpu.memory_space<vmem>>
    %dma_wait3A_51 = arith.constant 0 : i32
    %dma_wait3A_52 = arith.constant 0 : i32
    %dma_wait3A_53 = tpu.memref_slice %arg10[%dma_wait3A_51, %dma_wait3A_52] : memref<10240x128xf32, #tpu.memory_space<vmem_shared>> -> memref<128x128xf32, #tpu.memory_space<vmem_shared>>
    %dma_wait3A_54 = tpu.memref_slice %arg12[%dma_wait3A_46] : memref<2x!tpu.dma_semaphore, #tpu.memory_space<semaphore_mem>> -> memref<1x!tpu.dma_semaphore, #tpu.memory_space<semaphore_mem>>
    %dma_wait3A_55 = tpu.memref_squeeze %dma_wait3A_54 : memref<1x!tpu.dma_semaphore, #tpu.memory_space<semaphore_mem>> -> memref<!tpu.dma_semaphore, #tpu.memory_space<semaphore_mem>>
    %dma_wait3A_56 = arith.constant 0 : i32
    %dma_wait3A_57 = arith.constant 0 : i32
    %dma_wait3A_58 = tpu.memref_slice %arg10[%dma_wait3A_56, %dma_wait3A_57] : memref<10240x128xf32, #tpu.memory_space<vmem_shared>> -> memref<128x128xf32, #tpu.memory_space<vmem_shared>>
    %dma_wait3A_59 = arith.constant 0 : i32
    %dma_wait3A_60 = arith.constant 0 : i32
    %dma_wait3A_61 = tpu.memref_slice %arg9[%dma_wait3A, %dma_wait3A_59, %dma_wait3A_60] : memref<2x128x128xf32, #tpu.memory_space<vmem>> -> memref<1x128x128xf32, #tpu.memory_space<vmem>>
    %dma_wait3A_62 = tpu.memref_squeeze %dma_wait3A_61 : memref<1x128x128xf32, #tpu.memory_space<vmem>> -> memref<128x128xf32, #tpu.memory_space<vmem>>
    tpu.wait_dma2 semaphore(%dma_wait3A_55 : memref<!tpu.dma_semaphore, #tpu.memory_space<semaphore_mem>>) src(%dma_wait3A_62 : memref<128x128xf32, #tpu.memory_space<vmem>>) dst(%dma_wait3A_58 : memref<128x128xf32, #tpu.memory_space<vmem_shared>>)
    %dma_wait3A_63 = arith.constant 1 : i32
    %dma_wait3A_64 = arith.constant 1 : i32
    %dma_wait3A_65 = arith.constant 0 : i32
    %dma_wait3A_66 = arith.constant 0 : i32
    %dma_wait3A_67 = tpu.memref_slice %arg9[%dma_wait3A_63, %dma_wait3A_65, %dma_wait3A_66] : memref<2x128x128xf32, #tpu.memory_space<vmem>> -> memref<1x128x128xf32, #tpu.memory_space<vmem>>
    %dma_wait3A_68 = tpu.memref_squeeze %dma_wait3A_67 : memref<1x128x128xf32, #tpu.memory_space<vmem>> -> memref<128x128xf32, #tpu.memory_space<vmem>>
    %dma_wait3A_69 = arith.constant 0 : i32
    %dma_wait3A_70 = arith.constant 0 : i32
    %dma_wait3A_71 = tpu.memref_slice %arg10[%dma_wait3A_69, %dma_wait3A_70] : memref<10240x128xf32, #tpu.memory_space<vmem_shared>> -> memref<128x128xf32, #tpu.memory_space<vmem_shared>>
    %dma_wait3A_72 = tpu.memref_slice %arg12[%dma_wait3A_64] : memref<2x!tpu.dma_semaphore, #tpu.memory_space<semaphore_mem>> -> memref<1x!tpu.dma_semaphore, #tpu.memory_space<semaphore_mem>>
    %dma_wait3A_73 = tpu.memref_squeeze %dma_wait3A_72 : memref<1x!tpu.dma_semaphore, #tpu.memory_space<semaphore_mem>> -> memref<!tpu.dma_semaphore, #tpu.memory_space<semaphore_mem>>
    %dma_wait3A_74 = arith.constant 0 : i32
    %dma_wait3A_75 = arith.constant 0 : i32
    %dma_wait3A_76 = tpu.memref_slice %arg10[%dma_wait3A_74, %dma_wait3A_75] : memref<10240x128xf32, #tpu.memory_space<vmem_shared>> -> memref<128x128xf32, #tpu.memory_space<vmem_shared>>
    %dma_wait3A_77 = arith.constant 0 : i32
    %dma_wait3A_78 = arith.constant 0 : i32
    %dma_wait3A_79 = tpu.memref_slice %arg9[%dma_wait3A_63, %dma_wait3A_77, %dma_wait3A_78] : memref<2x128x128xf32, #tpu.memory_space<vmem>> -> memref<1x128x128xf32, #tpu.memory_space<vmem>>
    %dma_wait3A_80 = tpu.memref_squeeze %dma_wait3A_79 : memref<1x128x128xf32, #tpu.memory_space<vmem>> -> memref<128x128xf32, #tpu.memory_space<vmem>>
    tpu.wait_dma2 semaphore(%dma_wait3A_73 : memref<!tpu.dma_semaphore, #tpu.memory_space<semaphore_mem>>) src(%dma_wait3A_80 : memref<128x128xf32, #tpu.memory_space<vmem>>) dst(%dma_wait3A_76 : memref<128x128xf32, #tpu.memory_space<vmem_shared>>)
    %barrier3A_81 = arith.constant 0 : index
    tpu.barrier barrier_id(%barrier3A_81)
    "tpu.region"() ({
      %run_scoped3A = tpu.sem_alloc : memref<!tpu.dma_semaphore, #tpu.memory_space<semaphore_mem>>
      %dma_start3A_82 = arith.constant 0 : i32
      %dma_start3A_83 = tpu.memref_slice %arg6[%arg0, %mul3A_2, %dma_start3A_82] : memref<2x10240x128xf32, #tpu.memory_space<hbm>> -> memref<1x640x128xf32, #tpu.memory_space<hbm>>
      %dma_start3A_84 = tpu.memref_squeeze %dma_start3A_83 : memref<1x640x128xf32, #tpu.memory_space<hbm>> -> memref<640x128xf32, #tpu.memory_space<hbm>>
      %dma_start3A_85 = arith.constant 0 : i32
      %dma_start3A_86 = tpu.memref_slice %arg10[%mul3A_2, %dma_start3A_85] : memref<10240x128xf32, #tpu.memory_space<vmem_shared>> -> memref<640x128xf32, #tpu.memory_space<vmem_shared>>
      tpu.enqueue_dma source(%dma_start3A_86 : memref<640x128xf32, #tpu.memory_space<vmem_shared>>) target(%dma_start3A_84 : memref<640x128xf32, #tpu.memory_space<hbm>>) target_semaphore(%run_scoped3A : memref<!tpu.dma_semaphore, #tpu.memory_space<semaphore_mem>>)
      %dma_wait3A_87 = arith.constant 0 : i32
      %dma_wait3A_88 = tpu.memref_slice %arg6[%arg0, %mul3A_2, %dma_wait3A_87] : memref<2x10240x128xf32, #tpu.memory_space<hbm>> -> memref<1x640x128xf32, #tpu.memory_space<hbm>>
      %dma_wait3A_89 = tpu.memref_squeeze %dma_wait3A_88 : memref<1x640x128xf32, #tpu.memory_space<hbm>> -> memref<640x128xf32, #tpu.memory_space<hbm>>
      %dma_wait3A_90 = arith.constant 0 : i32
      %dma_wait3A_91 = tpu.memref_slice %arg10[%mul3A_2, %dma_wait3A_90] : memref<10240x128xf32, #tpu.memory_space<vmem_shared>> -> memref<640x128xf32, #tpu.memory_space<vmem_shared>>
      tpu.wait_dma2 semaphore(%run_scoped3A : memref<!tpu.dma_semaphore, #tpu.memory_space<semaphore_mem>>) src(%dma_wait3A_91 : memref<640x128xf32, #tpu.memory_space<vmem_shared>>) dst(%dma_wait3A_89 : memref<640x128xf32, #tpu.memory_space<hbm>>)
      tpu.yield
    }) : () -> ()
    return
  }
}

#map = affine_map<(d0, d1) -> (0, 0)>
#map1 = affine_map<(d0, d1) -> (0, 0, 0)>
module attributes {stable_mosaic.version = 14 : i64} {
  func.func @_scat_body(%arg0: i32, %arg1: i32, %arg2: memref<10240x128xf32, #tpu.memory_space<hbm>>, %arg3: memref<32x80x128xi32, #tpu.memory_space<hbm>>, %arg4: memref<32x80x128xi32, #tpu.memory_space<hbm>>, %arg5: memref<10240x128xf32, #tpu.memory_space<hbm>>, %arg6: memref<2x10240x128xf32, #tpu.memory_space<hbm>>, %arg7: memref<2x8x128xi32, #tpu.memory_space<vmem>>, %arg8: memref<2x8x128xi32, #tpu.memory_space<vmem>>, %arg9: memref<2x128x128xf32, #tpu.memory_space<vmem>>, %arg10: memref<10240x128xf32, #tpu.memory_space<vmem_shared>>, %arg11: memref<2x!tpu.dma_semaphore, #tpu.memory_space<semaphore_mem>>, %arg12: memref<2x!tpu.dma_semaphore, #tpu.memory_space<semaphore_mem>>, %arg13: memref<4x!tpu.dma_semaphore, #tpu.memory_space<semaphore_mem>>) attributes {dimension_semantics = [#tpu.dimension_semantics<core_parallel>, #tpu.dimension_semantics<subcore_parallel>], iteration_bounds = array<i64: 2, 16>, scalar_prefetch = 0 : i64, scratch_operands = 7 : i64, tpu.core_type = #tpu.core_type<sc_vector_subcore>, window_params = [{transform_indices = #map}, {transform_indices = #map1}, {transform_indices = #map1}, {transform_indices = #map}, {transform_indices = #map1}]} {
    %mul3A = arith.constant 16 : i32
    %mul3A_0 = arith.muli %arg0, %mul3A : i32
    %add3A = arith.addi %mul3A_0, %arg1 : i32
    %mul3A_1 = arith.constant 640 : i32
    %mul3A_2 = arith.muli %arg1, %mul3A_1 : i32
    "tpu.region"() ({
      %run_scoped3A = tpu.sem_alloc : memref<!tpu.dma_semaphore, #tpu.memory_space<semaphore_mem>>
      %dma_start3A_82 = arith.constant 0 : i32
      %dma_start3A_83 = tpu.memref_slice %arg10[%mul3A_2, %dma_start3A_82] : memref<10240x128xf32, #tpu.memory_space<vmem_shared>> -> memref<640x128xf32, #tpu.memory_space<vmem_shared>>
      %dma_start3A_84 = arith.constant 0 : i32
      %dma_start3A_85 = tpu.memref_slice %arg5[%mul3A_2, %dma_start3A_84] : memref<10240x128xf32, #tpu.memory_space<hbm>> -> memref<640x128xf32, #tpu.memory_space<hbm>>
      tpu.enqueue_dma source(%dma_start3A_85 : memref<640x128xf32, #tpu.memory_space<hbm>>) target(%dma_start3A_83 : memref<640x128xf32, #tpu.memory_space<vmem_shared>>) target_semaphore(%run_scoped3A : memref<!tpu.dma_semaphore, #tpu.memory_space<semaphore_mem>>)
      %dma_wait3A_86 = arith.constant 0 : i32
      %dma_wait3A_87 = tpu.memref_slice %arg10[%mul3A_2, %dma_wait3A_86] : memref<10240x128xf32, #tpu.memory_space<vmem_shared>> -> memref<640x128xf32, #tpu.memory_space<vmem_shared>>
      %dma_wait3A_88 = arith.constant 0 : i32
      %dma_wait3A_89 = tpu.memref_slice %arg5[%mul3A_2, %dma_wait3A_88] : memref<10240x128xf32, #tpu.memory_space<hbm>> -> memref<640x128xf32, #tpu.memory_space<hbm>>
      tpu.wait_dma2 semaphore(%run_scoped3A : memref<!tpu.dma_semaphore, #tpu.memory_space<semaphore_mem>>) src(%dma_wait3A_89 : memref<640x128xf32, #tpu.memory_space<hbm>>) dst(%dma_wait3A_87 : memref<640x128xf32, #tpu.memory_space<vmem_shared>>)
      tpu.yield
    }) : () -> ()
    %dma_start3A = arith.constant 0 : i32
    %dma_start3A_3 = arith.constant 0 : i32
    %dma_start3A_4 = arith.constant 0 : i32
    %dma_start3A_5 = arith.constant 0 : i32
    %dma_start3A_6 = tpu.memref_slice %arg7[%dma_start3A, %dma_start3A_4, %dma_start3A_5] : memref<2x8x128xi32, #tpu.memory_space<vmem>> -> memref<1x8x128xi32, #tpu.memory_space<vmem>>
    %dma_start3A_7 = tpu.memref_squeeze %dma_start3A_6 : memref<1x8x128xi32, #tpu.memory_space<vmem>> -> memref<8x128xi32, #tpu.memory_space<vmem>>
    %dma_start3A_8 = arith.constant 0 : i32
    %dma_start3A_9 = arith.constant 0 : i32
    %dma_start3A_10 = tpu.memref_slice %arg3[%add3A, %dma_start3A_8, %dma_start3A_9] : memref<32x80x128xi32, #tpu.memory_space<hbm>> -> memref<1x8x128xi32, #tpu.memory_space<hbm>>
    %dma_start3A_11 = tpu.memref_squeeze %dma_start3A_10 : memref<1x8x128xi32, #tpu.memory_space<hbm>> -> memref<8x128xi32, #tpu.memory_space<hbm>>
    %dma_start3A_12 = tpu.memref_slice %arg13[%dma_start3A_3] : memref<4x!tpu.dma_semaphore, #tpu.memory_space<semaphore_mem>> -> memref<1x!tpu.dma_semaphore, #tpu.memory_space<semaphore_mem>>
    %dma_start3A_13 = tpu.memref_squeeze %dma_start3A_12 : memref<1x!tpu.dma_semaphore, #tpu.memory_space<semaphore_mem>> -> memref<!tpu.dma_semaphore, #tpu.memory_space<semaphore_mem>>
    %dma_start3A_14 = arith.constant 0 : i32
    %dma_start3A_15 = arith.constant 0 : i32
    %dma_start3A_16 = tpu.memref_slice %arg7[%dma_start3A, %dma_start3A_14, %dma_start3A_15] : memref<2x8x128xi32, #tpu.memory_space<vmem>> -> memref<1x8x128xi32, #tpu.memory_space<vmem>>
    %dma_start3A_17 = tpu.memref_squeeze %dma_start3A_16 : memref<1x8x128xi32, #tpu.memory_space<vmem>> -> memref<8x128xi32, #tpu.memory_space<vmem>>
    %dma_start3A_18 = arith.constant 0 : i32
    %dma_start3A_19 = arith.constant 0 : i32
    %dma_start3A_20 = tpu.memref_slice %arg3[%add3A, %dma_start3A_18, %dma_start3A_19] : memref<32x80x128xi32, #tpu.memory_space<hbm>> -> memref<1x8x128xi32, #tpu.memory_space<hbm>>
    %dma_start3A_21 = tpu.memref_squeeze %dma_start3A_20 : memref<1x8x128xi32, #tpu.memory_space<hbm>> -> memref<8x128xi32, #tpu.memory_space<hbm>>
    tpu.enqueue_dma source(%dma_start3A_21 : memref<8x128xi32, #tpu.memory_space<hbm>>) target(%dma_start3A_17 : memref<8x128xi32, #tpu.memory_space<vmem>>) target_semaphore(%dma_start3A_13 : memref<!tpu.dma_semaphore, #tpu.memory_space<semaphore_mem>>)
    %dma_start3A_22 = arith.constant 0 : i32
    %dma_start3A_23 = arith.constant 1 : i32
    %dma_start3A_24 = arith.constant 0 : i32
    %dma_start3A_25 = arith.constant 0 : i32
    %dma_start3A_26 = tpu.memref_slice %arg8[%dma_start3A_22, %dma_start3A_24, %dma_start3A_25] : memref<2x8x128xi32, #tpu.memory_space<vmem>> -> memref<1x8x128xi32, #tpu.memory_space<vmem>>
    %dma_start3A_27 = tpu.memref_squeeze %dma_start3A_26 : memref<1x8x128xi32, #tpu.memory_space<vmem>> -> memref<8x128xi32, #tpu.memory_space<vmem>>
    %dma_start3A_28 = arith.constant 0 : i32
    %dma_start3A_29 = arith.constant 0 : i32
    %dma_start3A_30 = tpu.memref_slice %arg4[%add3A, %dma_start3A_28, %dma_start3A_29] : memref<32x80x128xi32, #tpu.memory_space<hbm>> -> memref<1x8x128xi32, #tpu.memory_space<hbm>>
    %dma_start3A_31 = tpu.memref_squeeze %dma_start3A_30 : memref<1x8x128xi32, #tpu.memory_space<hbm>> -> memref<8x128xi32, #tpu.memory_space<hbm>>
    %dma_start3A_32 = tpu.memref_slice %arg13[%dma_start3A_23] : memref<4x!tpu.dma_semaphore, #tpu.memory_space<semaphore_mem>> -> memref<1x!tpu.dma_semaphore, #tpu.memory_space<semaphore_mem>>
    %dma_start3A_33 = tpu.memref_squeeze %dma_start3A_32 : memref<1x!tpu.dma_semaphore, #tpu.memory_space<semaphore_mem>> -> memref<!tpu.dma_semaphore, #tpu.memory_space<semaphore_mem>>
    %dma_start3A_34 = arith.constant 0 : i32
    %dma_start3A_35 = arith.constant 0 : i32
    %dma_start3A_36 = tpu.memref_slice %arg8[%dma_start3A_22, %dma_start3A_34, %dma_start3A_35] : memref<2x8x128xi32, #tpu.memory_space<vmem>> -> memref<1x8x128xi32, #tpu.memory_space<vmem>>
    %dma_start3A_37 = tpu.memref_squeeze %dma_start3A_36 : memref<1x8x128xi32, #tpu.memory_space<vmem>> -> memref<8x128xi32, #tpu.memory_space<vmem>>
    %dma_start3A_38 = arith.constant 0 : i32
    %dma_start3A_39 = arith.constant 0 : i32
    %dma_start3A_40 = tpu.memref_slice %arg4[%add3A, %dma_start3A_38, %dma_start3A_39] : memref<32x80x128xi32, #tpu.memory_space<hbm>> -> memref<1x8x128xi32, #tpu.memory_space<hbm>>
    %dma_start3A_41 = tpu.memref_squeeze %dma_start3A_40 : memref<1x8x128xi32, #tpu.memory_space<hbm>> -> memref<8x128xi32, #tpu.memory_space<hbm>>
    tpu.enqueue_dma source(%dma_start3A_41 : memref<8x128xi32, #tpu.memory_space<hbm>>) target(%dma_start3A_37 : memref<8x128xi32, #tpu.memory_space<vmem>>) target_semaphore(%dma_start3A_33 : memref<!tpu.dma_semaphore, #tpu.memory_space<semaphore_mem>>)
    %barrier3A = arith.constant 0 : index
    tpu.barrier barrier_id(%barrier3A)
    %scan3A = arith.constant 0 : i32
    %scan3A_42 = arith.constant 10 : i32
    %scan3A_43 = arith.addi %scan3A, %scan3A_42 : i32
    %scan3A_44 = arith.constant 1 : i32
    scf.for %scan3A_82 = %scan3A to %scan3A_43 step %scan3A_44  : i32 {
      %mul3A_83 = arith.constant 1 : i32
      %mul3A_84 = arith.muli %scan3A_82, %mul3A_83 : i32
      %add3A_85 = arith.constant 0 : i32
      %add3A_86 = arith.addi %add3A_85, %mul3A_84 : i32
      %jit3A = arith.constant 2 : i32
      %eq3A = arith.constant 0 : i32
      %eq3A_87 = arith.cmpi eq, %jit3A, %eq3A : i32
      %jit3A_88 = arith.constant 1 : i32
      %select_n3A = arith.select %eq3A_87, %jit3A_88, %jit3A : i32
      %rem3A = arith.remsi %add3A_86, %select_n3A : i32
      %ne3A = arith.constant 0 : i32
      %ne3A_89 = arith.cmpi ne, %rem3A, %ne3A : i32
      %lt3A = arith.constant 0 : i32
      %lt3A_90 = arith.cmpi slt, %rem3A, %lt3A : i32
      %lt3A_91 = arith.constant 0 : i32
      %lt3A_92 = arith.cmpi slt, %select_n3A, %lt3A_91 : i32
      %ne3A_93 = arith.xori %lt3A_90, %lt3A_92 : i1
      %and3A = arith.andi %ne3A_93, %ne3A_89 : i1
      %add3A_94 = arith.addi %rem3A, %select_n3A : i32
      %select_n3A_95 = arith.select %and3A, %add3A_94, %rem3A : i32
      %add3A_96 = arith.constant 1 : i32
      %add3A_97 = arith.addi %add3A_86, %add3A_96 : i32
      %lt3A_98 = arith.constant 10 : i32
      %lt3A_99 = arith.cmpi slt, %add3A_97, %lt3A_98 : i32
      %convert_element_type3A = arith.extui %lt3A_99 : i1 to i32
      %cond3A = arith.constant 0 : i32
      %cond3A_100 = arith.cmpi ne, %convert_element_type3A, %cond3A : i32
      scf.if %cond3A_100 {
        %add3A_146 = arith.constant 1 : i32
        %add3A_147 = arith.addi %add3A_86, %add3A_146 : i32
        %jit3A_148 = arith.constant 2 : i32
        %eq3A_149 = arith.constant 0 : i32
        %eq3A_150 = arith.cmpi eq, %jit3A_148, %eq3A_149 : i32
        %jit3A_151 = arith.constant 1 : i32
        %select_n3A_152 = arith.select %eq3A_150, %jit3A_151, %jit3A_148 : i32
        %rem3A_153 = arith.remsi %add3A_147, %select_n3A_152 : i32
        %ne3A_154 = arith.constant 0 : i32
        %ne3A_155 = arith.cmpi ne, %rem3A_153, %ne3A_154 : i32
        %lt3A_156 = arith.constant 0 : i32
        %lt3A_157 = arith.cmpi slt, %rem3A_153, %lt3A_156 : i32
        %lt3A_158 = arith.constant 0 : i32
        %lt3A_159 = arith.cmpi slt, %select_n3A_152, %lt3A_158 : i32
        %ne3A_160 = arith.xori %lt3A_157, %lt3A_159 : i1
        %and3A_161 = arith.andi %ne3A_160, %ne3A_155 : i1
        %add3A_162 = arith.addi %rem3A_153, %select_n3A_152 : i32
        %select_n3A_163 = arith.select %and3A_161, %add3A_162, %rem3A_153 : i32
        %add3A_164 = arith.constant 1 : i32
        %add3A_165 = arith.addi %add3A_86, %add3A_164 : i32
        %mul3A_166 = arith.constant 8 : i32
        %mul3A_167 = arith.muli %add3A_165, %mul3A_166 : i32
        %mul3A_168 = arith.constant 2 : i32
        %mul3A_169 = arith.muli %mul3A_168, %select_n3A_163 : i32
        %dma_start3A_170 = arith.constant 0 : i32
        %dma_start3A_171 = arith.constant 0 : i32
        %dma_start3A_172 = tpu.memref_slice %arg7[%select_n3A_163, %dma_start3A_170, %dma_start3A_171] : memref<2x8x128xi32, #tpu.memory_space<vmem>> -> memref<1x8x128xi32, #tpu.memory_space<vmem>>
        %dma_start3A_173 = tpu.memref_squeeze %dma_start3A_172 : memref<1x8x128xi32, #tpu.memory_space<vmem>> -> memref<8x128xi32, #tpu.memory_space<vmem>>
        %dma_start3A_174 = arith.constant 0 : i32
        %dma_start3A_175 = tpu.memref_slice %arg3[%add3A, %mul3A_167, %dma_start3A_174] : memref<32x80x128xi32, #tpu.memory_space<hbm>> -> memref<1x8x128xi32, #tpu.memory_space<hbm>>
        %dma_start3A_176 = tpu.memref_squeeze %dma_start3A_175 : memref<1x8x128xi32, #tpu.memory_space<hbm>> -> memref<8x128xi32, #tpu.memory_space<hbm>>
        %dma_start3A_177 = tpu.memref_slice %arg13[%mul3A_169] : memref<4x!tpu.dma_semaphore, #tpu.memory_space<semaphore_mem>> -> memref<1x!tpu.dma_semaphore, #tpu.memory_space<semaphore_mem>>
        %dma_start3A_178 = tpu.memref_squeeze %dma_start3A_177 : memref<1x!tpu.dma_semaphore, #tpu.memory_space<semaphore_mem>> -> memref<!tpu.dma_semaphore, #tpu.memory_space<semaphore_mem>>
        %dma_start3A_179 = arith.constant 0 : i32
        %dma_start3A_180 = arith.constant 0 : i32
        %dma_start3A_181 = tpu.memref_slice %arg7[%select_n3A_163, %dma_start3A_179, %dma_start3A_180] : memref<2x8x128xi32, #tpu.memory_space<vmem>> -> memref<1x8x128xi32, #tpu.memory_space<vmem>>
        %dma_start3A_182 = tpu.memref_squeeze %dma_start3A_181 : memref<1x8x128xi32, #tpu.memory_space<vmem>> -> memref<8x128xi32, #tpu.memory_space<vmem>>
        %dma_start3A_183 = arith.constant 0 : i32
        %dma_start3A_184 = tpu.memref_slice %arg3[%add3A, %mul3A_167, %dma_start3A_183] : memref<32x80x128xi32, #tpu.memory_space<hbm>> -> memref<1x8x128xi32, #tpu.memory_space<hbm>>
        %dma_start3A_185 = tpu.memref_squeeze %dma_start3A_184 : memref<1x8x128xi32, #tpu.memory_space<hbm>> -> memref<8x128xi32, #tpu.memory_space<hbm>>
        tpu.enqueue_dma source(%dma_start3A_185 : memref<8x128xi32, #tpu.memory_space<hbm>>) target(%dma_start3A_182 : memref<8x128xi32, #tpu.memory_space<vmem>>) target_semaphore(%dma_start3A_178 : memref<!tpu.dma_semaphore, #tpu.memory_space<semaphore_mem>>)
        %mul3A_186 = arith.constant 2 : i32
        %mul3A_187 = arith.muli %mul3A_186, %select_n3A_163 : i32
        %add3A_188 = arith.constant 1 : i32
        %add3A_189 = arith.addi %mul3A_187, %add3A_188 : i32
        %dma_start3A_190 = arith.constant 0 : i32
        %dma_start3A_191 = arith.constant 0 : i32
        %dma_start3A_192 = tpu.memref_slice %arg8[%select_n3A_163, %dma_start3A_190, %dma_start3A_191] : memref<2x8x128xi32, #tpu.memory_space<vmem>> -> memref<1x8x128xi32, #tpu.memory_space<vmem>>
        %dma_start3A_193 = tpu.memref_squeeze %dma_start3A_192 : memref<1x8x128xi32, #tpu.memory_space<vmem>> -> memref<8x128xi32, #tpu.memory_space<vmem>>
        %dma_start3A_194 = arith.constant 0 : i32
        %dma_start3A_195 = tpu.memref_slice %arg4[%add3A, %mul3A_167, %dma_start3A_194] : memref<32x80x128xi32, #tpu.memory_space<hbm>> -> memref<1x8x128xi32, #tpu.memory_space<hbm>>
        %dma_start3A_196 = tpu.memref_squeeze %dma_start3A_195 : memref<1x8x128xi32, #tpu.memory_space<hbm>> -> memref<8x128xi32, #tpu.memory_space<hbm>>
        %dma_start3A_197 = tpu.memref_slice %arg13[%add3A_189] : memref<4x!tpu.dma_semaphore, #tpu.memory_space<semaphore_mem>> -> memref<1x!tpu.dma_semaphore, #tpu.memory_space<semaphore_mem>>
        %dma_start3A_198 = tpu.memref_squeeze %dma_start3A_197 : memref<1x!tpu.dma_semaphore, #tpu.memory_space<semaphore_mem>> -> memref<!tpu.dma_semaphore, #tpu.memory_space<semaphore_mem>>
        %dma_start3A_199 = arith.constant 0 : i32
        %dma_start3A_200 = arith.constant 0 : i32
        %dma_start3A_201 = tpu.memref_slice %arg8[%select_n3A_163, %dma_start3A_199, %dma_start3A_200] : memref<2x8x128xi32, #tpu.memory_space<vmem>> -> memref<1x8x128xi32, #tpu.memory_space<vmem>>
        %dma_start3A_202 = tpu.memref_squeeze %dma_start3A_201 : memref<1x8x128xi32, #tpu.memory_space<vmem>> -> memref<8x128xi32, #tpu.memory_space<vmem>>
        %dma_start3A_203 = arith.constant 0 : i32
        %dma_start3A_204 = tpu.memref_slice %arg4[%add3A, %mul3A_167, %dma_start3A_203] : memref<32x80x128xi32, #tpu.memory_space<hbm>> -> memref<1x8x128xi32, #tpu.memory_space<hbm>>
        %dma_start3A_205 = tpu.memref_squeeze %dma_start3A_204 : memref<1x8x128xi32, #tpu.memory_space<hbm>> -> memref<8x128xi32, #tpu.memory_space<hbm>>
        tpu.enqueue_dma source(%dma_start3A_205 : memref<8x128xi32, #tpu.memory_space<hbm>>) target(%dma_start3A_202 : memref<8x128xi32, #tpu.memory_space<vmem>>) target_semaphore(%dma_start3A_198 : memref<!tpu.dma_semaphore, #tpu.memory_space<semaphore_mem>>)
      } else {
      }
      %mul3A_101 = arith.constant 8 : i32
      %mul3A_102 = arith.muli %add3A_86, %mul3A_101 : i32
      %mul3A_103 = arith.constant 2 : i32
      %mul3A_104 = arith.muli %mul3A_103, %select_n3A_95 : i32
      %dma_wait3A_105 = arith.constant 0 : i32
      %dma_wait3A_106 = arith.constant 0 : i32
      %dma_wait3A_107 = tpu.memref_slice %arg7[%select_n3A_95, %dma_wait3A_105, %dma_wait3A_106] : memref<2x8x128xi32, #tpu.memory_space<vmem>> -> memref<1x8x128xi32, #tpu.memory_space<vmem>>
      %dma_wait3A_108 = tpu.memref_squeeze %dma_wait3A_107 : memref<1x8x128xi32, #tpu.memory_space<vmem>> -> memref<8x128xi32, #tpu.memory_space<vmem>>
      %dma_wait3A_109 = arith.constant 0 : i32
      %dma_wait3A_110 = tpu.memref_slice %arg3[%add3A, %mul3A_102, %dma_wait3A_109] : memref<32x80x128xi32, #tpu.memory_space<hbm>> -> memref<1x8x128xi32, #tpu.memory_space<hbm>>
      %dma_wait3A_111 = tpu.memref_squeeze %dma_wait3A_110 : memref<1x8x128xi32, #tpu.memory_space<hbm>> -> memref<8x128xi32, #tpu.memory_space<hbm>>
      %dma_wait3A_112 = tpu.memref_slice %arg13[%mul3A_104] : memref<4x!tpu.dma_semaphore, #tpu.memory_space<semaphore_mem>> -> memref<1x!tpu.dma_semaphore, #tpu.memory_space<semaphore_mem>>
      %dma_wait3A_113 = tpu.memref_squeeze %dma_wait3A_112 : memref<1x!tpu.dma_semaphore, #tpu.memory_space<semaphore_mem>> -> memref<!tpu.dma_semaphore, #tpu.memory_space<semaphore_mem>>
      %dma_wait3A_114 = arith.constant 0 : i32
      %dma_wait3A_115 = arith.constant 0 : i32
      %dma_wait3A_116 = tpu.memref_slice %arg7[%select_n3A_95, %dma_wait3A_114, %dma_wait3A_115] : memref<2x8x128xi32, #tpu.memory_space<vmem>> -> memref<1x8x128xi32, #tpu.memory_space<vmem>>
      %dma_wait3A_117 = tpu.memref_squeeze %dma_wait3A_116 : memref<1x8x128xi32, #tpu.memory_space<vmem>> -> memref<8x128xi32, #tpu.memory_space<vmem>>
      %dma_wait3A_118 = arith.constant 0 : i32
      %dma_wait3A_119 = tpu.memref_slice %arg3[%add3A, %mul3A_102, %dma_wait3A_118] : memref<32x80x128xi32, #tpu.memory_space<hbm>> -> memref<1x8x128xi32, #tpu.memory_space<hbm>>
      %dma_wait3A_120 = tpu.memref_squeeze %dma_wait3A_119 : memref<1x8x128xi32, #tpu.memory_space<hbm>> -> memref<8x128xi32, #tpu.memory_space<hbm>>
      tpu.wait_dma2 semaphore(%dma_wait3A_113 : memref<!tpu.dma_semaphore, #tpu.memory_space<semaphore_mem>>) src(%dma_wait3A_120 : memref<8x128xi32, #tpu.memory_space<hbm>>) dst(%dma_wait3A_117 : memref<8x128xi32, #tpu.memory_space<vmem>>)
      %mul3A_121 = arith.constant 2 : i32
      %mul3A_122 = arith.muli %mul3A_121, %select_n3A_95 : i32
      %add3A_123 = arith.constant 1 : i32
      %add3A_124 = arith.addi %mul3A_122, %add3A_123 : i32
      %dma_wait3A_125 = arith.constant 0 : i32
      %dma_wait3A_126 = arith.constant 0 : i32
      %dma_wait3A_127 = tpu.memref_slice %arg8[%select_n3A_95, %dma_wait3A_125, %dma_wait3A_126] : memref<2x8x128xi32, #tpu.memory_space<vmem>> -> memref<1x8x128xi32, #tpu.memory_space<vmem>>
      %dma_wait3A_128 = tpu.memref_squeeze %dma_wait3A_127 : memref<1x8x128xi32, #tpu.memory_space<vmem>> -> memref<8x128xi32, #tpu.memory_space<vmem>>
      %dma_wait3A_129 = arith.constant 0 : i32
      %dma_wait3A_130 = tpu.memref_slice %arg4[%add3A, %mul3A_102, %dma_wait3A_129] : memref<32x80x128xi32, #tpu.memory_space<hbm>> -> memref<1x8x128xi32, #tpu.memory_space<hbm>>
      %dma_wait3A_131 = tpu.memref_squeeze %dma_wait3A_130 : memref<1x8x128xi32, #tpu.memory_space<hbm>> -> memref<8x128xi32, #tpu.memory_space<hbm>>
      %dma_wait3A_132 = tpu.memref_slice %arg13[%add3A_124] : memref<4x!tpu.dma_semaphore, #tpu.memory_space<semaphore_mem>> -> memref<1x!tpu.dma_semaphore, #tpu.memory_space<semaphore_mem>>
      %dma_wait3A_133 = tpu.memref_squeeze %dma_wait3A_132 : memref<1x!tpu.dma_semaphore, #tpu.memory_space<semaphore_mem>> -> memref<!tpu.dma_semaphore, #tpu.memory_space<semaphore_mem>>
      %dma_wait3A_134 = arith.constant 0 : i32
      %dma_wait3A_135 = arith.constant 0 : i32
      %dma_wait3A_136 = tpu.memref_slice %arg8[%select_n3A_95, %dma_wait3A_134, %dma_wait3A_135] : memref<2x8x128xi32, #tpu.memory_space<vmem>> -> memref<1x8x128xi32, #tpu.memory_space<vmem>>
      %dma_wait3A_137 = tpu.memref_squeeze %dma_wait3A_136 : memref<1x8x128xi32, #tpu.memory_space<vmem>> -> memref<8x128xi32, #tpu.memory_space<vmem>>
      %dma_wait3A_138 = arith.constant 0 : i32
      %dma_wait3A_139 = tpu.memref_slice %arg4[%add3A, %mul3A_102, %dma_wait3A_138] : memref<32x80x128xi32, #tpu.memory_space<hbm>> -> memref<1x8x128xi32, #tpu.memory_space<hbm>>
      %dma_wait3A_140 = tpu.memref_squeeze %dma_wait3A_139 : memref<1x8x128xi32, #tpu.memory_space<hbm>> -> memref<8x128xi32, #tpu.memory_space<hbm>>
      tpu.wait_dma2 semaphore(%dma_wait3A_133 : memref<!tpu.dma_semaphore, #tpu.memory_space<semaphore_mem>>) src(%dma_wait3A_140 : memref<8x128xi32, #tpu.memory_space<hbm>>) dst(%dma_wait3A_137 : memref<8x128xi32, #tpu.memory_space<vmem>>)
      %scan3A_141 = arith.constant 0 : i32
      %scan3A_142 = arith.constant 4 : i32
      %scan3A_143 = arith.addi %scan3A_141, %scan3A_142 : i32
      %scan3A_144 = arith.constant 1 : i32
      scf.for %scan3A_146 = %scan3A_141 to %scan3A_143 step %scan3A_144  : i32 {
        %mul3A_147 = arith.constant 1 : i32
        %mul3A_148 = arith.muli %scan3A_146, %mul3A_147 : i32
        %add3A_149 = arith.constant 0 : i32
        %add3A_150 = arith.addi %add3A_149, %mul3A_148 : i32
        %gt3A = arith.constant 0 : i32
        %gt3A_151 = arith.cmpi sgt, %add3A_86, %gt3A : i32
        %gt3A_152 = arith.constant 0 : i32
        %gt3A_153 = arith.cmpi sgt, %add3A_150, %gt3A_152 : i32
        %or3A = arith.ori %gt3A_151, %gt3A_153 : i1
        %convert_element_type3A_154 = arith.extui %or3A : i1 to i32
        %cond3A_155 = arith.constant 0 : i32
        %cond3A_156 = arith.cmpi ne, %convert_element_type3A_154, %cond3A_155 : i32
        scf.if %cond3A_156 {
          %mul3A_265 = arith.constant 2 : i32
          %mul3A_266 = arith.muli %add3A_150, %mul3A_265 : i32
          %add3A_267 = arith.constant 0 : i32
          %add3A_268 = arith.addi %mul3A_266, %add3A_267 : i32
          %dma_wait3A_269 = arith.constant 0 : i32
          %dma_wait3A_270 = arith.constant 0 : i32
          %dma_wait3A_271 = arith.constant 0 : i32
          %dma_wait3A_272 = arith.constant 0 : i32
          %dma_wait3A_273 = tpu.memref_slice %arg9[%dma_wait3A_269, %dma_wait3A_271, %dma_wait3A_272] : memref<2x128x128xf32, #tpu.memory_space<vmem>> -> memref<1x128x128xf32, #tpu.memory_space<vmem>>
          %dma_wait3A_274 = tpu.memref_squeeze %dma_wait3A_273 : memref<1x128x128xf32, #tpu.memory_space<vmem>> -> memref<128x128xf32, #tpu.memory_space<vmem>>
          %dma_wait3A_275 = arith.constant 0 : i32
          %dma_wait3A_276 = tpu.memref_slice %arg8[%select_n3A_95, %add3A_268, %dma_wait3A_275] : memref<2x8x128xi32, #tpu.memory_space<vmem>> -> memref<1x1x128xi32, #tpu.memory_space<vmem>>
          %dma_wait3A_277 = tpu.memref_squeeze %dma_wait3A_276 : memref<1x1x128xi32, #tpu.memory_space<vmem>> -> memref<128xi32, #tpu.memory_space<vmem>>
          %dma_wait3A_278 = arith.constant 0 : i32
          %dma_wait3A_279 = arith.constant 0 : i32
          %dma_wait3A_280 = tpu.memref_slice %arg10[%dma_wait3A_278, %dma_wait3A_279] : memref<10240x128xf32, #tpu.memory_space<vmem_shared>> -> memref<10240x128xf32, #tpu.memory_space<vmem_shared>>
          %dma_wait3A_281 = tpu.memref_slice %arg12[%dma_wait3A_270] : memref<2x!tpu.dma_semaphore, #tpu.memory_space<semaphore_mem>> -> memref<1x!tpu.dma_semaphore, #tpu.memory_space<semaphore_mem>>
          %dma_wait3A_282 = tpu.memref_squeeze %dma_wait3A_281 : memref<1x!tpu.dma_semaphore, #tpu.memory_space<semaphore_mem>> -> memref<!tpu.dma_semaphore, #tpu.memory_space<semaphore_mem>>
          tpu.wait_indirect_dma semaphore(%dma_wait3A_282 : memref<!tpu.dma_semaphore, #tpu.memory_space<semaphore_mem>>) src(%dma_wait3A_274 : memref<128x128xf32, #tpu.memory_space<vmem>>) dst(%dma_wait3A_280 : memref<10240x128xf32, #tpu.memory_space<vmem_shared>>)
        } else {
        }
        %mul3A_157 = arith.constant 2 : i32
        %mul3A_158 = arith.muli %add3A_150, %mul3A_157 : i32
        %add3A_159 = arith.constant 0 : i32
        %add3A_160 = arith.addi %mul3A_158, %add3A_159 : i32
        %dma_start3A_161 = arith.constant 0 : i32
        %dma_start3A_162 = arith.constant 0 : i32
        %dma_start3A_163 = arith.constant 0 : i32
        %dma_start3A_164 = arith.constant 0 : i32
        %dma_start3A_165 = tpu.memref_slice %arg9[%dma_start3A_161, %dma_start3A_163, %dma_start3A_164] : memref<2x128x128xf32, #tpu.memory_space<vmem>> -> memref<1x128x128xf32, #tpu.memory_space<vmem>>
        %dma_start3A_166 = tpu.memref_squeeze %dma_start3A_165 : memref<1x128x128xf32, #tpu.memory_space<vmem>> -> memref<128x128xf32, #tpu.memory_space<vmem>>
        %dma_start3A_167 = arith.constant 0 : i32
        %dma_start3A_168 = tpu.memref_slice %arg7[%select_n3A_95, %add3A_160, %dma_start3A_167] : memref<2x8x128xi32, #tpu.memory_space<vmem>> -> memref<1x1x128xi32, #tpu.memory_space<vmem>>
        %dma_start3A_169 = tpu.memref_squeeze %dma_start3A_168 : memref<1x1x128xi32, #tpu.memory_space<vmem>> -> memref<128xi32, #tpu.memory_space<vmem>>
        %dma_start3A_170 = arith.constant 0 : i32
        %dma_start3A_171 = arith.constant 0 : i32
        %dma_start3A_172 = tpu.memref_slice %arg2[%dma_start3A_170, %dma_start3A_171] : memref<10240x128xf32, #tpu.memory_space<hbm>> -> memref<10240x128xf32, #tpu.memory_space<hbm>>
        %dma_start3A_173 = tpu.memref_slice %arg11[%dma_start3A_162] : memref<2x!tpu.dma_semaphore, #tpu.memory_space<semaphore_mem>> -> memref<1x!tpu.dma_semaphore, #tpu.memory_space<semaphore_mem>>
        %dma_start3A_174 = tpu.memref_squeeze %dma_start3A_173 : memref<1x!tpu.dma_semaphore, #tpu.memory_space<semaphore_mem>> -> memref<!tpu.dma_semaphore, #tpu.memory_space<semaphore_mem>>
        tpu.enqueue_indirect_dma source(%dma_start3A_172 : memref<10240x128xf32, #tpu.memory_space<hbm>>) target(%dma_start3A_166 : memref<128x128xf32, #tpu.memory_space<vmem>>) offsets(%dma_start3A_169 : memref<128xi32, #tpu.memory_space<vmem>>) semaphore(%dma_start3A_174 : memref<!tpu.dma_semaphore, #tpu.memory_space<semaphore_mem>>)
        %gt3A_175 = arith.constant 0 : i32
        %gt3A_176 = arith.cmpi sgt, %add3A_86, %gt3A_175 : i32
        %gt3A_177 = arith.constant 0 : i32
        %gt3A_178 = arith.cmpi sgt, %add3A_150, %gt3A_177 : i32
        %or3A_179 = arith.ori %gt3A_176, %gt3A_178 : i1
        %convert_element_type3A_180 = arith.extui %or3A_179 : i1 to i32
        %cond3A_181 = arith.constant 0 : i32
        %cond3A_182 = arith.cmpi ne, %convert_element_type3A_180, %cond3A_181 : i32
        scf.if %cond3A_182 {
          %mul3A_265 = arith.constant 2 : i32
          %mul3A_266 = arith.muli %add3A_150, %mul3A_265 : i32
          %add3A_267 = arith.constant 1 : i32
          %add3A_268 = arith.addi %mul3A_266, %add3A_267 : i32
          %dma_wait3A_269 = arith.constant 1 : i32
          %dma_wait3A_270 = arith.constant 1 : i32
          %dma_wait3A_271 = arith.constant 0 : i32
          %dma_wait3A_272 = arith.constant 0 : i32
          %dma_wait3A_273 = tpu.memref_slice %arg9[%dma_wait3A_269, %dma_wait3A_271, %dma_wait3A_272] : memref<2x128x128xf32, #tpu.memory_space<vmem>> -> memref<1x128x128xf32, #tpu.memory_space<vmem>>
          %dma_wait3A_274 = tpu.memref_squeeze %dma_wait3A_273 : memref<1x128x128xf32, #tpu.memory_space<vmem>> -> memref<128x128xf32, #tpu.memory_space<vmem>>
          %dma_wait3A_275 = arith.constant 0 : i32
          %dma_wait3A_276 = tpu.memref_slice %arg8[%select_n3A_95, %add3A_268, %dma_wait3A_275] : memref<2x8x128xi32, #tpu.memory_space<vmem>> -> memref<1x1x128xi32, #tpu.memory_space<vmem>>
          %dma_wait3A_277 = tpu.memref_squeeze %dma_wait3A_276 : memref<1x1x128xi32, #tpu.memory_space<vmem>> -> memref<128xi32, #tpu.memory_space<vmem>>
          %dma_wait3A_278 = arith.constant 0 : i32
          %dma_wait3A_279 = arith.constant 0 : i32
          %dma_wait3A_280 = tpu.memref_slice %arg10[%dma_wait3A_278, %dma_wait3A_279] : memref<10240x128xf32, #tpu.memory_space<vmem_shared>> -> memref<10240x128xf32, #tpu.memory_space<vmem_shared>>
          %dma_wait3A_281 = tpu.memref_slice %arg12[%dma_wait3A_270] : memref<2x!tpu.dma_semaphore, #tpu.memory_space<semaphore_mem>> -> memref<1x!tpu.dma_semaphore, #tpu.memory_space<semaphore_mem>>
          %dma_wait3A_282 = tpu.memref_squeeze %dma_wait3A_281 : memref<1x!tpu.dma_semaphore, #tpu.memory_space<semaphore_mem>> -> memref<!tpu.dma_semaphore, #tpu.memory_space<semaphore_mem>>
          tpu.wait_indirect_dma semaphore(%dma_wait3A_282 : memref<!tpu.dma_semaphore, #tpu.memory_space<semaphore_mem>>) src(%dma_wait3A_274 : memref<128x128xf32, #tpu.memory_space<vmem>>) dst(%dma_wait3A_280 : memref<10240x128xf32, #tpu.memory_space<vmem_shared>>)
        } else {
        }
        %mul3A_183 = arith.constant 2 : i32
        %mul3A_184 = arith.muli %add3A_150, %mul3A_183 : i32
        %add3A_185 = arith.constant 1 : i32
        %add3A_186 = arith.addi %mul3A_184, %add3A_185 : i32
        %dma_start3A_187 = arith.constant 1 : i32
        %dma_start3A_188 = arith.constant 1 : i32
        %dma_start3A_189 = arith.constant 0 : i32
        %dma_start3A_190 = arith.constant 0 : i32
        %dma_start3A_191 = tpu.memref_slice %arg9[%dma_start3A_187, %dma_start3A_189, %dma_start3A_190] : memref<2x128x128xf32, #tpu.memory_space<vmem>> -> memref<1x128x128xf32, #tpu.memory_space<vmem>>
        %dma_start3A_192 = tpu.memref_squeeze %dma_start3A_191 : memref<1x128x128xf32, #tpu.memory_space<vmem>> -> memref<128x128xf32, #tpu.memory_space<vmem>>
        %dma_start3A_193 = arith.constant 0 : i32
        %dma_start3A_194 = tpu.memref_slice %arg7[%select_n3A_95, %add3A_186, %dma_start3A_193] : memref<2x8x128xi32, #tpu.memory_space<vmem>> -> memref<1x1x128xi32, #tpu.memory_space<vmem>>
        %dma_start3A_195 = tpu.memref_squeeze %dma_start3A_194 : memref<1x1x128xi32, #tpu.memory_space<vmem>> -> memref<128xi32, #tpu.memory_space<vmem>>
        %dma_start3A_196 = arith.constant 0 : i32
        %dma_start3A_197 = arith.constant 0 : i32
        %dma_start3A_198 = tpu.memref_slice %arg2[%dma_start3A_196, %dma_start3A_197] : memref<10240x128xf32, #tpu.memory_space<hbm>> -> memref<10240x128xf32, #tpu.memory_space<hbm>>
        %dma_start3A_199 = tpu.memref_slice %arg11[%dma_start3A_188] : memref<2x!tpu.dma_semaphore, #tpu.memory_space<semaphore_mem>> -> memref<1x!tpu.dma_semaphore, #tpu.memory_space<semaphore_mem>>
        %dma_start3A_200 = tpu.memref_squeeze %dma_start3A_199 : memref<1x!tpu.dma_semaphore, #tpu.memory_space<semaphore_mem>> -> memref<!tpu.dma_semaphore, #tpu.memory_space<semaphore_mem>>
        tpu.enqueue_indirect_dma source(%dma_start3A_198 : memref<10240x128xf32, #tpu.memory_space<hbm>>) target(%dma_start3A_192 : memref<128x128xf32, #tpu.memory_space<vmem>>) offsets(%dma_start3A_195 : memref<128xi32, #tpu.memory_space<vmem>>) semaphore(%dma_start3A_200 : memref<!tpu.dma_semaphore, #tpu.memory_space<semaphore_mem>>)
        %dma_wait3A_201 = arith.constant 0 : i32
        %dma_wait3A_202 = arith.constant 0 : i32
        %dma_wait3A_203 = arith.constant 0 : i32
        %dma_wait3A_204 = arith.constant 0 : i32
        %dma_wait3A_205 = tpu.memref_slice %arg9[%dma_wait3A_201, %dma_wait3A_203, %dma_wait3A_204] : memref<2x128x128xf32, #tpu.memory_space<vmem>> -> memref<1x128x128xf32, #tpu.memory_space<vmem>>
        %dma_wait3A_206 = tpu.memref_squeeze %dma_wait3A_205 : memref<1x128x128xf32, #tpu.memory_space<vmem>> -> memref<128x128xf32, #tpu.memory_space<vmem>>
        %dma_wait3A_207 = arith.constant 0 : i32
        %dma_wait3A_208 = tpu.memref_slice %arg7[%select_n3A_95, %add3A_160, %dma_wait3A_207] : memref<2x8x128xi32, #tpu.memory_space<vmem>> -> memref<1x1x128xi32, #tpu.memory_space<vmem>>
        %dma_wait3A_209 = tpu.memref_squeeze %dma_wait3A_208 : memref<1x1x128xi32, #tpu.memory_space<vmem>> -> memref<128xi32, #tpu.memory_space<vmem>>
        %dma_wait3A_210 = arith.constant 0 : i32
        %dma_wait3A_211 = arith.constant 0 : i32
        %dma_wait3A_212 = tpu.memref_slice %arg2[%dma_wait3A_210, %dma_wait3A_211] : memref<10240x128xf32, #tpu.memory_space<hbm>> -> memref<10240x128xf32, #tpu.memory_space<hbm>>
        %dma_wait3A_213 = tpu.memref_slice %arg11[%dma_wait3A_202] : memref<2x!tpu.dma_semaphore, #tpu.memory_space<semaphore_mem>> -> memref<1x!tpu.dma_semaphore, #tpu.memory_space<semaphore_mem>>
        %dma_wait3A_214 = tpu.memref_squeeze %dma_wait3A_213 : memref<1x!tpu.dma_semaphore, #tpu.memory_space<semaphore_mem>> -> memref<!tpu.dma_semaphore, #tpu.memory_space<semaphore_mem>>
        tpu.wait_indirect_dma semaphore(%dma_wait3A_214 : memref<!tpu.dma_semaphore, #tpu.memory_space<semaphore_mem>>) src(%dma_wait3A_212 : memref<10240x128xf32, #tpu.memory_space<hbm>>) dst(%dma_wait3A_206 : memref<128x128xf32, #tpu.memory_space<vmem>>)
        %mul3A_215 = arith.constant 2 : i32
        %mul3A_216 = arith.muli %add3A_150, %mul3A_215 : i32
        %add3A_217 = arith.constant 0 : i32
        %add3A_218 = arith.addi %mul3A_216, %add3A_217 : i32
        %dma_start3A_219 = arith.constant 0 : i32
        %dma_start3A_220 = arith.constant 0 : i32
        %dma_start3A_221 = arith.constant 0 : i32
        %dma_start3A_222 = arith.constant 0 : i32
        %dma_start3A_223 = tpu.memref_slice %arg9[%dma_start3A_219, %dma_start3A_221, %dma_start3A_222] : memref<2x128x128xf32, #tpu.memory_space<vmem>> -> memref<1x128x128xf32, #tpu.memory_space<vmem>>
        %dma_start3A_224 = tpu.memref_squeeze %dma_start3A_223 : memref<1x128x128xf32, #tpu.memory_space<vmem>> -> memref<128x128xf32, #tpu.memory_space<vmem>>
        %dma_start3A_225 = arith.constant 0 : i32
        %dma_start3A_226 = tpu.memref_slice %arg8[%select_n3A_95, %add3A_218, %dma_start3A_225] : memref<2x8x128xi32, #tpu.memory_space<vmem>> -> memref<1x1x128xi32, #tpu.memory_space<vmem>>
        %dma_start3A_227 = tpu.memref_squeeze %dma_start3A_226 : memref<1x1x128xi32, #tpu.memory_space<vmem>> -> memref<128xi32, #tpu.memory_space<vmem>>
        %dma_start3A_228 = arith.constant 0 : i32
        %dma_start3A_229 = arith.constant 0 : i32
        %dma_start3A_230 = tpu.memref_slice %arg10[%dma_start3A_228, %dma_start3A_229] : memref<10240x128xf32, #tpu.memory_space<vmem_shared>> -> memref<10240x128xf32, #tpu.memory_space<vmem_shared>>
        %dma_start3A_231 = tpu.memref_slice %arg12[%dma_start3A_220] : memref<2x!tpu.dma_semaphore, #tpu.memory_space<semaphore_mem>> -> memref<1x!tpu.dma_semaphore, #tpu.memory_space<semaphore_mem>>
        %dma_start3A_232 = tpu.memref_squeeze %dma_start3A_231 : memref<1x!tpu.dma_semaphore, #tpu.memory_space<semaphore_mem>> -> memref<!tpu.dma_semaphore, #tpu.memory_space<semaphore_mem>>
        tpu.enqueue_indirect_dma source(%dma_start3A_224 : memref<128x128xf32, #tpu.memory_space<vmem>>) target(%dma_start3A_230 : memref<10240x128xf32, #tpu.memory_space<vmem_shared>>) offsets(%dma_start3A_227 : memref<128xi32, #tpu.memory_space<vmem>>) semaphore(%dma_start3A_232 : memref<!tpu.dma_semaphore, #tpu.memory_space<semaphore_mem>>) {add = true}
        %dma_wait3A_233 = arith.constant 1 : i32
        %dma_wait3A_234 = arith.constant 1 : i32
        %dma_wait3A_235 = arith.constant 0 : i32
        %dma_wait3A_236 = arith.constant 0 : i32
        %dma_wait3A_237 = tpu.memref_slice %arg9[%dma_wait3A_233, %dma_wait3A_235, %dma_wait3A_236] : memref<2x128x128xf32, #tpu.memory_space<vmem>> -> memref<1x128x128xf32, #tpu.memory_space<vmem>>
        %dma_wait3A_238 = tpu.memref_squeeze %dma_wait3A_237 : memref<1x128x128xf32, #tpu.memory_space<vmem>> -> memref<128x128xf32, #tpu.memory_space<vmem>>
        %dma_wait3A_239 = arith.constant 0 : i32
        %dma_wait3A_240 = tpu.memref_slice %arg7[%select_n3A_95, %add3A_186, %dma_wait3A_239] : memref<2x8x128xi32, #tpu.memory_space<vmem>> -> memref<1x1x128xi32, #tpu.memory_space<vmem>>
        %dma_wait3A_241 = tpu.memref_squeeze %dma_wait3A_240 : memref<1x1x128xi32, #tpu.memory_space<vmem>> -> memref<128xi32, #tpu.memory_space<vmem>>
        %dma_wait3A_242 = arith.constant 0 : i32
        %dma_wait3A_243 = arith.constant 0 : i32
        %dma_wait3A_244 = tpu.memref_slice %arg2[%dma_wait3A_242, %dma_wait3A_243] : memref<10240x128xf32, #tpu.memory_space<hbm>> -> memref<10240x128xf32, #tpu.memory_space<hbm>>
        %dma_wait3A_245 = tpu.memref_slice %arg11[%dma_wait3A_234] : memref<2x!tpu.dma_semaphore, #tpu.memory_space<semaphore_mem>> -> memref<1x!tpu.dma_semaphore, #tpu.memory_space<semaphore_mem>>
        %dma_wait3A_246 = tpu.memref_squeeze %dma_wait3A_245 : memref<1x!tpu.dma_semaphore, #tpu.memory_space<semaphore_mem>> -> memref<!tpu.dma_semaphore, #tpu.memory_space<semaphore_mem>>
        tpu.wait_indirect_dma semaphore(%dma_wait3A_246 : memref<!tpu.dma_semaphore, #tpu.memory_space<semaphore_mem>>) src(%dma_wait3A_244 : memref<10240x128xf32, #tpu.memory_space<hbm>>) dst(%dma_wait3A_238 : memref<128x128xf32, #tpu.memory_space<vmem>>)
        %mul3A_247 = arith.constant 2 : i32
        %mul3A_248 = arith.muli %add3A_150, %mul3A_247 : i32
        %add3A_249 = arith.constant 1 : i32
        %add3A_250 = arith.addi %mul3A_248, %add3A_249 : i32
        %dma_start3A_251 = arith.constant 1 : i32
        %dma_start3A_252 = arith.constant 1 : i32
        %dma_start3A_253 = arith.constant 0 : i32
        %dma_start3A_254 = arith.constant 0 : i32
        %dma_start3A_255 = tpu.memref_slice %arg9[%dma_start3A_251, %dma_start3A_253, %dma_start3A_254] : memref<2x128x128xf32, #tpu.memory_space<vmem>> -> memref<1x128x128xf32, #tpu.memory_space<vmem>>
        %dma_start3A_256 = tpu.memref_squeeze %dma_start3A_255 : memref<1x128x128xf32, #tpu.memory_space<vmem>> -> memref<128x128xf32, #tpu.memory_space<vmem>>
        %dma_start3A_257 = arith.constant 0 : i32
        %dma_start3A_258 = tpu.memref_slice %arg8[%select_n3A_95, %add3A_250, %dma_start3A_257] : memref<2x8x128xi32, #tpu.memory_space<vmem>> -> memref<1x1x128xi32, #tpu.memory_space<vmem>>
        %dma_start3A_259 = tpu.memref_squeeze %dma_start3A_258 : memref<1x1x128xi32, #tpu.memory_space<vmem>> -> memref<128xi32, #tpu.memory_space<vmem>>
        %dma_start3A_260 = arith.constant 0 : i32
        %dma_start3A_261 = arith.constant 0 : i32
        %dma_start3A_262 = tpu.memref_slice %arg10[%dma_start3A_260, %dma_start3A_261] : memref<10240x128xf32, #tpu.memory_space<vmem_shared>> -> memref<10240x128xf32, #tpu.memory_space<vmem_shared>>
        %dma_start3A_263 = tpu.memref_slice %arg12[%dma_start3A_252] : memref<2x!tpu.dma_semaphore, #tpu.memory_space<semaphore_mem>> -> memref<1x!tpu.dma_semaphore, #tpu.memory_space<semaphore_mem>>
        %dma_start3A_264 = tpu.memref_squeeze %dma_start3A_263 : memref<1x!tpu.dma_semaphore, #tpu.memory_space<semaphore_mem>> -> memref<!tpu.dma_semaphore, #tpu.memory_space<semaphore_mem>>
        tpu.enqueue_indirect_dma source(%dma_start3A_256 : memref<128x128xf32, #tpu.memory_space<vmem>>) target(%dma_start3A_262 : memref<10240x128xf32, #tpu.memory_space<vmem_shared>>) offsets(%dma_start3A_259 : memref<128xi32, #tpu.memory_space<vmem>>) semaphore(%dma_start3A_264 : memref<!tpu.dma_semaphore, #tpu.memory_space<semaphore_mem>>) {add = true}
      }
      %scan3A_145 = arith.constant 4 : i32
    }
    %scan3A_45 = arith.constant 10 : i32
    %dma_wait3A = arith.constant 0 : i32
    %dma_wait3A_46 = arith.constant 0 : i32
    %dma_wait3A_47 = arith.constant 0 : i32
    %dma_wait3A_48 = arith.constant 0 : i32
    %dma_wait3A_49 = tpu.memref_slice %arg9[%dma_wait3A, %dma_wait3A_47, %dma_wait3A_48] : memref<2x128x128xf32, #tpu.memory_space<vmem>> -> memref<1x128x128xf32, #tpu.memory_space<vmem>>
    %dma_wait3A_50 = tpu.memref_squeeze %dma_wait3A_49 : memref<1x128x128xf32, #tpu.memory_space<vmem>> -> memref<128x128xf32, #tpu.memory_space<vmem>>
    %dma_wait3A_51 = arith.constant 0 : i32
    %dma_wait3A_52 = arith.constant 0 : i32
    %dma_wait3A_53 = tpu.memref_slice %arg10[%dma_wait3A_51, %dma_wait3A_52] : memref<10240x128xf32, #tpu.memory_space<vmem_shared>> -> memref<128x128xf32, #tpu.memory_space<vmem_shared>>
    %dma_wait3A_54 = tpu.memref_slice %arg12[%dma_wait3A_46] : memref<2x!tpu.dma_semaphore, #tpu.memory_space<semaphore_mem>> -> memref<1x!tpu.dma_semaphore, #tpu.memory_space<semaphore_mem>>
    %dma_wait3A_55 = tpu.memref_squeeze %dma_wait3A_54 : memref<1x!tpu.dma_semaphore, #tpu.memory_space<semaphore_mem>> -> memref<!tpu.dma_semaphore, #tpu.memory_space<semaphore_mem>>
    %dma_wait3A_56 = arith.constant 0 : i32
    %dma_wait3A_57 = arith.constant 0 : i32
    %dma_wait3A_58 = tpu.memref_slice %arg10[%dma_wait3A_56, %dma_wait3A_57] : memref<10240x128xf32, #tpu.memory_space<vmem_shared>> -> memref<128x128xf32, #tpu.memory_space<vmem_shared>>
    %dma_wait3A_59 = arith.constant 0 : i32
    %dma_wait3A_60 = arith.constant 0 : i32
    %dma_wait3A_61 = tpu.memref_slice %arg9[%dma_wait3A, %dma_wait3A_59, %dma_wait3A_60] : memref<2x128x128xf32, #tpu.memory_space<vmem>> -> memref<1x128x128xf32, #tpu.memory_space<vmem>>
    %dma_wait3A_62 = tpu.memref_squeeze %dma_wait3A_61 : memref<1x128x128xf32, #tpu.memory_space<vmem>> -> memref<128x128xf32, #tpu.memory_space<vmem>>
    tpu.wait_dma2 semaphore(%dma_wait3A_55 : memref<!tpu.dma_semaphore, #tpu.memory_space<semaphore_mem>>) src(%dma_wait3A_62 : memref<128x128xf32, #tpu.memory_space<vmem>>) dst(%dma_wait3A_58 : memref<128x128xf32, #tpu.memory_space<vmem_shared>>)
    %dma_wait3A_63 = arith.constant 1 : i32
    %dma_wait3A_64 = arith.constant 1 : i32
    %dma_wait3A_65 = arith.constant 0 : i32
    %dma_wait3A_66 = arith.constant 0 : i32
    %dma_wait3A_67 = tpu.memref_slice %arg9[%dma_wait3A_63, %dma_wait3A_65, %dma_wait3A_66] : memref<2x128x128xf32, #tpu.memory_space<vmem>> -> memref<1x128x128xf32, #tpu.memory_space<vmem>>
    %dma_wait3A_68 = tpu.memref_squeeze %dma_wait3A_67 : memref<1x128x128xf32, #tpu.memory_space<vmem>> -> memref<128x128xf32, #tpu.memory_space<vmem>>
    %dma_wait3A_69 = arith.constant 0 : i32
    %dma_wait3A_70 = arith.constant 0 : i32
    %dma_wait3A_71 = tpu.memref_slice %arg10[%dma_wait3A_69, %dma_wait3A_70] : memref<10240x128xf32, #tpu.memory_space<vmem_shared>> -> memref<128x128xf32, #tpu.memory_space<vmem_shared>>
    %dma_wait3A_72 = tpu.memref_slice %arg12[%dma_wait3A_64] : memref<2x!tpu.dma_semaphore, #tpu.memory_space<semaphore_mem>> -> memref<1x!tpu.dma_semaphore, #tpu.memory_space<semaphore_mem>>
    %dma_wait3A_73 = tpu.memref_squeeze %dma_wait3A_72 : memref<1x!tpu.dma_semaphore, #tpu.memory_space<semaphore_mem>> -> memref<!tpu.dma_semaphore, #tpu.memory_space<semaphore_mem>>
    %dma_wait3A_74 = arith.constant 0 : i32
    %dma_wait3A_75 = arith.constant 0 : i32
    %dma_wait3A_76 = tpu.memref_slice %arg10[%dma_wait3A_74, %dma_wait3A_75] : memref<10240x128xf32, #tpu.memory_space<vmem_shared>> -> memref<128x128xf32, #tpu.memory_space<vmem_shared>>
    %dma_wait3A_77 = arith.constant 0 : i32
    %dma_wait3A_78 = arith.constant 0 : i32
    %dma_wait3A_79 = tpu.memref_slice %arg9[%dma_wait3A_63, %dma_wait3A_77, %dma_wait3A_78] : memref<2x128x128xf32, #tpu.memory_space<vmem>> -> memref<1x128x128xf32, #tpu.memory_space<vmem>>
    %dma_wait3A_80 = tpu.memref_squeeze %dma_wait3A_79 : memref<1x128x128xf32, #tpu.memory_space<vmem>> -> memref<128x128xf32, #tpu.memory_space<vmem>>
    tpu.wait_dma2 semaphore(%dma_wait3A_73 : memref<!tpu.dma_semaphore, #tpu.memory_space<semaphore_mem>>) src(%dma_wait3A_80 : memref<128x128xf32, #tpu.memory_space<vmem>>) dst(%dma_wait3A_76 : memref<128x128xf32, #tpu.memory_space<vmem_shared>>)
    %barrier3A_81 = arith.constant 0 : index
    tpu.barrier barrier_id(%barrier3A_81)
    "tpu.region"() ({
      %run_scoped3A = tpu.sem_alloc : memref<!tpu.dma_semaphore, #tpu.memory_space<semaphore_mem>>
      %dma_start3A_82 = arith.constant 0 : i32
      %dma_start3A_83 = tpu.memref_slice %arg6[%arg0, %mul3A_2, %dma_start3A_82] : memref<2x10240x128xf32, #tpu.memory_space<hbm>> -> memref<1x640x128xf32, #tpu.memory_space<hbm>>
      %dma_start3A_84 = tpu.memref_squeeze %dma_start3A_83 : memref<1x640x128xf32, #tpu.memory_space<hbm>> -> memref<640x128xf32, #tpu.memory_space<hbm>>
      %dma_start3A_85 = arith.constant 0 : i32
      %dma_start3A_86 = tpu.memref_slice %arg10[%mul3A_2, %dma_start3A_85] : memref<10240x128xf32, #tpu.memory_space<vmem_shared>> -> memref<640x128xf32, #tpu.memory_space<vmem_shared>>
      tpu.enqueue_dma source(%dma_start3A_86 : memref<640x128xf32, #tpu.memory_space<vmem_shared>>) target(%dma_start3A_84 : memref<640x128xf32, #tpu.memory_space<hbm>>) target_semaphore(%run_scoped3A : memref<!tpu.dma_semaphore, #tpu.memory_space<semaphore_mem>>)
      %dma_wait3A_87 = arith.constant 0 : i32
      %dma_wait3A_88 = tpu.memref_slice %arg6[%arg0, %mul3A_2, %dma_wait3A_87] : memref<2x10240x128xf32, #tpu.memory_space<hbm>> -> memref<1x640x128xf32, #tpu.memory_space<hbm>>
      %dma_wait3A_89 = tpu.memref_squeeze %dma_wait3A_88 : memref<1x640x128xf32, #tpu.memory_space<hbm>> -> memref<640x128xf32, #tpu.memory_space<hbm>>
      %dma_wait3A_90 = arith.constant 0 : i32
      %dma_wait3A_91 = tpu.memref_slice %arg10[%mul3A_2, %dma_wait3A_90] : memref<10240x128xf32, #tpu.memory_space<vmem_shared>> -> memref<640x128xf32, #tpu.memory_space<vmem_shared>>
      tpu.wait_dma2 semaphore(%run_scoped3A : memref<!tpu.dma_semaphore, #tpu.memory_space<semaphore_mem>>) src(%dma_wait3A_91 : memref<640x128xf32, #tpu.memory_space<vmem_shared>>) dst(%dma_wait3A_89 : memref<640x128xf32, #tpu.memory_space<hbm>>)
      tpu.yield
    }) : () -> ()
    return
  }
}

module attributes {stable_mosaic.version = 14 : i64} {
  func.func @_tc1_body(%arg0: memref<10240x128xf32, #tpu.memory_space<vmem>>, %arg1: memref<128x128xf32, #tpu.memory_space<vmem>>, %arg2: memref<32x10240xf32, #tpu.memory_space<vmem>>, %arg3: memref<10240x128xf32, #tpu.memory_space<vmem>>, %arg4: memref<10240x1xf32, #tpu.memory_space<vmem>>) attributes {dimension_semantics = [], scalar_prefetch = 0 : i64, scratch_operands = 0 : i64, tpu.core_type = #tpu.core_type<tc>} {
    %get3A = arith.constant 0 : index
    %get3A_0 = arith.constant 0 : index
    %get3A_1 = vector.load %arg2[%get3A, %get3A_0] : memref<32x10240xf32, #tpu.memory_space<vmem>>, vector<32x10240xf32>
    %reduce_sum3A = arith.constant dense<0.000000e+00> : vector<10240xf32>
    %reduce_sum3A_2 = vector.multi_reduction <add>, %get3A_1, %reduce_sum3A [0] : vector<32x10240xf32> to vector<10240xf32>
    %broadcast_in_dim3A = vector.shape_cast %reduce_sum3A_2 : vector<10240xf32> to vector<1x10240xf32>
    %gt3A = arith.constant 0.000000e+00 : f32
    %gt3A_3 = vector.broadcast %gt3A : f32 to vector<1x10240xf32>
    %gt3A_4 = arith.cmpf ogt, %broadcast_in_dim3A, %gt3A_3 : vector<1x10240xf32>
    %rsqrt3A = math.rsqrt %broadcast_in_dim3A : vector<1x10240xf32>
    %jit3A = arith.constant 0.000000e+00 : f32
    %broadcast_in_dim3A_5 = vector.broadcast %jit3A : f32 to vector<1x10240xf32>
    %select_n3A = arith.select %gt3A_4, %rsqrt3A, %broadcast_in_dim3A_5 : vector<1x10240xi1>, vector<1x10240xf32>
    %transpose3A = tpu.transpose %select_n3A, [1, 0] : vector<1x10240xf32> -> vector<10240x1xf32>
    %swap3A = arith.constant 0 : index
    %swap3A_6 = arith.constant 0 : index
    %swap3A_7 = vector.load %arg4[%swap3A, %swap3A_6] : memref<10240x1xf32, #tpu.memory_space<vmem>>, vector<10240x1xf32>
    tpu.vector_store %arg4[%swap3A, %swap3A_6], %transpose3A {strides = array<i32>} : memref<10240x1xf32, #tpu.memory_space<vmem>>, vector<10240x1xf32>,
    %get3A_8 = arith.constant 0 : index
    %get3A_9 = arith.constant 0 : index
    %get3A_10 = vector.load %arg0[%get3A_8, %get3A_9] : memref<10240x128xf32, #tpu.memory_space<vmem>>, vector<10240x128xf32>
    %get3A_11 = arith.constant 0 : index
    %get3A_12 = arith.constant 0 : index
    %get3A_13 = vector.load %arg1[%get3A_11, %get3A_12] : memref<128x128xf32, #tpu.memory_space<vmem>>, vector<128x128xf32>
    %dot_general3A = arith.constant dense<0.000000e+00> : vector<10240x128xf32>
    %dot_general3A_14 = tpu.matmul %get3A_10, %get3A_13, %dot_general3A {dimension_numbers = #tpu.dot_dimension_numbers<[1], [0], [0], [1], [0, 0, 1, 1], [], []>, transpose_lhs_hint = false} : vector<10240x128xf32>, vector<128x128xf32>, vector<10240x128xf32> -> vector<10240x128xf32>
    %mul3A = vector.broadcast %transpose3A : vector<10240x1xf32> to vector<10240x128xf32>
    %mul3A_15 = arith.mulf %dot_general3A_14, %mul3A : vector<10240x128xf32>
    %swap3A_16 = arith.constant 0 : index
    %swap3A_17 = arith.constant 0 : index
    %swap3A_18 = vector.load %arg3[%swap3A_16, %swap3A_17] : memref<10240x128xf32, #tpu.memory_space<vmem>>, vector<10240x128xf32>
    tpu.vector_store %arg3[%swap3A_16, %swap3A_17], %mul3A_15 {strides = array<i32>} : memref<10240x128xf32, #tpu.memory_space<vmem>>, vector<10240x128xf32>,
    return
  }
}

module attributes {stable_mosaic.version = 14 : i64} {
  func.func @_mid_body(%arg0: memref<2x10240x128xf32, #tpu.memory_space<vmem>>, %arg1: memref<10240x1xf32, #tpu.memory_space<vmem>>, %arg2: memref<1x128xf32, #tpu.memory_space<vmem>>, %arg3: memref<1x128xf32, #tpu.memory_space<vmem>>, %arg4: memref<1x128xf32, #tpu.memory_space<vmem>>, %arg5: memref<128x128xf32, #tpu.memory_space<vmem>>, %arg6: memref<10240x128xf32, #tpu.memory_space<vmem>>) attributes {dimension_semantics = [], scalar_prefetch = 0 : i64, scratch_operands = 0 : i64, tpu.core_type = #tpu.core_type<tc>} {
    %get3A = arith.constant 0 : index
    %get3A_0 = arith.constant 0 : index
    %get3A_1 = vector.load %arg1[%get3A, %get3A_0] : memref<10240x1xf32, #tpu.memory_space<vmem>>, vector<10240x1xf32>
    %get3A_2 = arith.constant 0 : index
    %get3A_3 = arith.constant 0 : index
    %get3A_4 = arith.constant 0 : index
    %get3A_5 = vector.load %arg0[%get3A_2, %get3A_3, %get3A_4] : memref<2x10240x128xf32, #tpu.memory_space<vmem>>, vector<1x10240x128xf32>
    %get3A_6 = vector.shape_cast %get3A_5 : vector<1x10240x128xf32> to vector<10240x128xf32>
    %get3A_7 = arith.constant 1 : index
    %get3A_8 = arith.constant 0 : index
    %get3A_9 = arith.constant 0 : index
    %get3A_10 = vector.load %arg0[%get3A_7, %get3A_8, %get3A_9] : memref<2x10240x128xf32, #tpu.memory_space<vmem>>, vector<1x10240x128xf32>
    %get3A_11 = vector.shape_cast %get3A_10 : vector<1x10240x128xf32> to vector<10240x128xf32>
    %add3A = arith.addf %get3A_6, %get3A_11 : vector<10240x128xf32>
    %mul3A = vector.broadcast %get3A_1 : vector<10240x1xf32> to vector<10240x128xf32>
    %mul3A_12 = arith.mulf %add3A, %mul3A : vector<10240x128xf32>
    %get3A_13 = arith.constant 0 : index
    %get3A_14 = arith.constant 0 : index
    %get3A_15 = vector.load %arg2[%get3A_13, %get3A_14] : memref<1x128xf32, #tpu.memory_space<vmem>>, vector<1x128xf32>
    %add3A_16 = vector.broadcast %get3A_15 : vector<1x128xf32> to vector<10240x128xf32>
    %add3A_17 = arith.addf %mul3A_12, %add3A_16 : vector<10240x128xf32>
    %slice3A = vector.extract_strided_slice %add3A_17 {offsets = [0, 0], sizes = [10000, 128], strides = [1, 1]} : vector<10240x128xf32> to vector<10000x128xf32>
    %reduce_sum3A = arith.constant dense<0.000000e+00> : vector<128xf32>
    %reduce_sum3A_18 = vector.multi_reduction <add>, %slice3A, %reduce_sum3A [0] : vector<10000x128xf32> to vector<128xf32>
    %broadcast_in_dim3A = vector.shape_cast %reduce_sum3A_18 : vector<128xf32> to vector<1x128xf32>
    %div3A = arith.constant 1.000000e+04 : f32
    %div3A_19 = vector.broadcast %div3A : f32 to vector<1x128xf32>
    %div3A_20 = arith.divf %broadcast_in_dim3A, %div3A_19 : vector<1x128xf32>
    %sub3A = vector.broadcast %div3A_20 : vector<1x128xf32> to vector<10000x128xf32>
    %sub3A_21 = arith.subf %slice3A, %sub3A : vector<10000x128xf32>
    %integer_pow3A = arith.mulf %sub3A_21, %sub3A_21 : vector<10000x128xf32>
    %reduce_sum3A_22 = arith.constant dense<0.000000e+00> : vector<128xf32>
    %reduce_sum3A_23 = vector.multi_reduction <add>, %integer_pow3A, %reduce_sum3A_22 [0] : vector<10000x128xf32> to vector<128xf32>
    %broadcast_in_dim3A_24 = vector.shape_cast %reduce_sum3A_23 : vector<128xf32> to vector<1x128xf32>
    %div3A_25 = arith.constant 1.000000e+04 : f32
    %div3A_26 = vector.broadcast %div3A_25 : f32 to vector<1x128xf32>
    %div3A_27 = arith.divf %broadcast_in_dim3A_24, %div3A_26 : vector<1x128xf32>
    %sub3A_28 = vector.broadcast %div3A_20 : vector<1x128xf32> to vector<10240x128xf32>
    %sub3A_29 = arith.subf %add3A_17, %sub3A_28 : vector<10240x128xf32>
    %add3A_30 = arith.constant 9.99999974E-6 : f32
    %add3A_31 = vector.broadcast %add3A_30 : f32 to vector<1x128xf32>
    %add3A_32 = arith.addf %div3A_27, %add3A_31 : vector<1x128xf32>
    %rsqrt3A = math.rsqrt %add3A_32 : vector<1x128xf32>
    %mul3A_33 = vector.broadcast %rsqrt3A : vector<1x128xf32> to vector<10240x128xf32>
    %mul3A_34 = arith.mulf %sub3A_29, %mul3A_33 : vector<10240x128xf32>
    %get3A_35 = arith.constant 0 : index
    %get3A_36 = arith.constant 0 : index
    %get3A_37 = vector.load %arg3[%get3A_35, %get3A_36] : memref<1x128xf32, #tpu.memory_space<vmem>>, vector<1x128xf32>
    %mul3A_38 = vector.broadcast %get3A_37 : vector<1x128xf32> to vector<10240x128xf32>
    %mul3A_39 = arith.mulf %mul3A_34, %mul3A_38 : vector<10240x128xf32>
    %get3A_40 = arith.constant 0 : index
    %get3A_41 = arith.constant 0 : index
    %get3A_42 = vector.load %arg4[%get3A_40, %get3A_41] : memref<1x128xf32, #tpu.memory_space<vmem>>, vector<1x128xf32>
    %add3A_43 = vector.broadcast %get3A_42 : vector<1x128xf32> to vector<10240x128xf32>
    %add3A_44 = arith.addf %mul3A_39, %add3A_43 : vector<10240x128xf32>
    %max3A = arith.constant 0.000000e+00 : f32
    %max3A_45 = vector.broadcast %max3A : f32 to vector<10240x128xf32>
    %max3A_46 = arith.maximumf %add3A_44, %max3A_45 : vector<10240x128xf32>
    %get3A_47 = arith.constant 0 : index
    %get3A_48 = arith.constant 0 : index
    %get3A_49 = vector.load %arg5[%get3A_47, %get3A_48] : memref<128x128xf32, #tpu.memory_space<vmem>>, vector<128x128xf32>
    %dot_general3A = arith.constant dense<0.000000e+00> : vector<10240x128xf32>
    %dot_general3A_50 = tpu.matmul %max3A_46, %get3A_49, %dot_general3A {dimension_numbers = #tpu.dot_dimension_numbers<[1], [0], [0], [1], [0, 0, 1, 1], [], []>, transpose_lhs_hint = false} : vector<10240x128xf32>, vector<128x128xf32>, vector<10240x128xf32> -> vector<10240x128xf32>
    %mul3A_51 = vector.broadcast %get3A_1 : vector<10240x1xf32> to vector<10240x128xf32>
    %mul3A_52 = arith.mulf %dot_general3A_50, %mul3A_51 : vector<10240x128xf32>
    %swap3A = arith.constant 0 : index
    %swap3A_53 = arith.constant 0 : index
    %swap3A_54 = vector.load %arg6[%swap3A, %swap3A_53] : memref<10240x128xf32, #tpu.memory_space<vmem>>, vector<10240x128xf32>
    tpu.vector_store %arg6[%swap3A, %swap3A_53], %mul3A_52 {strides = array<i32>} : memref<10240x128xf32, #tpu.memory_space<vmem>>, vector<10240x128xf32>,
    return
  }
}

module attributes {stable_mosaic.version = 14 : i64} {
  func.func @_fin_body(%arg0: memref<2x10240x128xf32, #tpu.memory_space<vmem>>, %arg1: memref<10240x1xf32, #tpu.memory_space<vmem>>, %arg2: memref<1x128xf32, #tpu.memory_space<vmem>>, %arg3: memref<1x128xf32, #tpu.memory_space<vmem>>, %arg4: memref<1x128xf32, #tpu.memory_space<vmem>>, %arg5: memref<1x10000xi32, #tpu.memory_space<vmem>>, %arg6: memref<128x256xf32, #tpu.memory_space<vmem>>, %arg7: memref<1x256xf32, #tpu.memory_space<vmem>>, %arg8: memref<256x40xf32, #tpu.memory_space<vmem>>, %arg9: memref<1x40xf32, #tpu.memory_space<vmem>>, %arg10: memref<16x40xf32, #tpu.memory_space<vmem>>) attributes {dimension_semantics = [], scalar_prefetch = 0 : i64, scratch_operands = 0 : i64, tpu.core_type = #tpu.core_type<tc>} {
    %get3A = arith.constant 0 : index
    %get3A_0 = arith.constant 0 : index
    %get3A_1 = arith.constant 0 : index
    %get3A_2 = vector.load %arg0[%get3A, %get3A_0, %get3A_1] : memref<2x10240x128xf32, #tpu.memory_space<vmem>>, vector<1x10240x128xf32>
    %get3A_3 = vector.shape_cast %get3A_2 : vector<1x10240x128xf32> to vector<10240x128xf32>
    %get3A_4 = arith.constant 1 : index
    %get3A_5 = arith.constant 0 : index
    %get3A_6 = arith.constant 0 : index
    %get3A_7 = vector.load %arg0[%get3A_4, %get3A_5, %get3A_6] : memref<2x10240x128xf32, #tpu.memory_space<vmem>>, vector<1x10240x128xf32>
    %get3A_8 = vector.shape_cast %get3A_7 : vector<1x10240x128xf32> to vector<10240x128xf32>
    %add3A = arith.addf %get3A_3, %get3A_8 : vector<10240x128xf32>
    %get3A_9 = arith.constant 0 : index
    %get3A_10 = arith.constant 0 : index
    %get3A_11 = vector.load %arg1[%get3A_9, %get3A_10] : memref<10240x1xf32, #tpu.memory_space<vmem>>, vector<10240x1xf32>
    %mul3A = vector.broadcast %get3A_11 : vector<10240x1xf32> to vector<10240x128xf32>
    %mul3A_12 = arith.mulf %add3A, %mul3A : vector<10240x128xf32>
    %get3A_13 = arith.constant 0 : index
    %get3A_14 = arith.constant 0 : index
    %get3A_15 = vector.load %arg2[%get3A_13, %get3A_14] : memref<1x128xf32, #tpu.memory_space<vmem>>, vector<1x128xf32>
    %add3A_16 = vector.broadcast %get3A_15 : vector<1x128xf32> to vector<10240x128xf32>
    %add3A_17 = arith.addf %mul3A_12, %add3A_16 : vector<10240x128xf32>
    %slice3A = vector.extract_strided_slice %add3A_17 {offsets = [0, 0], sizes = [10000, 128], strides = [1, 1]} : vector<10240x128xf32> to vector<10000x128xf32>
    %reduce_sum3A = arith.constant dense<0.000000e+00> : vector<128xf32>
    %reduce_sum3A_18 = vector.multi_reduction <add>, %slice3A, %reduce_sum3A [0] : vector<10000x128xf32> to vector<128xf32>
    %broadcast_in_dim3A = vector.shape_cast %reduce_sum3A_18 : vector<128xf32> to vector<1x128xf32>
    %div3A = arith.constant 1.000000e+04 : f32
    %div3A_19 = vector.broadcast %div3A : f32 to vector<1x128xf32>
    %div3A_20 = arith.divf %broadcast_in_dim3A, %div3A_19 : vector<1x128xf32>
    %sub3A = vector.broadcast %div3A_20 : vector<1x128xf32> to vector<10000x128xf32>
    %sub3A_21 = arith.subf %slice3A, %sub3A : vector<10000x128xf32>
    %integer_pow3A = arith.mulf %sub3A_21, %sub3A_21 : vector<10000x128xf32>
    %reduce_sum3A_22 = arith.constant dense<0.000000e+00> : vector<128xf32>
    %reduce_sum3A_23 = vector.multi_reduction <add>, %integer_pow3A, %reduce_sum3A_22 [0] : vector<10000x128xf32> to vector<128xf32>
    %broadcast_in_dim3A_24 = vector.shape_cast %reduce_sum3A_23 : vector<128xf32> to vector<1x128xf32>
    %div3A_25 = arith.constant 1.000000e+04 : f32
    %div3A_26 = vector.broadcast %div3A_25 : f32 to vector<1x128xf32>
    %div3A_27 = arith.divf %broadcast_in_dim3A_24, %div3A_26 : vector<1x128xf32>
    %sub3A_28 = vector.broadcast %div3A_20 : vector<1x128xf32> to vector<10000x128xf32>
    %sub3A_29 = arith.subf %slice3A, %sub3A_28 : vector<10000x128xf32>
    %add3A_30 = arith.constant 9.99999974E-6 : f32
    %add3A_31 = vector.broadcast %add3A_30 : f32 to vector<1x128xf32>
    %add3A_32 = arith.addf %div3A_27, %add3A_31 : vector<1x128xf32>
    %rsqrt3A = math.rsqrt %add3A_32 : vector<1x128xf32>
    %mul3A_33 = vector.broadcast %rsqrt3A : vector<1x128xf32> to vector<10000x128xf32>
    %mul3A_34 = arith.mulf %sub3A_29, %mul3A_33 : vector<10000x128xf32>
    %get3A_35 = arith.constant 0 : index
    %get3A_36 = arith.constant 0 : index
    %get3A_37 = vector.load %arg3[%get3A_35, %get3A_36] : memref<1x128xf32, #tpu.memory_space<vmem>>, vector<1x128xf32>
    %mul3A_38 = vector.broadcast %get3A_37 : vector<1x128xf32> to vector<10000x128xf32>
    %mul3A_39 = arith.mulf %mul3A_34, %mul3A_38 : vector<10000x128xf32>
    %get3A_40 = arith.constant 0 : index
    %get3A_41 = arith.constant 0 : index
    %get3A_42 = vector.load %arg4[%get3A_40, %get3A_41] : memref<1x128xf32, #tpu.memory_space<vmem>>, vector<1x128xf32>
    %add3A_43 = vector.broadcast %get3A_42 : vector<1x128xf32> to vector<10000x128xf32>
    %add3A_44 = arith.addf %mul3A_39, %add3A_43 : vector<10000x128xf32>
    %max3A = arith.constant 0.000000e+00 : f32
    %max3A_45 = vector.broadcast %max3A : f32 to vector<10000x128xf32>
    %max3A_46 = arith.maximumf %add3A_44, %max3A_45 : vector<10000x128xf32>
    %get3A_47 = arith.constant 0 : index
    %get3A_48 = arith.constant 0 : index
    %get3A_49 = vector.load %arg5[%get3A_47, %get3A_48] : memref<1x10000xi32, #tpu.memory_space<vmem>>, vector<1x10000xi32>
    %iota3A = tpu.iota {dimensions = array<i32: 0>} : vector<16x10000xi32>
    %eq3A = vector.broadcast %get3A_49 : vector<1x10000xi32> to vector<16x10000xi32>
    %eq3A_50 = arith.cmpi eq, %eq3A, %iota3A : vector<16x10000xi32>
    %convert_element_type3A = arith.extui %eq3A_50 : vector<16x10000xi1> to vector<16x10000xi32>
    %convert_element_type3A_51 = arith.sitofp %convert_element_type3A : vector<16x10000xi32> to vector<16x10000xf32>
    %dot_general3A = arith.constant dense<0.000000e+00> : vector<16x128xf32>
    %dot_general3A_52 = tpu.matmul %convert_element_type3A_51, %max3A_46, %dot_general3A {dimension_numbers = #tpu.dot_dimension_numbers<[1], [0], [0], [1], [0, 0, 1, 1], [], []>, transpose_lhs_hint = false} : vector<16x10000xf32>, vector<10000x128xf32>, vector<16x128xf32> -> vector<16x128xf32>
    %broadcast_in_dim3A_53 = arith.constant 1.000000e+00 : f32
    %broadcast_in_dim3A_54 = vector.broadcast %broadcast_in_dim3A_53 : f32 to vector<10000x1xf32>
    %dot_general3A_55 = arith.constant dense<0.000000e+00> : vector<16x1xf32>
    %dot_general3A_56 = tpu.matmul %convert_element_type3A_51, %broadcast_in_dim3A_54, %dot_general3A_55 {dimension_numbers = #tpu.dot_dimension_numbers<[1], [0], [0], [1], [0, 0, 1, 1], [], []>, transpose_lhs_hint = false} : vector<16x10000xf32>, vector<10000x1xf32>, vector<16x1xf32> -> vector<16x1xf32>
    %max3A_57 = arith.constant 1.000000e+00 : f32
    %max3A_58 = vector.broadcast %max3A_57 : f32 to vector<16x1xf32>
    %max3A_59 = arith.maximumf %dot_general3A_56, %max3A_58 : vector<16x1xf32>
    %div3A_60 = vector.broadcast %max3A_59 : vector<16x1xf32> to vector<16x128xf32>
    %div3A_61 = arith.divf %dot_general3A_52, %div3A_60 : vector<16x128xf32>
    %get3A_62 = arith.constant 0 : index
    %get3A_63 = arith.constant 0 : index
    %get3A_64 = vector.load %arg6[%get3A_62, %get3A_63] : memref<128x256xf32, #tpu.memory_space<vmem>>, vector<128x256xf32>
    %dot_general3A_65 = arith.constant dense<0.000000e+00> : vector<16x256xf32>
    %dot_general3A_66 = tpu.matmul %div3A_61, %get3A_64, %dot_general3A_65 {dimension_numbers = #tpu.dot_dimension_numbers<[1], [0], [0], [1], [0, 0, 1, 1], [], []>, transpose_lhs_hint = false} : vector<16x128xf32>, vector<128x256xf32>, vector<16x256xf32> -> vector<16x256xf32>
    %get3A_67 = arith.constant 0 : index
    %get3A_68 = arith.constant 0 : index
    %get3A_69 = vector.load %arg7[%get3A_67, %get3A_68] : memref<1x256xf32, #tpu.memory_space<vmem>>, vector<1x256xf32>
    %add3A_70 = vector.broadcast %get3A_69 : vector<1x256xf32> to vector<16x256xf32>
    %add3A_71 = arith.addf %dot_general3A_66, %add3A_70 : vector<16x256xf32>
    %max3A_72 = arith.constant 0.000000e+00 : f32
    %max3A_73 = vector.broadcast %max3A_72 : f32 to vector<16x256xf32>
    %max3A_74 = arith.maximumf %add3A_71, %max3A_73 : vector<16x256xf32>
    %get3A_75 = arith.constant 0 : index
    %get3A_76 = arith.constant 0 : index
    %get3A_77 = vector.load %arg8[%get3A_75, %get3A_76] : memref<256x40xf32, #tpu.memory_space<vmem>>, vector<256x40xf32>
    %dot_general3A_78 = arith.constant dense<0.000000e+00> : vector<16x40xf32>
    %dot_general3A_79 = tpu.matmul %max3A_74, %get3A_77, %dot_general3A_78 {dimension_numbers = #tpu.dot_dimension_numbers<[1], [0], [0], [1], [0, 0, 1, 1], [], []>, transpose_lhs_hint = false} : vector<16x256xf32>, vector<256x40xf32>, vector<16x40xf32> -> vector<16x40xf32>
    %get3A_80 = arith.constant 0 : index
    %get3A_81 = arith.constant 0 : index
    %get3A_82 = vector.load %arg9[%get3A_80, %get3A_81] : memref<1x40xf32, #tpu.memory_space<vmem>>, vector<1x40xf32>
    %add3A_83 = vector.broadcast %get3A_82 : vector<1x40xf32> to vector<16x40xf32>
    %add3A_84 = arith.addf %dot_general3A_79, %add3A_83 : vector<16x40xf32>
    %swap3A = arith.constant 0 : index
    %swap3A_85 = arith.constant 0 : index
    %swap3A_86 = vector.load %arg10[%swap3A, %swap3A_85] : memref<16x40xf32, #tpu.memory_space<vmem>>, vector<16x40xf32>
    tpu.vector_store %arg10[%swap3A, %swap3A_85], %add3A_84 {strides = array<i32>} : memref<16x40xf32, #tpu.memory_space<vmem>>, vector<16x40xf32>,
    return
  }
}

</mosaic_0001>

<sc_bundles>
// kernel: kernel.11.cloned.1.call-start
scs
__scs_entry_jumppad:
0x0: {  	(pc) =	sbr.rel $0x88, $3  }
0x1: {  	(tag) =	ssettag $0x0;
	lr =	simm.s32 $0x1  }
0x2: {  	[smem:$0x3F92] =	sst lr;
	_ =	strace $0xD0000000  }
0x3: {  	_ = 	snop  }
0x4: {  	_ = 	snop  }
0x5: {  	_ = 	snop  }
0x6: {  	_ = 	snop  }
0x7: {  	_ = 	snop  }
__scs_overlays_trampoline_lowered:
0x8: {  	[smem:$0x3FA1] =	sst s0  }
0x9: {  	[smem:$0x3FA2] =	sst s1  }
0xa: {  	[smem:$0x3FA3] =	sst s2  }
0xb: {  	[smem:$0x3FA4] =	sst s3  }
0xc: {  	[smem:$0x3FA5] =	sst s4  }
0xd: {  	[smem:$0x3FA6] =	sst s5  }
0xe: {  	[smem:$0x3FA7] =	sst s6  }
0xf: {  	[smem:$0x3FA8] =	sst s7  }
0x10: {  	[smem:$0x3FA9] =	sst s8  }
0x11: {  	[smem:$0x3FAA] =	sst s9;
	s0 =	simm.s32 @!p0 $0x0  }
0x12: {  	s1 =	sld [smem:$0x3F90];
	s0 =	simm.s32 @p0 $0x1  }
0x13: {  	[smem:$0x3FAB] =	sst s0;
	s0 =	simm.s32 @!p1 $0x0  }
0x14: {  	s2 =	sld [smem:$0x3F8F];
	s0 =	simm.s32 @p1 $0x1  }
0x15: {  	[smem:$0x3FAC] =	sst s0;
	s0 =	simm.s32 @!p2 $0x0  }
0x16: {  	s3 =	sld [smem:$0x3FDB];
	s0 =	simm.s32 @p2 $0x1  }
0x17: {  	s4 =	simm.s32 $0x1BF5;
	[smem:$0x3FAE] =	sst s0  }
0x18: {  	s0 =	sld [smem:$0x3F91];
	_ =	swait.ge [sflag:s4], $0x0  }
0x19: {  	s7 =	sld [smem:$0x3F92]  }
0x1a: {  	s8 =	sadd.s32 $0xFFFFE003, lr  }
0x1b: {  	s9 =	sadd.s32 $0xFFFFFEF7, lr;
	s5 =	simm.s32 $0xFFFFFFFF;
	p2 =	slt.u32 s8, $0xFFFFF086  }
0x1c: {  	p1 =	slt.u32 s9, $0xF7A;
	s5 =	simm.s32 @!p2 $0x0  }
0x1d: {  	s5 =	simm.s32 @p1 $0x1;
	p0 =	seq.s32 s7, s2  }
0x1e: {  	s7 =	smul.u32 @!p0 $0xF7A, s2;
	p2 =	seq.s32 @!p0 s5, $0x0  }
0x1f: {  	s9 =	smul.u32 $0xF7A, s1;
	s8 =	simm.s32 @!p0 $0x1BF5;
	p2 =	por !p2, p0  }
0x20: {  	[sflag:s8] =	ssyncset.s32 @!p0 $0xFFFFF086;
	s6 =	sadd.s32 @!p0 s3, s7;
	s7 =	simm.s32 @!p0 $0x108  }
0x21: {  	s3 =	sadd.s32 s3, s9;
	s6 =	sadd.s32 @!p0 $0x88, s6;
	s7 =	simm.s32 @p2 $0x1082  }
0x22: {  	[simem:s7], [sflag:s8] =	dma.local @!p0 [hbm:s6], $0xF7A  }
0x23: {  	s9 =	sor.u32 $0xD0000000, s2;
	s6 =	simm.s32 $0x108;
	_ =	swait.ge @!p0 [sflag:s8], $0x0  }
0x24: {  	s3 =	sadd.s32 $0x88, s3;
	s6 =	simm.s32 @!p1 $0x1082;
	[sflag:s4] =	ssyncset.s32 $0xFFFFF086  }
0x25: {  	[simem:s6], [sflag:s4] =	dma.local [hbm:s3], $0xF7A  }
0x26: {  	[smem:$0x3F92] =	sst s1;
	(tag) =	ssettag s2;
	_ =	strace s9  }
0x27: {  	s1 =	sld [smem:$0x3FA2]  }
0x28: {  	s2 =	sld [smem:$0x3FA3]  }
0x29: {  	s4 =	sld [smem:$0x3FA5]  }
0x2a: {  	p0 =	seq.s32 s5, $0x0;
	s5 =	sld [smem:$0x3FA6]  }
0x2b: {  	s6 =	sld [smem:$0x3FA7]  }
0x2c: {  	s7 =	sld [smem:$0x3FA8]  }
0x2d: {  	s3 =	simm.s32 $0x108;
	s8 =	sld [smem:$0x3FA9]  }
0x2e: {  	s3 =	simm.s32 @!p0 $0x1082;
	s9 =	sld [smem:$0x3FAA]  }
0x2f: {  	lr =	sadd.s32 s0, s3;
	s0 =	sld [smem:$0x3FA1]  }
0x30: {  	s3 =	sld [smem:$0x3FA4]  }
0x31: {  	[smem:$0x3FAD] =	sst s10  }
0x32: {  	s10 =	sld [smem:$0x3FAB];
	_ =	sdelay $0x3  }
0x33: {  	p0 =	seq.s32 s10, $0x1;
	s10 =	sld [smem:$0x3FAD];
	_ =	sdelay $0x3  }
0x34: {  	[smem:$0x3FAD] =	sst s10  }
0x35: {  	s10 =	sld [smem:$0x3FAC];
	_ =	sdelay $0x3  }
0x36: {  	p1 =	seq.s32 s10, $0x1;
	s10 =	sld [smem:$0x3FAD];
	_ =	sdelay $0x3  }
0x37: {  	[smem:$0x3FAD] =	sst s10  }
0x38: {  	s10 =	sld [smem:$0x3FAE]  }
0x39: {  	_ = 	snop;
	(pc) =	sbr.ind lr, $3  }
0x3a: {  	_ = 	snop  }
0x3b: {  	_ = 	snop  }
0x3c: {  	p2 =	seq.s32 s10, $0x1;
	s10 =	sld [smem:$0x3FAD]  }
0x3d: {  	_ =	shalt  }
0x3e: {  	_ =	shalt  }
0x3f: {  	_ =	shalt  }
0x40: {  	_ =	shalt  }
0x41: {  	_ =	shalt  }
0x42: {  	_ =	shalt  }
0x43: {  	_ =	shalt  }
0x44: {  	_ =	shalt  }
0x45: {  	_ =	shalt  }
0x46: {  	_ =	shalt  }
0x47: {  	_ =	shalt  }
0x48: {  	_ =	shalt  }
0x49: {  	_ =	shalt  }
0x4a: {  	_ =	shalt  }
0x4b: {  	_ =	shalt  }
0x4c: {  	_ =	shalt  }
0x4d: {  	_ =	shalt  }
0x4e: {  	_ =	shalt  }
0x4f: {  	_ =	shalt  }
0x50: {  	_ =	shalt  }
0x51: {  	_ =	shalt  }
0x52: {  	_ =	shalt  }
0x53: {  	_ =	shalt  }
0x54: {  	_ =	shalt  }
0x55: {  	_ =	shalt  }
0x56: {  	_ =	shalt  }
0x57: {  	_ =	shalt  }
0x58: {  	_ =	shalt  }
0x59: {  	_ =	shalt  }
0x5a: {  	_ =	shalt  }
0x5b: {  	_ =	shalt  }
0x5c: {  	_ =	shalt  }
0x5d: {  	_ =	shalt  }
0x5e: {  	_ =	shalt  }
0x5f: {  	_ =	shalt  }
0x60: {  	_ =	shalt  }
0x61: {  	_ =	shalt  }
0x62: {  	_ =	shalt  }
0x63: {  	_ =	shalt  }
0x64: {  	_ =	shalt  }
0x65: {  	_ =	shalt  }
0x66: {  	_ =	shalt  }
0x67: {  	_ =	shalt  }
0x68: {  	_ =	shalt  }
0x69: {  	_ =	shalt  }
0x6a: {  	_ =	shalt  }
0x6b: {  	_ =	shalt  }
0x6c: {  	_ =	shalt  }
0x6d: {  	_ =	shalt  }
0x6e: {  	_ =	shalt  }
0x6f: {  	_ =	shalt  }
0x70: {  	_ =	shalt  }
0x71: {  	_ =	shalt  }
0x72: {  	_ =	shalt  }
0x73: {  	_ =	shalt  }
0x74: {  	_ =	shalt  }
0x75: {  	_ =	shalt  }
0x76: {  	_ =	shalt  }
0x77: {  	_ =	shalt  }
0x78: {  	_ =	shalt  }
0x79: {  	_ =	shalt  }
0x7a: {  	_ =	shalt  }
0x7b: {  	_ =	shalt  }
0x7c: {  	_ =	shalt  }
0x7d: {  	_ =	shalt  }
0x7e: {  	_ =	shalt  }
0x7f: {  	_ =	shalt  }
0x80: {  	_ =	shalt  }
0x81: {  	_ =	shalt  }
0x82: {  	_ =	shalt  }
0x83: {  	_ =	shalt  }
0x84: {  	_ =	shalt  }
0x85: {  	_ =	shalt  }
0x86: {  	_ =	shalt  }
0x87: {  	_ =	shalt  }
.Lfunc_end0:
.L_simem_size_0:
called_computation.1_lowered:
.L_overlay_start_0:
0x88: {  	s2 =	sld [smem:$0x3FD9]  }
0x89: {  	s3 =	sld [smem:$0x3FFE];
	_ =	sdelay $0x1  }
0x8a: {  	s1 =	srdreg.scid  }
0x8b: {  	s0 =	sand.u32 $0x1, s1  }
0x8c: {  	s16 =	sshll.u32 s0, $0xA;
	s2 =	sadd.s32 s3, s2  }
0x8d: {  	s2 =	sadd.s32 s2, s16  }
0x8e: {  	[smem:$0x3FB9] =	sst s2  }
0x8f: {  	_ = 	snop  }
0x90: {  	(tm) =	ssettm $0x1  }
0x91: {  	s17 =	sld [smem:$0x3FFB];
	_ =	sdelay $0x3  }
0x92: {  	_ =	strace s17  }
0x93: {  	s2 =	sld [smem:$0x3FFC];
	_ =	sdelay $0x3  }
0x94: {  	_ =	strace s2  }
0x95: {  	s2 =	sld [smem:$0x3FFD];
	_ =	sdelay $0x3  }
0x96: {  	_ =	strace s2  }
0x97: {  	_ =	strace $0x8FFFFFFF  }
0x98: {  	s18 =	sld [smem:$0x3FDB];
	_ =	sdelay $0x1  }
0x99: {  	s19 =	simm.s32 $_scs_section_size  }
0x9a: {  	s4 =	simm.s32 $_size__tile_overlayer_lowered;
	s5 =	simm.s32 $_tile_overlayer_lowered  }
0x9b: {  	s22 =	simm.s32 $0x1BFF;
	s21 =	sshll.u32 s5, $0x1;
	s2 =	sadd.s32 s19, s18  }
0x9c: {  	s6 =	simm.s32 $0x0;
	s20 =	sshll.u32 s4, $0x1;
	s4 =	sadd.s32 s21, s2  }
0x9d: {  	[timem:s6], [sflag:s22] =	dma.local [hbm:s4], s20  }
0x9e: {  	_ =	swait.ge [sflag:s22], s20  }
0x9f: {  	s3 =	ssub.s32 $0x0, s20;
	[sflag:s22] =	ssyncset.done $0x0  }
0xa0: {  	[sflag:s22] =	ssyncadd.s32 s3;
	_ =	sdelay $0x1  }
0xa1: {  	s23 =	simm.s32 $0x1B8B  }
0xa2: {  	_ =	swait.ge [sflag:s23], $0x1  }
0xa3: {  	[sflag:s23] =	ssyncset.done $0x0  }
0xa4: {  	s25 =	simm.s32 $0x1B8E;
	s24 =	sld [smem:$0x3FFE];
	[sflag:s23] =	ssyncadd.s32 $0xFFFFFFFF  }
0xa5: {  	s26 =	simm.s32 $execute0_lowered;
	[smem:$0x3FD2] =	sst s25  }
0xa6: {  	s4 =	sshll.u32 s26, $0x1;
	_ =	strace $0x80000049;
	[dreg:$0x1] =	wrdreg $0xFFFFFFFF  }
0xa7: {  	s28 =	simm.s32 $_size_execute0_lowered;
	s2 =	sadd.s32 s2, s4;
	[dreg:$0x0] =	wrdreg $0x0  }
0xa8: {  	s4 =	sshll.u32 s28, $0x1;
	[dreg:$0x2] =	wrdreg s2  }
0xa9: {  	[dreg:$0x3] =	wrdreg s4  }
0xaa: {  	[dreg:$0x4] =	wrdreg $0xC0  }
0xab: {  	_ =	task [dreg:s6], $0x5FFFF  }
0xac: {  	[dreg:$0x1] =	wrdreg $0xFFFFFFFF  }
0xad: {  	[dreg:$0x0] =	wrdreg $0x60  }
0xae: {  	[dreg:$0x2] =	wrdreg s24  }
0xaf: {  	[dreg:$0x3] =	wrdreg $0x90000  }
0xb0: {  	[dreg:$0x4] =	wrdreg $0x9  }
0xb1: {  	_ =	task.clear_ibuf [dreg:s6], $0x5FFFF;
	_ =	strace $0x90000049  }
0xb2: {  	s29 =	simm.s32 $0x9;
	_ =	strace $0x8000004B  }
0xb3: {  	_ =	swait.ge [sflag:s29], $0x1  }
0xb4: {  	[sflag:s29] =	ssyncadd.s32 $0xFFFFFFFF  }
0xb5: {  	_ =	strace $0x9000004B  }
0xb6: {  	_ =	sfence  }
0xb7: {  	s30 =	sld [smem:$0x0];
	_ =	sdelay $0x2  }
0xb8: {  	s31 =	sshll.u32 s1, $0xD;
	s1 =	sshrl.u32 s1, $0x2  }
0xb9: {  	s3 =	sand.u32 $0x4000, s31;
	s1 =	sadd.s32 s1, s30  }
0xba: {  	s0 =	sor.u32 s3, s0;
	s1 =	sshll.u32 s1, $0x11  }
0xbb: {  	s0 =	sor.u32 s1, s0  }
0xbc: {  	s0 =	sadd.s32 $0x8F2B, s0  }
0xbd: {  	[sflag:s0] =	ssyncadd.remote.s32 $0x1  }
0xbe: {  	_ =	sfence.sel $0xFFFF  }
0xbf: {  	[dreg:$0x0] =	wrdreg $0xFFFFFFFF;
	(pc) =	sbr.abs _section_cstart, $3  }
0xc0: {  	[dreg:$0x1] =	wrdreg $0xFFFFFFFF  }
0xc1: {  	_ =	task.clear_ibuf [dreg:s6], $0x2FFFF;
	_ =	strace $0x9FFFFFFF  }
0xc2: {  	(tm) =	ssettm $0x7FFFFFFF  }
0xc3: {  	_ =	shalt  }
tec
execute0_lowered:
.L_overlay_start_1:
0x0: {  	(tag) =	ssettag $0x1  }
0x1: {  	s5 =	rddreg [dreg:$0x0]  }
0x2: {  	s2 =	rddreg [dreg:$0x1]  }
0x3: {  	s0 =	stileid.u32;
	s4 =	srdreg.scid;
	s3 =	simm.s32 $0x0  }
0x4: {  	s16 =	simm.s32 $0x80;
	s17 =	simm.s32 $0x5000;
	s18 =	simm.s32 $0x1  }
0x5: {  	s19 =	simm.s32 $0x1000;
	s20 =	simm.s32 $0x2;
	s21 =	simm.s32 $0x3  }
0x6: {  	s22 =	simm.s32 $0x4;
	s23 =	simm.s32 $0x0;
	s6 =	smul.u32 $0x14000, s0  }
0x7: {  	s7 =	sand.u32 $0x1, s4;
	[smem:$0x7FF] =	sst s3;
	s28 =	smul.u32 $0x50000, s0  }
0x8: {  	s4 =	sadd.s32 $0x17400, s5;
	s12 =	sadd.s32 $0x3400, s5;
	s14 =	smul.u32 $0x2800, s0  }
0x9: {  	s11 =	sadd.s32 $0xD400, s5;
	s29 =	sshll.u32 s0, $0x6;
	s8 =	smul.u32 $0x140000, s7  }
0xa: {  	_ =	strace $0x8000004A;
	s26 =	ssub.s32 $0x2, s7;
	s13 =	sshll.u32 s7, $0x4  }
0xb: {  	s7 =	smul.u32 $0x28000, s7;
	s9 =	sshrl.u32 s6, $0x3;
	s10 =	sshrl.u32 s26, $0x1  }
0xc: {  	s13 =	sor.u32 s0, s13;
	s6 =	sadd.s32 s6, s8;
	s24 =	sadd.s32 s9, s5  }
0xd: {  	s10 =	ssub.s32 s26, s10;
	s13 =	smul.u32 $0x2800, s13;
	s7 =	sadd.s32 s14, s7  }
0xe: {  	s14 =	simm.s32 $0x9;
	s6 =	sshrl.u32 s6, $0x3;
	s1 =	sadd.s32 $0x3F400, s24  }
0xf: {  	s31 =	sor.u32 $0x400, s7;
	s10 =	smax.u32 s10, $0x1;
	s25 =	sadd.s32 s6, s5  }
0x10: {  	s6 =	sshrl.u32 s28, $0x2;
	[dreg:$0x3] =	wrdreg s1;
	s30 =	sshrl.u32 s13, $0x3  }
0x11: {  	s13 =	sshrl.u32 s31, $0x3;
	s15 =	sadd.s32 s6, s2;
	s6 =	sor.u32 $0x1C09, s29  }
0x12: {  	s7 =	sadd.s32 s12, s30;
	s8 =	sadd.s32 s11, s30;
	s9 =	sadd.s32 $0x67400, s25  }
0x13: {  	s11 =	sadd.s32 s13, s11;
	s12 =	sadd.s32 s13, s12;
	s13 =	sshrl.u32 s15, $0x3  }
.LBB2_1:
0x14: {  	s0 =	rddreg [dreg:$0x3]  }
0x15: {  	[spmem:s13], [sflag:s6] =	dma.local [hbm:s0], $0x2800  }
0x16: {  	_ =	swait.ge [sflag:s14], $0x2800  }
0x17: {  	s24 =	simm.s32 $0x1;
	p0 =	por $0x0, $0x0;
	[sflag:s14] =	ssyncset.done $0x0  }
0x18: {  	s26 =	simm.s32 $0x800;
	s25 =	sand.u32 @!p0 $0x1, s24;
	[sflag:s14] =	ssyncadd.s32 $0xFFFFD800  }
0x19: {  	[tilespmem:s3], [sflag:$0x5] =	stream.linear.gather [hbm4b:s7+s3], $0x400, $0x38;
	[tilespmem:$0x1D000] =	vst v63  }
0x1a: {  	s30 =	simm.s32 @!p0 $0x0;
	s28 =	sshll.u32 @!p0 s25, $0x1;
	s25 =	sshll.u32 @!p0 s25, $0xA  }
0x1b: {  	[tilespmem:s26], [sflag:$0x6] =	stream.linear.gather [hbm4b:s8+s3], $0x400, $0x38;
	[tilespmem:$0x1D000] =	vst v63  }
0x1c: {  	s29 =	sor.u32 @!p0 $0x5, s28;
	s26 =	sand.u32 $0x1, s3;
	[bflag:$0x0] =	sbarrier.arrive $0xFFFF  }
0x1d: {  	[tilespmem:s25], [sflag:s29] =	stream.linear.gather @!p0 [hbm4b:s12+s30], $0x400, $0x38;
	[tilespmem:$0x1D000] =	vst v63  }
0x1e: {  	s29 =	sshll.u32 s26, $0x1  }
0x1f: {  	s28 =	sadd.s32 @!p0 $0x6, s28;
	s25 =	sor.u32 @!p0 $0x800, s25;
	s31 =	sor.u32 $0x5, s29  }
0x20: {  	[tilespmem:s25], [sflag:s28] =	stream.linear.gather @!p0 [hbm4b:s11+s30], $0x400, $0x38;
	[tilespmem:$0x1D000] =	vst v63  }
0x21: {  	_ =	swait.ge [sflag:s31], $0x400  }
0x22: {  	[sflag:s31] =	ssyncset.done $0x0  }
0x23: {  	s0 =	sadd.s32 $0x6, s29;
	[sflag:s31] =	ssyncadd.s32 $0xFFFFFC00  }
0x24: {  	_ =	swait.ge [sflag:s0], $0x400  }
0x25: {  	p0 =	por $0x0, $0x0;
	[sflag:s0] =	ssyncset.done $0x0  }
0x26: {  	s25 =	simm.s32 @p0 $0x3;
	[sflag:s0] =	ssyncadd.s32 $0xFFFFFC00  }
0x27: {  	_ =	swait.ge @p0 [sflag:s25], $0x4000  }
0x28: {  	s29 =	sshll.u32 s26, $0xA;
	s26 =	simm.s32 @p0 $0x4;
	[sflag:s25] =	ssyncset.done @p0 $0x0  }
0x29: {  	s28 =	simm.s32 @p0 $0x1000;
	[sflag:s25] =	ssyncadd.s32 @p0 $0xFFFFC000;
	s25 =	simm.s32 @p0 $0x80  }
0x2a: {  	[tilespmem:s28], [sflag:$0x1] =	stream.indirect.gather @p0 [hbm4b:s4+s25], $0x80, s29, s25, $0xb8;
	[tilespmem:$0x1D000] =	vst v63  }
0x2b: {  	_ =	swait.ge @p0 [sflag:s26], $0x4000  }
0x2c: {  	s30 =	simm.s32 @!p0 $0x0;
	s25 =	sor.u32 @p0 $0x80, s29;
	[sflag:s26] =	ssyncset.done @p0 $0x0  }
0x2d: {  	s28 =	simm.s32 @!p0 $0x1000;
	[sflag:s26] =	ssyncadd.s32 @p0 $0xFFFFC000;
	s26 =	simm.s32 @!p0 $0x80  }
0x2e: {  	[tilespmem:s28], [sflag:$0x1] =	stream.indirect.gather @!p0 [hbm4b:s4+s26], $0x80, s30, s26, $0xb8;
	[tilespmem:$0x1D000] =	vst v63  }
0x2f: {  	s25 =	simm.s32 @!p0 $0x80  }
0x30: {  	[tilespmem:s17], [sflag:$0x2] =	stream.indirect.gather [hbm4b:s4+s16], $0x80, s25, s16, $0xb8;
	[tilespmem:$0x1D000] =	vst v63  }
0x31: {  	s26 =	smov.u32 s29;
	_ =	swait.ge [sflag:s18], $0x4000  }
0x32: {  	s26 =	simm.s32 @!p0 $0x0;
	[sflag:s18] =	ssyncset.done $0x0  }
0x33: {  	s26 =	sor.u32 $0x800, s26;
	[sflag:s18] =	ssyncadd.s32 $0xFFFFC000  }
0x34: {  	[spmem:s2] =	stream.indirect.scatter.add.f32 [tilespmem:s19], [sflag:$0x3], $0x80, s26, s16, $0xb8;
	[tilespmem:$0x1D000] =	vst v63  }
0x35: {  	_ =	swait.ge [sflag:s20], $0x4000  }
0x36: {  	[sflag:s20] =	ssyncset.done $0x0  }
0x37: {  	s25 =	sor.u32 $0x800, s25;
	[sflag:s20] =	ssyncadd.s32 $0xFFFFC000  }
0x38: {  	[spmem:s2] =	stream.indirect.scatter.add.f32 [tilespmem:s17], [sflag:$0x4], $0x80, s25, s16, $0xb8;
	[tilespmem:$0x1D000] =	vst v63  }
0x39: {  	_ =	swait.ge [sflag:s21], $0x4000  }
0x3a: {  	[sflag:s21] =	ssyncset.done $0x0  }
0x3b: {  	s1 =	sor.u32 $0x100, s29;
	[sflag:s21] =	ssyncadd.s32 $0xFFFFC000  }
0x3c: {  	[tilespmem:s19], [sflag:$0x1] =	stream.indirect.gather [hbm4b:s4+s16], $0x80, s1, s16, $0xb8;
	[tilespmem:$0x1D000] =	vst v63  }
0x3d: {  	_ =	swait.ge [sflag:s22], $0x4000  }
0x3e: {  	[sflag:s22] =	ssyncset.done $0x0  }
0x3f: {  	s5 =	sor.u32 $0x180, s29;
	[sflag:s22] =	ssyncadd.s32 $0xFFFFC000  }
0x40: {  	[tilespmem:s17], [sflag:$0x2] =	stream.indirect.gather [hbm4b:s4+s16], $0x80, s5, s16, $0xb8;
	[tilespmem:$0x1D000] =	vst v63  }
0x41: {  	_ =	swait.ge [sflag:s18], $0x4000  }
0x42: {  	[sflag:s18] =	ssyncset.done $0x0  }
0x43: {  	s15 =	sor.u32 $0x900, s29;
	[sflag:s18] =	ssyncadd.s32 $0xFFFFC000  }
0x44: {  	[spmem:s2] =	stream.indirect.scatter.add.f32 [tilespmem:s19], [sflag:$0x3], $0x80, s15, s16, $0xb8;
	[tilespmem:$0x1D000] =	vst v63  }
0x45: {  	_ =	swait.ge [sflag:s20], $0x4000  }
0x46: {  	[sflag:s20] =	ssyncset.done $0x0  }
0x47: {  	s26 =	sor.u32 $0x980, s29;
	[sflag:s20] =	ssyncadd.s32 $0xFFFFC000  }
0x48: {  	[spmem:s2] =	stream.indirect.scatter.add.f32 [tilespmem:s17], [sflag:$0x4], $0x80, s26, s16, $0xb8;
	[tilespmem:$0x1D000] =	vst v63  }
0x49: {  	_ =	swait.ge [sflag:s21], $0x4000  }
0x4a: {  	[sflag:s21] =	ssyncset.done $0x0  }
0x4b: {  	s31 =	sor.u32 $0x200, s29;
	[sflag:s21] =	ssyncadd.s32 $0xFFFFC000  }
0x4c: {  	[tilespmem:s19], [sflag:$0x1] =	stream.indirect.gather [hbm4b:s4+s16], $0x80, s31, s16, $0xb8;
	[tilespmem:$0x1D000] =	vst v63  }
0x4d: {  	_ =	swait.ge [sflag:s22], $0x4000  }
0x4e: {  	[sflag:s22] =	ssyncset.done $0x0  }
0x4f: {  	s0 =	sor.u32 $0x280, s29;
	[sflag:s22] =	ssyncadd.s32 $0xFFFFC000  }
0x50: {  	[tilespmem:s17], [sflag:$0x2] =	stream.indirect.gather [hbm4b:s4+s16], $0x80, s0, s16, $0xb8;
	[tilespmem:$0x1D000] =	vst v63  }
0x51: {  	_ =	swait.ge [sflag:s18], $0x4000  }
0x52: {  	[sflag:s18] =	ssyncset.done $0x0  }
0x53: {  	s1 =	sor.u32 $0xA00, s29;
	[sflag:s18] =	ssyncadd.s32 $0xFFFFC000  }
0x54: {  	[spmem:s2] =	stream.indirect.scatter.add.f32 [tilespmem:s19], [sflag:$0x3], $0x80, s1, s16, $0xb8;
	[tilespmem:$0x1D000] =	vst v63  }
0x55: {  	_ =	swait.ge [sflag:s20], $0x4000  }
0x56: {  	[sflag:s20] =	ssyncset.done $0x0  }
0x57: {  	s5 =	sor.u32 $0xA80, s29;
	[sflag:s20] =	ssyncadd.s32 $0xFFFFC000  }
0x58: {  	[spmem:s2] =	stream.indirect.scatter.add.f32 [tilespmem:s17], [sflag:$0x4], $0x80, s5, s16, $0xb8;
	[tilespmem:$0x1D000] =	vst v63  }
0x59: {  	_ =	swait.ge [sflag:s21], $0x4000  }
0x5a: {  	[sflag:s21] =	ssyncset.done $0x0  }
0x5b: {  	s15 =	sor.u32 $0x300, s29;
	[sflag:s21] =	ssyncadd.s32 $0xFFFFC000  }
0x5c: {  	[tilespmem:s19], [sflag:$0x1] =	stream.indirect.gather [hbm4b:s4+s16], $0x80, s15, s16, $0xb8;
	[tilespmem:$0x1D000] =	vst v63  }
0x5d: {  	_ =	swait.ge [sflag:s22], $0x4000  }
0x5e: {  	[sflag:s22] =	ssyncset.done $0x0  }
0x5f: {  	s26 =	sor.u32 $0x380, s29;
	[sflag:s22] =	ssyncadd.s32 $0xFFFFC000  }
0x60: {  	[tilespmem:s17], [sflag:$0x2] =	stream.indirect.gather [hbm4b:s4+s16], $0x80, s26, s16, $0xb8;
	[tilespmem:$0x1D000] =	vst v63  }
0x61: {  	p1 =	por $0x0, $0x0;
	_ =	swait.ge [sflag:s18], $0x4000  }
0x62: {  	s28 =	simm.s32 $0x2;
	s30 =	sor.u32 $0xB80, s29;
	[sflag:s18] =	ssyncset.done $0x0  }
0x63: {  	s25 =	sadd.s32 $0x80, s11;
	s31 =	sor.u32 $0xB00, s29;
	[sflag:s18] =	ssyncadd.s32 $0xFFFFC000  }
0x64: {  	[spmem:s2] =	stream.indirect.scatter.add.f32 [tilespmem:s19], [sflag:$0x3], $0x80, s31, s16, $0xb8;
	[tilespmem:$0x1D000] =	vst v63  }
0x65: {  	s29 =	sand.u32 $0x1, s24;
	s26 =	sadd.s32 $0x80, s12;
	_ =	swait.ge [sflag:s20], $0x4000  }
.LBB2_2:
0x66: {  	s31 =	sand.u32 @!p1 $0x1, s28  }
0x67: {  	[sflag:s20] =	ssyncset.done $0x0;
	s0 =	smov.u32 s28;
	s28 =	sadd.s32 $0x1, s28  }
0x68: {  	s1 =	sshll.u32 @!p1 s31, $0xA;
	s31 =	sshll.u32 @!p1 s31, $0x1;
	[sflag:s20] =	ssyncadd.s32 $0xFFFFC000  }
0x69: {  	[spmem:s2] =	stream.indirect.scatter.add.f32 [tilespmem:s17], [sflag:$0x4], $0x80, s30, s16, $0xb8;
	[tilespmem:$0x1D000] =	vst v63  }
0x6a: {  	s15 =	simm.s32 @!p1 $0x0;
	s30 =	sor.u32 @!p1 $0x5, s31;
	s5 =	sor.u32 @!p1 $0x800, s1  }
0x6b: {  	[tilespmem:s1], [sflag:s30] =	stream.linear.gather @!p1 [hbm4b:s26+s15], $0x400, $0x38;
	[tilespmem:$0x1D000] =	vst v63  }
0x6c: {  	p0 =	sne.s32 s28, $0xA;
	s1 =	sadd.s32 @!p1 $0x6, s31;
	s30 =	sshll.u32 s29, $0x1  }
0x6d: {  	[tilespmem:s5], [sflag:s1] =	stream.linear.gather @!p1 [hbm4b:s25+s15], $0x400, $0x38;
	[tilespmem:$0x1D000] =	vst v63  }
0x6e: {  	s1 =	sor.u32 $0x5, s30  }
0x6f: {  	_ =	swait.ge [sflag:s1], $0x400  }
0x70: {  	[sflag:s1] =	ssyncset.done $0x0  }
0x71: {  	[sflag:s1] =	ssyncadd.s32 $0xFFFFFC00;
	s1 =	sadd.s32 $0x6, s30  }
0x72: {  	s29 =	sshll.u32 s29, $0xA;
	_ =	swait.ge [sflag:s1], $0x400  }
0x73: {  	p1 =	sne.s32 s24, $0x0;
	s15 =	smov.u32 s29;
	[sflag:s1] =	ssyncset.done $0x0  }
0x74: {  	s5 =	simm.s32 @p1 $0x3;
	[sflag:s1] =	ssyncadd.s32 $0xFFFFFC00;
	s1 =	sor.u32 @p1 $0x80, s29  }
0x75: {  	s24 =	smov.u32 s0;
	s15 =	simm.s32 @!p1 $0x0;
	_ =	swait.ge @p1 [sflag:s5], $0x4000  }
0x76: {  	s0 =	simm.s32 @p1 $0x4;
	[sflag:s5] =	ssyncset.done @p1 $0x0  }
0x77: {  	s30 =	simm.s32 @p1 $0x1000;
	[sflag:s5] =	ssyncadd.s32 @p1 $0xFFFFC000;
	s5 =	simm.s32 @p1 $0x80  }
0x78: {  	[tilespmem:s30], [sflag:$0x1] =	stream.indirect.gather @p1 [hbm4b:s4+s5], $0x80, s29, s5, $0xb8;
	[tilespmem:$0x1D000] =	vst v63  }
0x79: {  	_ =	swait.ge @p1 [sflag:s0], $0x4000  }
0x7a: {  	s5 =	simm.s32 @!p1 $0x1000;
	[sflag:s0] =	ssyncset.done @p1 $0x0  }
0x7b: {  	s30 =	simm.s32 @!p1 $0x0;
	[sflag:s0] =	ssyncadd.s32 @p1 $0xFFFFC000;
	s0 =	simm.s32 @!p1 $0x80  }
0x7c: {  	[tilespmem:s5], [sflag:$0x1] =	stream.indirect.gather @!p1 [hbm4b:s4+s0], $0x80, s30, s0, $0xb8;
	[tilespmem:$0x1D000] =	vst v63  }
0x7d: {  	s1 =	simm.s32 @!p1 $0x80  }
0x7e: {  	[tilespmem:s17], [sflag:$0x2] =	stream.indirect.gather [hbm4b:s4+s16], $0x80, s1, s16, $0xb8;
	[tilespmem:$0x1D000] =	vst v63  }
0x7f: {  	_ =	swait.ge [sflag:s18], $0x4000  }
0x80: {  	[sflag:s18] =	ssyncset.done $0x0  }
0x81: {  	s0 =	sor.u32 $0x800, s15;
	[sflag:s18] =	ssyncadd.s32 $0xFFFFC000  }
0x82: {  	[spmem:s2] =	stream.indirect.scatter.add.f32 [tilespmem:s19], [sflag:$0x3], $0x80, s0, s16, $0xb8;
	[tilespmem:$0x1D000] =	vst v63  }
0x83: {  	_ =	swait.ge [sflag:s20], $0x4000  }
0x84: {  	[sflag:s20] =	ssyncset.done $0x0  }
0x85: {  	s0 =	sor.u32 $0x800, s1;
	[sflag:s20] =	ssyncadd.s32 $0xFFFFC000  }
0x86: {  	[spmem:s2] =	stream.indirect.scatter.add.f32 [tilespmem:s17], [sflag:$0x4], $0x80, s0, s16, $0xb8;
	[tilespmem:$0x1D000] =	vst v63  }
0x87: {  	_ =	swait.ge [sflag:s21], $0x4000  }
0x88: {  	[sflag:s21] =	ssyncset.done $0x0  }
0x89: {  	s0 =	sor.u32 $0x100, s29;
	[sflag:s21] =	ssyncadd.s32 $0xFFFFC000  }
0x8a: {  	[tilespmem:s19], [sflag:$0x1] =	stream.indirect.gather [hbm4b:s4+s16], $0x80, s0, s16, $0xb8;
	[tilespmem:$0x1D000] =	vst v63  }
0x8b: {  	_ =	swait.ge [sflag:s22], $0x4000  }
0x8c: {  	[sflag:s22] =	ssyncset.done $0x0  }
0x8d: {  	s0 =	sor.u32 $0x180, s29;
	[sflag:s22] =	ssyncadd.s32 $0xFFFFC000  }
0x8e: {  	[tilespmem:s17], [sflag:$0x2] =	stream.indirect.gather [hbm4b:s4+s16], $0x80, s0, s16, $0xb8;
	[tilespmem:$0x1D000] =	vst v63  }
0x8f: {  	_ =	swait.ge [sflag:s18], $0x4000  }
0x90: {  	[sflag:s18] =	ssyncset.done $0x0  }
0x91: {  	s0 =	sor.u32 $0x900, s29;
	[sflag:s18] =	ssyncadd.s32 $0xFFFFC000  }
0x92: {  	[spmem:s2] =	stream.indirect.scatter.add.f32 [tilespmem:s19], [sflag:$0x3], $0x80, s0, s16, $0xb8;
	[tilespmem:$0x1D000] =	vst v63  }
0x93: {  	_ =	swait.ge [sflag:s20], $0x4000  }
0x94: {  	[sflag:s20] =	ssyncset.done $0x0  }
0x95: {  	s0 =	sor.u32 $0x980, s29;
	[sflag:s20] =	ssyncadd.s32 $0xFFFFC000  }
0x96: {  	[spmem:s2] =	stream.indirect.scatter.add.f32 [tilespmem:s17], [sflag:$0x4], $0x80, s0, s16, $0xb8;
	[tilespmem:$0x1D000] =	vst v63  }
0x97: {  	_ =	swait.ge [sflag:s21], $0x4000  }
0x98: {  	[sflag:s21] =	ssyncset.done $0x0  }
0x99: {  	s0 =	sor.u32 $0x200, s29;
	[sflag:s21] =	ssyncadd.s32 $0xFFFFC000  }
0x9a: {  	[tilespmem:s19], [sflag:$0x1] =	stream.indirect.gather [hbm4b:s4+s16], $0x80, s0, s16, $0xb8;
	[tilespmem:$0x1D000] =	vst v63  }
0x9b: {  	_ =	swait.ge [sflag:s22], $0x4000  }
0x9c: {  	[sflag:s22] =	ssyncset.done $0x0  }
0x9d: {  	s0 =	sor.u32 $0x280, s29;
	[sflag:s22] =	ssyncadd.s32 $0xFFFFC000  }
0x9e: {  	[tilespmem:s17], [sflag:$0x2] =	stream.indirect.gather [hbm4b:s4+s16], $0x80, s0, s16, $0xb8;
	[tilespmem:$0x1D000] =	vst v63  }
0x9f: {  	_ =	swait.ge [sflag:s18], $0x4000  }
0xa0: {  	[sflag:s18] =	ssyncset.done $0x0  }
0xa1: {  	s0 =	sor.u32 $0xA00, s29;
	[sflag:s18] =	ssyncadd.s32 $0xFFFFC000  }
0xa2: {  	[spmem:s2] =	stream.indirect.scatter.add.f32 [tilespmem:s19], [sflag:$0x3], $0x80, s0, s16, $0xb8;
	[tilespmem:$0x1D000] =	vst v63  }
0xa3: {  	_ =	swait.ge [sflag:s20], $0x4000  }
0xa4: {  	[sflag:s20] =	ssyncset.done $0x0  }
0xa5: {  	s0 =	sor.u32 $0xA80, s29;
	[sflag:s20] =	ssyncadd.s32 $0xFFFFC000  }
0xa6: {  	[spmem:s2] =	stream.indirect.scatter.add.f32 [tilespmem:s17], [sflag:$0x4], $0x80, s0, s16, $0xb8;
	[tilespmem:$0x1D000] =	vst v63  }
0xa7: {  	_ =	swait.ge [sflag:s21], $0x4000  }
0xa8: {  	[sflag:s21] =	ssyncset.done $0x0  }
0xa9: {  	s0 =	sor.u32 $0x300, s29;
	[sflag:s21] =	ssyncadd.s32 $0xFFFFC000  }
0xaa: {  	[tilespmem:s19], [sflag:$0x1] =	stream.indirect.gather [hbm4b:s4+s16], $0x80, s0, s16, $0xb8;
	[tilespmem:$0x1D000] =	vst v63  }
0xab: {  	_ =	swait.ge [sflag:s22], $0x4000  }
0xac: {  	[sflag:s22] =	ssyncset.done $0x0  }
0xad: {  	s0 =	sor.u32 $0x380, s29;
	[sflag:s22] =	ssyncadd.s32 $0xFFFFC000  }
0xae: {  	[tilespmem:s17], [sflag:$0x2] =	stream.indirect.gather [hbm4b:s4+s16], $0x80, s0, s16, $0xb8;
	[tilespmem:$0x1D000] =	vst v63  }
.Ltmp0:
0xaf: {  	_ =	swait.ge [sflag:s18], $0x4000;
	(pc) =	sbr.rel @p0 .LBB2_2-.Ltmp0, $4  }
0xb0: {  	s26 =	sadd.s32 $0x80, s26;
	s25 =	sadd.s32 $0x80, s25;
	[sflag:s18] =	ssyncset.done $0x0  }
0xb1: {  	s30 =	sor.u32 $0xB80, s29;
	s0 =	sor.u32 $0xB00, s29;
	[sflag:s18] =	ssyncadd.s32 $0xFFFFC000  }
0xb2: {  	[spmem:s2] =	stream.indirect.scatter.add.f32 [tilespmem:s19], [sflag:$0x3], $0x80, s0, s16, $0xb8;
	[tilespmem:$0x1D000] =	vst v63  }
0xb3: {  	p1 =	seq.s32 s24, $0x9;
	s29 =	sand.u32 $0x1, s24;
	_ =	swait.ge [sflag:s20], $0x4000  }
0xb4: {  	s0 =	sand.u32 @!p1 $0x1, s28;
	[sflag:s20] =	ssyncset.done $0x0  }
0xb5: {  	s15 =	simm.s32 @!p1 $0x0;
	s1 =	sshll.u32 @!p1 s0, $0x1;
	[sflag:s20] =	ssyncadd.s32 $0xFFFFC000  }
0xb6: {  	[spmem:s2] =	stream.indirect.scatter.add.f32 [tilespmem:s17], [sflag:$0x4], $0x80, s30, s16, $0xb8;
	[tilespmem:$0x1D000] =	vst v63  }
0xb7: {  	s31 =	sshll.u32 s29, $0x1;
	s0 =	sshll.u32 @!p1 s0, $0xA;
	s5 =	sor.u32 @!p1 $0x5, s1  }
0xb8: {  	[tilespmem:s0], [sflag:s5] =	stream.linear.gather @!p1 [hbm4b:s26+s15], $0x400, $0x38;
	[tilespmem:$0x1D000] =	vst v63  }
0xb9: {  	s1 =	sadd.s32 @!p1 $0x6, s1;
	s0 =	sor.u32 @!p1 $0x800, s0;
	s26 =	sor.u32 $0x5, s31  }
0xba: {  	[tilespmem:s0], [sflag:s1] =	stream.linear.gather @!p1 [hbm4b:s25+s15], $0x400, $0x38;
	[tilespmem:$0x1D000] =	vst v63  }
0xbb: {  	_ =	swait.ge [sflag:s26], $0x400  }
0xbc: {  	[sflag:s26] =	ssyncset.done $0x0  }
0xbd: {  	s28 =	sadd.s32 $0x6, s31;
	[sflag:s26] =	ssyncadd.s32 $0xFFFFFC00  }
0xbe: {  	_ =	swait.ge [sflag:s28], $0x400  }
0xbf: {  	p0 =	sne.s32 s24, $0x0;
	[sflag:s28] =	ssyncset.done $0x0  }
0xc0: {  	s0 =	simm.s32 @p0 $0x3;
	[sflag:s28] =	ssyncadd.s32 $0xFFFFFC00  }
0xc1: {  	_ =	swait.ge @p0 [sflag:s0], $0x4000  }
0xc2: {  	s24 =	sshll.u32 s29, $0xA;
	s5 =	simm.s32 @p0 $0x1000;
	[sflag:s0] =	ssyncset.done @p0 $0x0  }
0xc3: {  	s1 =	simm.s32 @p0 $0x4;
	[sflag:s0] =	ssyncadd.s32 @p0 $0xFFFFC000;
	s0 =	simm.s32 @p0 $0x80  }
0xc4: {  	[tilespmem:s5], [sflag:$0x1] =	stream.indirect.gather @p0 [hbm4b:s4+s0], $0x80, s24, s0, $0xb8;
	[tilespmem:$0x1D000] =	vst v63  }
0xc5: {  	_ =	swait.ge @p0 [sflag:s1], $0x4000  }
0xc6: {  	s15 =	simm.s32 @!p0 $0x0;
	s0 =	sor.u32 @p0 $0x80, s24;
	[sflag:s1] =	ssyncset.done @p0 $0x0  }
0xc7: {  	s5 =	simm.s32 @!p0 $0x1000;
	[sflag:s1] =	ssyncadd.s32 @p0 $0xFFFFC000;
	s1 =	simm.s32 @!p0 $0x80  }
0xc8: {  	[tilespmem:s5], [sflag:$0x1] =	stream.indirect.gather @!p0 [hbm4b:s4+s1], $0x80, s15, s1, $0xb8;
	[tilespmem:$0x1D000] =	vst v63  }
0xc9: {  	s0 =	simm.s32 @!p0 $0x80  }
0xca: {  	[tilespmem:s17], [sflag:$0x2] =	stream.indirect.gather [hbm4b:s4+s16], $0x80, s0, s16, $0xb8;
	[tilespmem:$0x1D000] =	vst v63  }
0xcb: {  	s1 =	smov.u32 s24;
	_ =	swait.ge [sflag:s18], $0x4000  }
0xcc: {  	s1 =	simm.s32 @!p0 $0x0;
	[sflag:s18] =	ssyncset.done $0x0  }
0xcd: {  	s1 =	sor.u32 $0x800, s1;
	[sflag:s18] =	ssyncadd.s32 $0xFFFFC000  }
0xce: {  	[spmem:s2] =	stream.indirect.scatter.add.f32 [tilespmem:s19], [sflag:$0x3], $0x80, s1, s16, $0xb8;
	[tilespmem:$0x1D000] =	vst v63  }
0xcf: {  	_ =	swait.ge [sflag:s20], $0x4000  }
0xd0: {  	[sflag:s20] =	ssyncset.done $0x0  }
0xd1: {  	s0 =	sor.u32 $0x800, s0;
	[sflag:s20] =	ssyncadd.s32 $0xFFFFC000  }
0xd2: {  	[spmem:s2] =	stream.indirect.scatter.add.f32 [tilespmem:s17], [sflag:$0x4], $0x80, s0, s16, $0xb8;
	[tilespmem:$0x1D000] =	vst v63  }
0xd3: {  	_ =	swait.ge [sflag:s21], $0x4000  }
0xd4: {  	[sflag:s21] =	ssyncset.done $0x0  }
0xd5: {  	s29 =	sor.u32 $0x100, s24;
	[sflag:s21] =	ssyncadd.s32 $0xFFFFC000  }
0xd6: {  	[tilespmem:s19], [sflag:$0x1] =	stream.indirect.gather [hbm4b:s4+s16], $0x80, s29, s16, $0xb8;
	[tilespmem:$0x1D000] =	vst v63  }
0xd7: {  	_ =	swait.ge [sflag:s22], $0x4000  }
0xd8: {  	[sflag:s22] =	ssyncset.done $0x0  }
0xd9: {  	s30 =	sor.u32 $0x180, s24;
	[sflag:s22] =	ssyncadd.s32 $0xFFFFC000  }
0xda: {  	[tilespmem:s17], [sflag:$0x2] =	stream.indirect.gather [hbm4b:s4+s16], $0x80, s30, s16, $0xb8;
	[tilespmem:$0x1D000] =	vst v63  }
0xdb: {  	_ =	swait.ge [sflag:s18], $0x4000  }
0xdc: {  	[sflag:s18] =	ssyncset.done $0x0  }
0xdd: {  	s31 =	sor.u32 $0x900, s24;
	[sflag:s18] =	ssyncadd.s32 $0xFFFFC000  }
0xde: {  	[spmem:s2] =	stream.indirect.scatter.add.f32 [tilespmem:s19], [sflag:$0x3], $0x80, s31, s16, $0xb8;
	[tilespmem:$0x1D000] =	vst v63  }
0xdf: {  	_ =	swait.ge [sflag:s20], $0x4000  }
0xe0: {  	[sflag:s20] =	ssyncset.done $0x0  }
0xe1: {  	s1 =	sor.u32 $0x980, s24;
	[sflag:s20] =	ssyncadd.s32 $0xFFFFC000  }
0xe2: {  	[spmem:s2] =	stream.indirect.scatter.add.f32 [tilespmem:s17], [sflag:$0x4], $0x80, s1, s16, $0xb8;
	[tilespmem:$0x1D000] =	vst v63  }
0xe3: {  	_ =	swait.ge [sflag:s21], $0x4000  }
0xe4: {  	[sflag:s21] =	ssyncset.done $0x0  }
0xe5: {  	s5 =	sor.u32 $0x200, s24;
	[sflag:s21] =	ssyncadd.s32 $0xFFFFC000  }
0xe6: {  	[tilespmem:s19], [sflag:$0x1] =	stream.indirect.gather [hbm4b:s4+s16], $0x80, s5, s16, $0xb8;
	[tilespmem:$0x1D000] =	vst v63  }
0xe7: {  	_ =	swait.ge [sflag:s22], $0x4000  }
0xe8: {  	[sflag:s22] =	ssyncset.done $0x0  }
0xe9: {  	s15 =	sor.u32 $0x280, s24;
	[sflag:s22] =	ssyncadd.s32 $0xFFFFC000  }
0xea: {  	[tilespmem:s17], [sflag:$0x2] =	stream.indirect.gather [hbm4b:s4+s16], $0x80, s15, s16, $0xb8;
	[tilespmem:$0x1D000] =	vst v63  }
0xeb: {  	_ =	swait.ge [sflag:s18], $0x4000  }
0xec: {  	[sflag:s18] =	ssyncset.done $0x0  }
0xed: {  	s25 =	sor.u32 $0xA00, s24;
	[sflag:s18] =	ssyncadd.s32 $0xFFFFC000  }
0xee: {  	[spmem:s2] =	stream.indirect.scatter.add.f32 [tilespmem:s19], [sflag:$0x3], $0x80, s25, s16, $0xb8;
	[tilespmem:$0x1D000] =	vst v63  }
0xef: {  	_ =	swait.ge [sflag:s20], $0x4000  }
0xf0: {  	[sflag:s20] =	ssyncset.done $0x0  }
0xf1: {  	s26 =	sor.u32 $0xA80, s24;
	[sflag:s20] =	ssyncadd.s32 $0xFFFFC000  }
0xf2: {  	[spmem:s2] =	stream.indirect.scatter.add.f32 [tilespmem:s17], [sflag:$0x4], $0x80, s26, s16, $0xb8;
	[tilespmem:$0x1D000] =	vst v63  }
0xf3: {  	_ =	swait.ge [sflag:s21], $0x4000  }
0xf4: {  	[sflag:s21] =	ssyncset.done $0x0  }
0xf5: {  	s28 =	sor.u32 $0x300, s24;
	[sflag:s21] =	ssyncadd.s32 $0xFFFFC000  }
0xf6: {  	[tilespmem:s19], [sflag:$0x1] =	stream.indirect.gather [hbm4b:s4+s16], $0x80, s28, s16, $0xb8;
	[tilespmem:$0x1D000] =	vst v63  }
0xf7: {  	_ =	swait.ge [sflag:s22], $0x4000  }
0xf8: {  	[sflag:s22] =	ssyncset.done $0x0  }
0xf9: {  	s29 =	sor.u32 $0x380, s24;
	[sflag:s22] =	ssyncadd.s32 $0xFFFFC000  }
0xfa: {  	[tilespmem:s17], [sflag:$0x2] =	stream.indirect.gather [hbm4b:s4+s16], $0x80, s29, s16, $0xb8;
	[tilespmem:$0x1D000] =	vst v63  }
0xfb: {  	_ =	swait.ge [sflag:s18], $0x4000  }
0xfc: {  	[sflag:s18] =	ssyncset.done $0x0  }
0xfd: {  	s30 =	sor.u32 $0xB00, s24;
	[sflag:s18] =	ssyncadd.s32 $0xFFFFC000  }
0xfe: {  	[spmem:s2] =	stream.indirect.scatter.add.f32 [tilespmem:s19], [sflag:$0x3], $0x80, s30, s16, $0xb8;
	[tilespmem:$0x1D000] =	vst v63  }
0xff: {  	_ =	swait.ge [sflag:s20], $0x4000  }
0x100: {  	[sflag:s20] =	ssyncset.done $0x0  }
0x101: {  	s31 =	sor.u32 $0xB80, s24;
	[sflag:s20] =	ssyncadd.s32 $0xFFFFC000  }
0x102: {  	[spmem:s2] =	stream.indirect.scatter.add.f32 [tilespmem:s17], [sflag:$0x4], $0x80, s31, s16, $0xb8;
	[tilespmem:$0x1D000] =	vst v63  }
0x103: {  	_ =	swait.ge [sflag:s21], $0x4000  }
0x104: {  	[sflag:s21] =	ssyncset.done $0x0  }
0x105: {  	[sflag:s21] =	ssyncadd.s32 $0xFFFFC000  }
0x106: {  	_ =	swait.ge [sflag:s22], $0x4000  }
0x107: {  	s23 =	sadd.s32 $0x1, s23;
	[sflag:s22] =	ssyncset.done $0x0  }
0x108: {  	p0 =	sne.s32 s23, s10;
	[sflag:s22] =	ssyncadd.s32 $0xFFFFC000  }
.Ltmp1:
0x109: {  	[bflag:$0x0] =	sbarrier.arrive $0xFFFF;
	(pc) =	sbr.rel @p0 .LBB2_1-.Ltmp1, $4  }
0x10a: {  	[hbm:s9], [sflag:s6] =	dma.local [spmem:s13], $0x2800  }
0x10b: {  	_ =	swait.ge [sflag:s14], $0x2800  }
0x10c: {  	[sflag:s14] =	ssyncset.done $0x0  }
0x10d: {  	[sflag:s14] =	ssyncadd.s32 $0xFFFFD800  }
0x10e: {  	_ =	sfence.sel $0x180000  }
0x10f: {  	[bflag:$0x0] =	sbarrier.arrive $0xFFFF  }
0x110: {  	_ =	strace $0x9000004A  }
0x111: {  	s0 =	stileid.u32;
	[bflag:$0x2] =	sbarrier.arrive $0xFFFF  }
0x112: {  	p0 =	sne.s32 s0, $0x0;
	s0 =	rddreg [dreg:$0x2]  }
0x113: {  	s0 =	sadd.s32 @!p0 $0x100000, s0  }
0x114: {  	[sflag:s0] =	ssyncadd.tile.s32 @!p0 $0x1;
	_ =	shalt  }
.Lfunc_end2:
_tile_overlayer_lowered:
.L_overlay_start_2:
0x115: {  	(tag) =	ssettag $0x2  }
0x116: {  	s0 =	rddreg [dreg:$0x0];
	s2 =	stileid.u32  }
0x117: {  	s1 =	rddreg [dreg:$0x1];
	p0 =	sne.s32 s2, $0x0  }
0x118: {  	s3 =	rddreg [dreg:$0x2];
	[bflag:$0x3] =	sbarrier.arrive $0xFFFF;
	s2 =	simm.s32 @!p0 $0x1C09  }
0x119: {  	[timem:s3], [sflag:s2] =	dma.local @!p0 [hbm:s0], s1  }
0x11a: {  	s0 =	simm.s32 @!p0 $0x9  }
0x11b: {  	_ =	swait.ge @!p0 [sflag:s0], s1  }
0x11c: {  	s1 =	ssub.s32 @!p0 $0x0, s1;
	[sflag:s0] =	ssyncset.done @!p0 $0x0  }
0x11d: {  	[sflag:s0] =	ssyncadd.s32 @!p0 s1  }
0x11e: {  	[bflag:$0x3] =	sbarrier.arrive $0xFFFF  }
0x11f: {  	_ =	shalt  }

// kernel: kernel.14.cloned.1.call-start
scs
__scs_entry_jumppad:
0x0: {  	(pc) =	sbr.rel $0x88, $3  }
0x1: {  	(tag) =	ssettag $0x0;
	lr =	simm.s32 $0x1  }
0x2: {  	[smem:$0x3F92] =	sst lr;
	_ =	strace $0xD0000000  }
0x3: {  	_ = 	snop  }
0x4: {  	_ = 	snop  }
0x5: {  	_ = 	snop  }
0x6: {  	_ = 	snop  }
0x7: {  	_ = 	snop  }
__scs_overlays_trampoline_lowered:
0x8: {  	[smem:$0x3FA1] =	sst s0  }
0x9: {  	[smem:$0x3FA2] =	sst s1  }
0xa: {  	[smem:$0x3FA3] =	sst s2  }
0xb: {  	[smem:$0x3FA4] =	sst s3  }
0xc: {  	[smem:$0x3FA5] =	sst s4  }
0xd: {  	[smem:$0x3FA6] =	sst s5  }
0xe: {  	[smem:$0x3FA7] =	sst s6  }
0xf: {  	[smem:$0x3FA8] =	sst s7  }
0x10: {  	[smem:$0x3FA9] =	sst s8  }
0x11: {  	[smem:$0x3FAA] =	sst s9;
	s0 =	simm.s32 @!p0 $0x0  }
0x12: {  	s1 =	sld [smem:$0x3F90];
	s0 =	simm.s32 @p0 $0x1  }
0x13: {  	[smem:$0x3FAB] =	sst s0;
	s0 =	simm.s32 @!p1 $0x0  }
0x14: {  	s2 =	sld [smem:$0x3F8F];
	s0 =	simm.s32 @p1 $0x1  }
0x15: {  	[smem:$0x3FAC] =	sst s0;
	s0 =	simm.s32 @!p2 $0x0  }
0x16: {  	s3 =	sld [smem:$0x3FDB];
	s0 =	simm.s32 @p2 $0x1  }
0x17: {  	s4 =	simm.s32 $0x1BF5;
	[smem:$0x3FAE] =	sst s0  }
0x18: {  	s0 =	sld [smem:$0x3F91];
	_ =	swait.ge [sflag:s4], $0x0  }
0x19: {  	s7 =	sld [smem:$0x3F92]  }
0x1a: {  	s8 =	sadd.s32 $0xFFFFE003, lr  }
0x1b: {  	s9 =	sadd.s32 $0xFFFFFEF7, lr;
	s5 =	simm.s32 $0xFFFFFFFF;
	p2 =	slt.u32 s8, $0xFFFFF086  }
0x1c: {  	p1 =	slt.u32 s9, $0xF7A;
	s5 =	simm.s32 @!p2 $0x0  }
0x1d: {  	s5 =	simm.s32 @p1 $0x1;
	p0 =	seq.s32 s7, s2  }
0x1e: {  	s7 =	smul.u32 @!p0 $0xF7A, s2;
	p2 =	seq.s32 @!p0 s5, $0x0  }
0x1f: {  	s9 =	smul.u32 $0xF7A, s1;
	s8 =	simm.s32 @!p0 $0x1BF5;
	p2 =	por !p2, p0  }
0x20: {  	[sflag:s8] =	ssyncset.s32 @!p0 $0xFFFFF086;
	s6 =	sadd.s32 @!p0 s3, s7;
	s7 =	simm.s32 @!p0 $0x108  }
0x21: {  	s3 =	sadd.s32 s3, s9;
	s6 =	sadd.s32 @!p0 $0x88, s6;
	s7 =	simm.s32 @p2 $0x1082  }
0x22: {  	[simem:s7], [sflag:s8] =	dma.local @!p0 [hbm:s6], $0xF7A  }
0x23: {  	s9 =	sor.u32 $0xD0000000, s2;
	s6 =	simm.s32 $0x108;
	_ =	swait.ge @!p0 [sflag:s8], $0x0  }
0x24: {  	s3 =	sadd.s32 $0x88, s3;
	s6 =	simm.s32 @!p1 $0x1082;
	[sflag:s4] =	ssyncset.s32 $0xFFFFF086  }
0x25: {  	[simem:s6], [sflag:s4] =	dma.local [hbm:s3], $0xF7A  }
0x26: {  	[smem:$0x3F92] =	sst s1;
	(tag) =	ssettag s2;
	_ =	strace s9  }
0x27: {  	s1 =	sld [smem:$0x3FA2]  }
0x28: {  	s2 =	sld [smem:$0x3FA3]  }
0x29: {  	s4 =	sld [smem:$0x3FA5]  }
0x2a: {  	p0 =	seq.s32 s5, $0x0;
	s5 =	sld [smem:$0x3FA6]  }
0x2b: {  	s6 =	sld [smem:$0x3FA7]  }
0x2c: {  	s7 =	sld [smem:$0x3FA8]  }
0x2d: {  	s3 =	simm.s32 $0x108;
	s8 =	sld [smem:$0x3FA9]  }
0x2e: {  	s3 =	simm.s32 @!p0 $0x1082;
	s9 =	sld [smem:$0x3FAA]  }
0x2f: {  	lr =	sadd.s32 s0, s3;
	s0 =	sld [smem:$0x3FA1]  }
0x30: {  	s3 =	sld [smem:$0x3FA4]  }
0x31: {  	[smem:$0x3FAD] =	sst s10  }
0x32: {  	s10 =	sld [smem:$0x3FAB];
	_ =	sdelay $0x3  }
0x33: {  	p0 =	seq.s32 s10, $0x1;
	s10 =	sld [smem:$0x3FAD];
	_ =	sdelay $0x3  }
0x34: {  	[smem:$0x3FAD] =	sst s10  }
0x35: {  	s10 =	sld [smem:$0x3FAC];
	_ =	sdelay $0x3  }
0x36: {  	p1 =	seq.s32 s10, $0x1;
	s10 =	sld [smem:$0x3FAD];
	_ =	sdelay $0x3  }
0x37: {  	[smem:$0x3FAD] =	sst s10  }
0x38: {  	s10 =	sld [smem:$0x3FAE]  }
0x39: {  	_ = 	snop;
	(pc) =	sbr.ind lr, $3  }
0x3a: {  	_ = 	snop  }
0x3b: {  	_ = 	snop  }
0x3c: {  	p2 =	seq.s32 s10, $0x1;
	s10 =	sld [smem:$0x3FAD]  }
0x3d: {  	_ =	shalt  }
0x3e: {  	_ =	shalt  }
0x3f: {  	_ =	shalt  }
0x40: {  	_ =	shalt  }
0x41: {  	_ =	shalt  }
0x42: {  	_ =	shalt  }
0x43: {  	_ =	shalt  }
0x44: {  	_ =	shalt  }
0x45: {  	_ =	shalt  }
0x46: {  	_ =	shalt  }
0x47: {  	_ =	shalt  }
0x48: {  	_ =	shalt  }
0x49: {  	_ =	shalt  }
0x4a: {  	_ =	shalt  }
0x4b: {  	_ =	shalt  }
0x4c: {  	_ =	shalt  }
0x4d: {  	_ =	shalt  }
0x4e: {  	_ =	shalt  }
0x4f: {  	_ =	shalt  }
0x50: {  	_ =	shalt  }
0x51: {  	_ =	shalt  }
0x52: {  	_ =	shalt  }
0x53: {  	_ =	shalt  }
0x54: {  	_ =	shalt  }
0x55: {  	_ =	shalt  }
0x56: {  	_ =	shalt  }
0x57: {  	_ =	shalt  }
0x58: {  	_ =	shalt  }
0x59: {  	_ =	shalt  }
0x5a: {  	_ =	shalt  }
0x5b: {  	_ =	shalt  }
0x5c: {  	_ =	shalt  }
0x5d: {  	_ =	shalt  }
0x5e: {  	_ =	shalt  }
0x5f: {  	_ =	shalt  }
0x60: {  	_ =	shalt  }
0x61: {  	_ =	shalt  }
0x62: {  	_ =	shalt  }
0x63: {  	_ =	shalt  }
0x64: {  	_ =	shalt  }
0x65: {  	_ =	shalt  }
0x66: {  	_ =	shalt  }
0x67: {  	_ =	shalt  }
0x68: {  	_ =	shalt  }
0x69: {  	_ =	shalt  }
0x6a: {  	_ =	shalt  }
0x6b: {  	_ =	shalt  }
0x6c: {  	_ =	shalt  }
0x6d: {  	_ =	shalt  }
0x6e: {  	_ =	shalt  }
0x6f: {  	_ =	shalt  }
0x70: {  	_ =	shalt  }
0x71: {  	_ =	shalt  }
0x72: {  	_ =	shalt  }
0x73: {  	_ =	shalt  }
0x74: {  	_ =	shalt  }
0x75: {  	_ =	shalt  }
0x76: {  	_ =	shalt  }
0x77: {  	_ =	shalt  }
0x78: {  	_ =	shalt  }
0x79: {  	_ =	shalt  }
0x7a: {  	_ =	shalt  }
0x7b: {  	_ =	shalt  }
0x7c: {  	_ =	shalt  }
0x7d: {  	_ =	shalt  }
0x7e: {  	_ =	shalt  }
0x7f: {  	_ =	shalt  }
0x80: {  	_ =	shalt  }
0x81: {  	_ =	shalt  }
0x82: {  	_ =	shalt  }
0x83: {  	_ =	shalt  }
0x84: {  	_ =	shalt  }
0x85: {  	_ =	shalt  }
0x86: {  	_ =	shalt  }
0x87: {  	_ =	shalt  }
.Lfunc_end0:
.L_simem_size_0:
called_computation.2_lowered:
.L_overlay_start_0:
0x88: {  	s2 =	sld [smem:$0x3FD9]  }
0x89: {  	s3 =	sld [smem:$0x3FFE];
	_ =	sdelay $0x1  }
0x8a: {  	s1 =	srdreg.scid  }
0x8b: {  	s0 =	sand.u32 $0x1, s1  }
0x8c: {  	s16 =	sshll.u32 s0, $0xA;
	s2 =	sadd.s32 s3, s2  }
0x8d: {  	s2 =	sadd.s32 s2, s16  }
0x8e: {  	[smem:$0x3FB9] =	sst s2  }
0x8f: {  	_ = 	snop  }
0x90: {  	(tm) =	ssettm $0x1  }
0x91: {  	s17 =	sld [smem:$0x3FFB];
	_ =	sdelay $0x3  }
0x92: {  	_ =	strace s17  }
0x93: {  	s2 =	sld [smem:$0x3FFC];
	_ =	sdelay $0x3  }
0x94: {  	_ =	strace s2  }
0x95: {  	s2 =	sld [smem:$0x3FFD];
	_ =	sdelay $0x3  }
0x96: {  	_ =	strace s2  }
0x97: {  	_ =	strace $0x8FFFFFFF  }
0x98: {  	s18 =	sld [smem:$0x3FDB];
	_ =	sdelay $0x1  }
0x99: {  	s19 =	simm.s32 $_scs_section_size  }
0x9a: {  	s4 =	simm.s32 $_size__tile_overlayer_lowered;
	s5 =	simm.s32 $_tile_overlayer_lowered  }
0x9b: {  	s22 =	simm.s32 $0x1BFF;
	s21 =	sshll.u32 s5, $0x1;
	s2 =	sadd.s32 s19, s18  }
0x9c: {  	s6 =	simm.s32 $0x0;
	s20 =	sshll.u32 s4, $0x1;
	s4 =	sadd.s32 s21, s2  }
0x9d: {  	[timem:s6], [sflag:s22] =	dma.local [hbm:s4], s20  }
0x9e: {  	_ =	swait.ge [sflag:s22], s20  }
0x9f: {  	s3 =	ssub.s32 $0x0, s20;
	[sflag:s22] =	ssyncset.done $0x0  }
0xa0: {  	[sflag:s22] =	ssyncadd.s32 s3;
	_ =	sdelay $0x1  }
0xa1: {  	s23 =	simm.s32 $0x1B8B  }
0xa2: {  	_ =	swait.ge [sflag:s23], $0x1  }
0xa3: {  	[sflag:s23] =	ssyncset.done $0x0  }
0xa4: {  	s25 =	simm.s32 $0x1B8E;
	s24 =	sld [smem:$0x3FFE];
	[sflag:s23] =	ssyncadd.s32 $0xFFFFFFFF  }
0xa5: {  	s26 =	simm.s32 $execute0_lowered;
	[smem:$0x3FD2] =	sst s25  }
0xa6: {  	s4 =	sshll.u32 s26, $0x1;
	_ =	strace $0x8000004C;
	[dreg:$0x1] =	wrdreg $0xFFFFFFFF  }
0xa7: {  	s28 =	simm.s32 $_size_execute0_lowered;
	s2 =	sadd.s32 s2, s4;
	[dreg:$0x0] =	wrdreg $0x0  }
0xa8: {  	s4 =	sshll.u32 s28, $0x1;
	[dreg:$0x2] =	wrdreg s2  }
0xa9: {  	[dreg:$0x3] =	wrdreg s4  }
0xaa: {  	[dreg:$0x4] =	wrdreg $0xC0  }
0xab: {  	_ =	task [dreg:s6], $0x5FFFF  }
0xac: {  	[dreg:$0x1] =	wrdreg $0xFFFFFFFF  }
0xad: {  	[dreg:$0x0] =	wrdreg $0x60  }
0xae: {  	[dreg:$0x2] =	wrdreg s24  }
0xaf: {  	[dreg:$0x3] =	wrdreg $0x90000  }
0xb0: {  	[dreg:$0x4] =	wrdreg $0x9  }
0xb1: {  	_ =	task.clear_ibuf [dreg:s6], $0x5FFFF;
	_ =	strace $0x9000004C  }
0xb2: {  	s29 =	simm.s32 $0x9;
	_ =	strace $0x8000004E  }
0xb3: {  	_ =	swait.ge [sflag:s29], $0x1  }
0xb4: {  	[sflag:s29] =	ssyncadd.s32 $0xFFFFFFFF  }
0xb5: {  	_ =	strace $0x9000004E  }
0xb6: {  	_ =	sfence  }
0xb7: {  	s30 =	sld [smem:$0x0];
	_ =	sdelay $0x2  }
0xb8: {  	s31 =	sshll.u32 s1, $0xD;
	s1 =	sshrl.u32 s1, $0x2  }
0xb9: {  	s3 =	sand.u32 $0x4000, s31;
	s1 =	sadd.s32 s1, s30  }
0xba: {  	s0 =	sor.u32 s3, s0;
	s1 =	sshll.u32 s1, $0x11  }
0xbb: {  	s0 =	sor.u32 s1, s0  }
0xbc: {  	s0 =	sadd.s32 $0x8F2B, s0  }
0xbd: {  	[sflag:s0] =	ssyncadd.remote.s32 $0x1  }
0xbe: {  	_ =	sfence.sel $0xFFFF  }
0xbf: {  	[dreg:$0x0] =	wrdreg $0xFFFFFFFF;
	(pc) =	sbr.abs _section_cstart, $3  }
0xc0: {  	[dreg:$0x1] =	wrdreg $0xFFFFFFFF  }
0xc1: {  	_ =	task.clear_ibuf [dreg:s6], $0x2FFFF;
	_ =	strace $0x9FFFFFFF  }
0xc2: {  	(tm) =	ssettm $0x7FFFFFFF  }
0xc3: {  	_ =	shalt  }
tec
execute0_lowered:
.L_overlay_start_1:
0x0: {  	(tag) =	ssettag $0x1  }
0x1: {  	s5 =	rddreg [dreg:$0x0]  }
0x2: {  	s2 =	rddreg [dreg:$0x1]  }
0x3: {  	s0 =	stileid.u32;
	s4 =	srdreg.scid;
	s3 =	simm.s32 $0x0  }
0x4: {  	s16 =	simm.s32 $0x80;
	s17 =	simm.s32 $0x5000;
	s18 =	simm.s32 $0x1  }
0x5: {  	s19 =	simm.s32 $0x1000;
	s20 =	simm.s32 $0x2;
	s21 =	simm.s32 $0x3  }
0x6: {  	s22 =	simm.s32 $0x4;
	s23 =	simm.s32 $0x0;
	s6 =	smul.u32 $0x14000, s0  }
0x7: {  	s7 =	sand.u32 $0x1, s4;
	[smem:$0x7FF] =	sst s3;
	s28 =	smul.u32 $0x50000, s0  }
0x8: {  	s4 =	sadd.s32 $0x17400, s5;
	s12 =	sadd.s32 $0x3400, s5;
	s14 =	smul.u32 $0x2800, s0  }
0x9: {  	s11 =	sadd.s32 $0xD400, s5;
	s29 =	sshll.u32 s0, $0x6;
	s8 =	smul.u32 $0x140000, s7  }
0xa: {  	_ =	strace $0x8000004D;
	s26 =	ssub.s32 $0x2, s7;
	s13 =	sshll.u32 s7, $0x4  }
0xb: {  	s7 =	smul.u32 $0x28000, s7;
	s9 =	sshrl.u32 s6, $0x3;
	s10 =	sshrl.u32 s26, $0x1  }
0xc: {  	s13 =	sor.u32 s0, s13;
	s6 =	sadd.s32 s6, s8;
	s24 =	sadd.s32 s9, s5  }
0xd: {  	s10 =	ssub.s32 s26, s10;
	s13 =	smul.u32 $0x2800, s13;
	s7 =	sadd.s32 s14, s7  }
0xe: {  	s14 =	simm.s32 $0x9;
	s6 =	sshrl.u32 s6, $0x3;
	s1 =	sadd.s32 $0x3F400, s24  }
0xf: {  	s31 =	sor.u32 $0x400, s7;
	s10 =	smax.u32 s10, $0x1;
	s25 =	sadd.s32 s6, s5  }
0x10: {  	s6 =	sshrl.u32 s28, $0x2;
	[dreg:$0x3] =	wrdreg s1;
	s30 =	sshrl.u32 s13, $0x3  }
0x11: {  	s13 =	sshrl.u32 s31, $0x3;
	s15 =	sadd.s32 s6, s2;
	s6 =	sor.u32 $0x1C09, s29  }
0x12: {  	s7 =	sadd.s32 s12, s30;
	s8 =	sadd.s32 s11, s30;
	s9 =	sadd.s32 $0x67400, s25  }
0x13: {  	s11 =	sadd.s32 s13, s11;
	s12 =	sadd.s32 s13, s12;
	s13 =	sshrl.u32 s15, $0x3  }
.LBB2_1:
0x14: {  	s0 =	rddreg [dreg:$0x3]  }
0x15: {  	[spmem:s13], [sflag:s6] =	dma.local [hbm:s0], $0x2800  }
0x16: {  	_ =	swait.ge [sflag:s14], $0x2800  }
0x17: {  	s24 =	simm.s32 $0x1;
	p0 =	por $0x0, $0x0;
	[sflag:s14] =	ssyncset.done $0x0  }
0x18: {  	s26 =	simm.s32 $0x800;
	s25 =	sand.u32 @!p0 $0x1, s24;
	[sflag:s14] =	ssyncadd.s32 $0xFFFFD800  }
0x19: {  	[tilespmem:s3], [sflag:$0x5] =	stream.linear.gather [hbm4b:s7+s3], $0x400, $0x38;
	[tilespmem:$0x1D000] =	vst v63  }
0x1a: {  	s30 =	simm.s32 @!p0 $0x0;
	s28 =	sshll.u32 @!p0 s25, $0x1;
	s25 =	sshll.u32 @!p0 s25, $0xA  }
0x1b: {  	[tilespmem:s26], [sflag:$0x6] =	stream.linear.gather [hbm4b:s8+s3], $0x400, $0x38;
	[tilespmem:$0x1D000] =	vst v63  }
0x1c: {  	s29 =	sor.u32 @!p0 $0x5, s28;
	s26 =	sand.u32 $0x1, s3;
	[bflag:$0x0] =	sbarrier.arrive $0xFFFF  }
0x1d: {  	[tilespmem:s25], [sflag:s29] =	stream.linear.gather @!p0 [hbm4b:s12+s30], $0x400, $0x38;
	[tilespmem:$0x1D000] =	vst v63  }
0x1e: {  	s29 =	sshll.u32 s26, $0x1  }
0x1f: {  	s28 =	sadd.s32 @!p0 $0x6, s28;
	s25 =	sor.u32 @!p0 $0x800, s25;
	s31 =	sor.u32 $0x5, s29  }
0x20: {  	[tilespmem:s25], [sflag:s28] =	stream.linear.gather @!p0 [hbm4b:s11+s30], $0x400, $0x38;
	[tilespmem:$0x1D000] =	vst v63  }
0x21: {  	_ =	swait.ge [sflag:s31], $0x400  }
0x22: {  	[sflag:s31] =	ssyncset.done $0x0  }
0x23: {  	s0 =	sadd.s32 $0x6, s29;
	[sflag:s31] =	ssyncadd.s32 $0xFFFFFC00  }
0x24: {  	_ =	swait.ge [sflag:s0], $0x400  }
0x25: {  	p0 =	por $0x0, $0x0;
	[sflag:s0] =	ssyncset.done $0x0  }
0x26: {  	s25 =	simm.s32 @p0 $0x3;
	[sflag:s0] =	ssyncadd.s32 $0xFFFFFC00  }
0x27: {  	_ =	swait.ge @p0 [sflag:s25], $0x4000  }
0x28: {  	s29 =	sshll.u32 s26, $0xA;
	s26 =	simm.s32 @p0 $0x4;
	[sflag:s25] =	ssyncset.done @p0 $0x0  }
0x29: {  	s28 =	simm.s32 @p0 $0x1000;
	[sflag:s25] =	ssyncadd.s32 @p0 $0xFFFFC000;
	s25 =	simm.s32 @p0 $0x80  }
0x2a: {  	[tilespmem:s28], [sflag:$0x1] =	stream.indirect.gather @p0 [hbm4b:s4+s25], $0x80, s29, s25, $0xb8;
	[tilespmem:$0x1D000] =	vst v63  }
0x2b: {  	_ =	swait.ge @p0 [sflag:s26], $0x4000  }
0x2c: {  	s30 =	simm.s32 @!p0 $0x0;
	s25 =	sor.u32 @p0 $0x80, s29;
	[sflag:s26] =	ssyncset.done @p0 $0x0  }
0x2d: {  	s28 =	simm.s32 @!p0 $0x1000;
	[sflag:s26] =	ssyncadd.s32 @p0 $0xFFFFC000;
	s26 =	simm.s32 @!p0 $0x80  }
0x2e: {  	[tilespmem:s28], [sflag:$0x1] =	stream.indirect.gather @!p0 [hbm4b:s4+s26], $0x80, s30, s26, $0xb8;
	[tilespmem:$0x1D000] =	vst v63  }
0x2f: {  	s25 =	simm.s32 @!p0 $0x80  }
0x30: {  	[tilespmem:s17], [sflag:$0x2] =	stream.indirect.gather [hbm4b:s4+s16], $0x80, s25, s16, $0xb8;
	[tilespmem:$0x1D000] =	vst v63  }
0x31: {  	s26 =	smov.u32 s29;
	_ =	swait.ge [sflag:s18], $0x4000  }
0x32: {  	s26 =	simm.s32 @!p0 $0x0;
	[sflag:s18] =	ssyncset.done $0x0  }
0x33: {  	s26 =	sor.u32 $0x800, s26;
	[sflag:s18] =	ssyncadd.s32 $0xFFFFC000  }
0x34: {  	[spmem:s2] =	stream.indirect.scatter.add.f32 [tilespmem:s19], [sflag:$0x3], $0x80, s26, s16, $0xb8;
	[tilespmem:$0x1D000] =	vst v63  }
0x35: {  	_ =	swait.ge [sflag:s20], $0x4000  }
0x36: {  	[sflag:s20] =	ssyncset.done $0x0  }
0x37: {  	s25 =	sor.u32 $0x800, s25;
	[sflag:s20] =	ssyncadd.s32 $0xFFFFC000  }
0x38: {  	[spmem:s2] =	stream.indirect.scatter.add.f32 [tilespmem:s17], [sflag:$0x4], $0x80, s25, s16, $0xb8;
	[tilespmem:$0x1D000] =	vst v63  }
0x39: {  	_ =	swait.ge [sflag:s21], $0x4000  }
0x3a: {  	[sflag:s21] =	ssyncset.done $0x0  }
0x3b: {  	s1 =	sor.u32 $0x100, s29;
	[sflag:s21] =	ssyncadd.s32 $0xFFFFC000  }
0x3c: {  	[tilespmem:s19], [sflag:$0x1] =	stream.indirect.gather [hbm4b:s4+s16], $0x80, s1, s16, $0xb8;
	[tilespmem:$0x1D000] =	vst v63  }
0x3d: {  	_ =	swait.ge [sflag:s22], $0x4000  }
0x3e: {  	[sflag:s22] =	ssyncset.done $0x0  }
0x3f: {  	s5 =	sor.u32 $0x180, s29;
	[sflag:s22] =	ssyncadd.s32 $0xFFFFC000  }
0x40: {  	[tilespmem:s17], [sflag:$0x2] =	stream.indirect.gather [hbm4b:s4+s16], $0x80, s5, s16, $0xb8;
	[tilespmem:$0x1D000] =	vst v63  }
0x41: {  	_ =	swait.ge [sflag:s18], $0x4000  }
0x42: {  	[sflag:s18] =	ssyncset.done $0x0  }
0x43: {  	s15 =	sor.u32 $0x900, s29;
	[sflag:s18] =	ssyncadd.s32 $0xFFFFC000  }
0x44: {  	[spmem:s2] =	stream.indirect.scatter.add.f32 [tilespmem:s19], [sflag:$0x3], $0x80, s15, s16, $0xb8;
	[tilespmem:$0x1D000] =	vst v63  }
0x45: {  	_ =	swait.ge [sflag:s20], $0x4000  }
0x46: {  	[sflag:s20] =	ssyncset.done $0x0  }
0x47: {  	s26 =	sor.u32 $0x980, s29;
	[sflag:s20] =	ssyncadd.s32 $0xFFFFC000  }
0x48: {  	[spmem:s2] =	stream.indirect.scatter.add.f32 [tilespmem:s17], [sflag:$0x4], $0x80, s26, s16, $0xb8;
	[tilespmem:$0x1D000] =	vst v63  }
0x49: {  	_ =	swait.ge [sflag:s21], $0x4000  }
0x4a: {  	[sflag:s21] =	ssyncset.done $0x0  }
0x4b: {  	s31 =	sor.u32 $0x200, s29;
	[sflag:s21] =	ssyncadd.s32 $0xFFFFC000  }
0x4c: {  	[tilespmem:s19], [sflag:$0x1] =	stream.indirect.gather [hbm4b:s4+s16], $0x80, s31, s16, $0xb8;
	[tilespmem:$0x1D000] =	vst v63  }
0x4d: {  	_ =	swait.ge [sflag:s22], $0x4000  }
0x4e: {  	[sflag:s22] =	ssyncset.done $0x0  }
0x4f: {  	s0 =	sor.u32 $0x280, s29;
	[sflag:s22] =	ssyncadd.s32 $0xFFFFC000  }
0x50: {  	[tilespmem:s17], [sflag:$0x2] =	stream.indirect.gather [hbm4b:s4+s16], $0x80, s0, s16, $0xb8;
	[tilespmem:$0x1D000] =	vst v63  }
0x51: {  	_ =	swait.ge [sflag:s18], $0x4000  }
0x52: {  	[sflag:s18] =	ssyncset.done $0x0  }
0x53: {  	s1 =	sor.u32 $0xA00, s29;
	[sflag:s18] =	ssyncadd.s32 $0xFFFFC000  }
0x54: {  	[spmem:s2] =	stream.indirect.scatter.add.f32 [tilespmem:s19], [sflag:$0x3], $0x80, s1, s16, $0xb8;
	[tilespmem:$0x1D000] =	vst v63  }
0x55: {  	_ =	swait.ge [sflag:s20], $0x4000  }
0x56: {  	[sflag:s20] =	ssyncset.done $0x0  }
0x57: {  	s5 =	sor.u32 $0xA80, s29;
	[sflag:s20] =	ssyncadd.s32 $0xFFFFC000  }
0x58: {  	[spmem:s2] =	stream.indirect.scatter.add.f32 [tilespmem:s17], [sflag:$0x4], $0x80, s5, s16, $0xb8;
	[tilespmem:$0x1D000] =	vst v63  }
0x59: {  	_ =	swait.ge [sflag:s21], $0x4000  }
0x5a: {  	[sflag:s21] =	ssyncset.done $0x0  }
0x5b: {  	s15 =	sor.u32 $0x300, s29;
	[sflag:s21] =	ssyncadd.s32 $0xFFFFC000  }
0x5c: {  	[tilespmem:s19], [sflag:$0x1] =	stream.indirect.gather [hbm4b:s4+s16], $0x80, s15, s16, $0xb8;
	[tilespmem:$0x1D000] =	vst v63  }
0x5d: {  	_ =	swait.ge [sflag:s22], $0x4000  }
0x5e: {  	[sflag:s22] =	ssyncset.done $0x0  }
0x5f: {  	s26 =	sor.u32 $0x380, s29;
	[sflag:s22] =	ssyncadd.s32 $0xFFFFC000  }
0x60: {  	[tilespmem:s17], [sflag:$0x2] =	stream.indirect.gather [hbm4b:s4+s16], $0x80, s26, s16, $0xb8;
	[tilespmem:$0x1D000] =	vst v63  }
0x61: {  	p1 =	por $0x0, $0x0;
	_ =	swait.ge [sflag:s18], $0x4000  }
0x62: {  	s28 =	simm.s32 $0x2;
	s30 =	sor.u32 $0xB80, s29;
	[sflag:s18] =	ssyncset.done $0x0  }
0x63: {  	s25 =	sadd.s32 $0x80, s11;
	s31 =	sor.u32 $0xB00, s29;
	[sflag:s18] =	ssyncadd.s32 $0xFFFFC000  }
0x64: {  	[spmem:s2] =	stream.indirect.scatter.add.f32 [tilespmem:s19], [sflag:$0x3], $0x80, s31, s16, $0xb8;
	[tilespmem:$0x1D000] =	vst v63  }
0x65: {  	s29 =	sand.u32 $0x1, s24;
	s26 =	sadd.s32 $0x80, s12;
	_ =	swait.ge [sflag:s20], $0x4000  }
.LBB2_2:
0x66: {  	s31 =	sand.u32 @!p1 $0x1, s28  }
0x67: {  	[sflag:s20] =	ssyncset.done $0x0;
	s0 =	smov.u32 s28;
	s28 =	sadd.s32 $0x1, s28  }
0x68: {  	s1 =	sshll.u32 @!p1 s31, $0xA;
	s31 =	sshll.u32 @!p1 s31, $0x1;
	[sflag:s20] =	ssyncadd.s32 $0xFFFFC000  }
0x69: {  	[spmem:s2] =	stream.indirect.scatter.add.f32 [tilespmem:s17], [sflag:$0x4], $0x80, s30, s16, $0xb8;
	[tilespmem:$0x1D000] =	vst v63  }
0x6a: {  	s15 =	simm.s32 @!p1 $0x0;
	s30 =	sor.u32 @!p1 $0x5, s31;
	s5 =	sor.u32 @!p1 $0x800, s1  }
0x6b: {  	[tilespmem:s1], [sflag:s30] =	stream.linear.gather @!p1 [hbm4b:s26+s15], $0x400, $0x38;
	[tilespmem:$0x1D000] =	vst v63  }
0x6c: {  	p0 =	sne.s32 s28, $0xA;
	s1 =	sadd.s32 @!p1 $0x6, s31;
	s30 =	sshll.u32 s29, $0x1  }
0x6d: {  	[tilespmem:s5], [sflag:s1] =	stream.linear.gather @!p1 [hbm4b:s25+s15], $0x400, $0x38;
	[tilespmem:$0x1D000] =	vst v63  }
0x6e: {  	s1 =	sor.u32 $0x5, s30  }
0x6f: {  	_ =	swait.ge [sflag:s1], $0x400  }
0x70: {  	[sflag:s1] =	ssyncset.done $0x0  }
0x71: {  	[sflag:s1] =	ssyncadd.s32 $0xFFFFFC00;
	s1 =	sadd.s32 $0x6, s30  }
0x72: {  	s29 =	sshll.u32 s29, $0xA;
	_ =	swait.ge [sflag:s1], $0x400  }
0x73: {  	p1 =	sne.s32 s24, $0x0;
	s15 =	smov.u32 s29;
	[sflag:s1] =	ssyncset.done $0x0  }
0x74: {  	s5 =	simm.s32 @p1 $0x3;
	[sflag:s1] =	ssyncadd.s32 $0xFFFFFC00;
	s1 =	sor.u32 @p1 $0x80, s29  }
0x75: {  	s24 =	smov.u32 s0;
	s15 =	simm.s32 @!p1 $0x0;
	_ =	swait.ge @p1 [sflag:s5], $0x4000  }
0x76: {  	s0 =	simm.s32 @p1 $0x4;
	[sflag:s5] =	ssyncset.done @p1 $0x0  }
0x77: {  	s30 =	simm.s32 @p1 $0x1000;
	[sflag:s5] =	ssyncadd.s32 @p1 $0xFFFFC000;
	s5 =	simm.s32 @p1 $0x80  }
0x78: {  	[tilespmem:s30], [sflag:$0x1] =	stream.indirect.gather @p1 [hbm4b:s4+s5], $0x80, s29, s5, $0xb8;
	[tilespmem:$0x1D000] =	vst v63  }
0x79: {  	_ =	swait.ge @p1 [sflag:s0], $0x4000  }
0x7a: {  	s5 =	simm.s32 @!p1 $0x1000;
	[sflag:s0] =	ssyncset.done @p1 $0x0  }
0x7b: {  	s30 =	simm.s32 @!p1 $0x0;
	[sflag:s0] =	ssyncadd.s32 @p1 $0xFFFFC000;
	s0 =	simm.s32 @!p1 $0x80  }
0x7c: {  	[tilespmem:s5], [sflag:$0x1] =	stream.indirect.gather @!p1 [hbm4b:s4+s0], $0x80, s30, s0, $0xb8;
	[tilespmem:$0x1D000] =	vst v63  }
0x7d: {  	s1 =	simm.s32 @!p1 $0x80  }
0x7e: {  	[tilespmem:s17], [sflag:$0x2] =	stream.indirect.gather [hbm4b:s4+s16], $0x80, s1, s16, $0xb8;
	[tilespmem:$0x1D000] =	vst v63  }
0x7f: {  	_ =	swait.ge [sflag:s18], $0x4000  }
0x80: {  	[sflag:s18] =	ssyncset.done $0x0  }
0x81: {  	s0 =	sor.u32 $0x800, s15;
	[sflag:s18] =	ssyncadd.s32 $0xFFFFC000  }
0x82: {  	[spmem:s2] =	stream.indirect.scatter.add.f32 [tilespmem:s19], [sflag:$0x3], $0x80, s0, s16, $0xb8;
	[tilespmem:$0x1D000] =	vst v63  }
0x83: {  	_ =	swait.ge [sflag:s20], $0x4000  }
0x84: {  	[sflag:s20] =	ssyncset.done $0x0  }
0x85: {  	s0 =	sor.u32 $0x800, s1;
	[sflag:s20] =	ssyncadd.s32 $0xFFFFC000  }
0x86: {  	[spmem:s2] =	stream.indirect.scatter.add.f32 [tilespmem:s17], [sflag:$0x4], $0x80, s0, s16, $0xb8;
	[tilespmem:$0x1D000] =	vst v63  }
0x87: {  	_ =	swait.ge [sflag:s21], $0x4000  }
0x88: {  	[sflag:s21] =	ssyncset.done $0x0  }
0x89: {  	s0 =	sor.u32 $0x100, s29;
	[sflag:s21] =	ssyncadd.s32 $0xFFFFC000  }
0x8a: {  	[tilespmem:s19], [sflag:$0x1] =	stream.indirect.gather [hbm4b:s4+s16], $0x80, s0, s16, $0xb8;
	[tilespmem:$0x1D000] =	vst v63  }
0x8b: {  	_ =	swait.ge [sflag:s22], $0x4000  }
0x8c: {  	[sflag:s22] =	ssyncset.done $0x0  }
0x8d: {  	s0 =	sor.u32 $0x180, s29;
	[sflag:s22] =	ssyncadd.s32 $0xFFFFC000  }
0x8e: {  	[tilespmem:s17], [sflag:$0x2] =	stream.indirect.gather [hbm4b:s4+s16], $0x80, s0, s16, $0xb8;
	[tilespmem:$0x1D000] =	vst v63  }
0x8f: {  	_ =	swait.ge [sflag:s18], $0x4000  }
0x90: {  	[sflag:s18] =	ssyncset.done $0x0  }
0x91: {  	s0 =	sor.u32 $0x900, s29;
	[sflag:s18] =	ssyncadd.s32 $0xFFFFC000  }
0x92: {  	[spmem:s2] =	stream.indirect.scatter.add.f32 [tilespmem:s19], [sflag:$0x3], $0x80, s0, s16, $0xb8;
	[tilespmem:$0x1D000] =	vst v63  }
0x93: {  	_ =	swait.ge [sflag:s20], $0x4000  }
0x94: {  	[sflag:s20] =	ssyncset.done $0x0  }
0x95: {  	s0 =	sor.u32 $0x980, s29;
	[sflag:s20] =	ssyncadd.s32 $0xFFFFC000  }
0x96: {  	[spmem:s2] =	stream.indirect.scatter.add.f32 [tilespmem:s17], [sflag:$0x4], $0x80, s0, s16, $0xb8;
	[tilespmem:$0x1D000] =	vst v63  }
0x97: {  	_ =	swait.ge [sflag:s21], $0x4000  }
0x98: {  	[sflag:s21] =	ssyncset.done $0x0  }
0x99: {  	s0 =	sor.u32 $0x200, s29;
	[sflag:s21] =	ssyncadd.s32 $0xFFFFC000  }
0x9a: {  	[tilespmem:s19], [sflag:$0x1] =	stream.indirect.gather [hbm4b:s4+s16], $0x80, s0, s16, $0xb8;
	[tilespmem:$0x1D000] =	vst v63  }
0x9b: {  	_ =	swait.ge [sflag:s22], $0x4000  }
0x9c: {  	[sflag:s22] =	ssyncset.done $0x0  }
0x9d: {  	s0 =	sor.u32 $0x280, s29;
	[sflag:s22] =	ssyncadd.s32 $0xFFFFC000  }
0x9e: {  	[tilespmem:s17], [sflag:$0x2] =	stream.indirect.gather [hbm4b:s4+s16], $0x80, s0, s16, $0xb8;
	[tilespmem:$0x1D000] =	vst v63  }
0x9f: {  	_ =	swait.ge [sflag:s18], $0x4000  }
0xa0: {  	[sflag:s18] =	ssyncset.done $0x0  }
0xa1: {  	s0 =	sor.u32 $0xA00, s29;
	[sflag:s18] =	ssyncadd.s32 $0xFFFFC000  }
0xa2: {  	[spmem:s2] =	stream.indirect.scatter.add.f32 [tilespmem:s19], [sflag:$0x3], $0x80, s0, s16, $0xb8;
	[tilespmem:$0x1D000] =	vst v63  }
0xa3: {  	_ =	swait.ge [sflag:s20], $0x4000  }
0xa4: {  	[sflag:s20] =	ssyncset.done $0x0  }
0xa5: {  	s0 =	sor.u32 $0xA80, s29;
	[sflag:s20] =	ssyncadd.s32 $0xFFFFC000  }
0xa6: {  	[spmem:s2] =	stream.indirect.scatter.add.f32 [tilespmem:s17], [sflag:$0x4], $0x80, s0, s16, $0xb8;
	[tilespmem:$0x1D000] =	vst v63  }
0xa7: {  	_ =	swait.ge [sflag:s21], $0x4000  }
0xa8: {  	[sflag:s21] =	ssyncset.done $0x0  }
0xa9: {  	s0 =	sor.u32 $0x300, s29;
	[sflag:s21] =	ssyncadd.s32 $0xFFFFC000  }
0xaa: {  	[tilespmem:s19], [sflag:$0x1] =	stream.indirect.gather [hbm4b:s4+s16], $0x80, s0, s16, $0xb8;
	[tilespmem:$0x1D000] =	vst v63  }
0xab: {  	_ =	swait.ge [sflag:s22], $0x4000  }
0xac: {  	[sflag:s22] =	ssyncset.done $0x0  }
0xad: {  	s0 =	sor.u32 $0x380, s29;
	[sflag:s22] =	ssyncadd.s32 $0xFFFFC000  }
0xae: {  	[tilespmem:s17], [sflag:$0x2] =	stream.indirect.gather [hbm4b:s4+s16], $0x80, s0, s16, $0xb8;
	[tilespmem:$0x1D000] =	vst v63  }
.Ltmp0:
0xaf: {  	_ =	swait.ge [sflag:s18], $0x4000;
	(pc) =	sbr.rel @p0 .LBB2_2-.Ltmp0, $4  }
0xb0: {  	s26 =	sadd.s32 $0x80, s26;
	s25 =	sadd.s32 $0x80, s25;
	[sflag:s18] =	ssyncset.done $0x0  }
0xb1: {  	s30 =	sor.u32 $0xB80, s29;
	s0 =	sor.u32 $0xB00, s29;
	[sflag:s18] =	ssyncadd.s32 $0xFFFFC000  }
0xb2: {  	[spmem:s2] =	stream.indirect.scatter.add.f32 [tilespmem:s19], [sflag:$0x3], $0x80, s0, s16, $0xb8;
	[tilespmem:$0x1D000] =	vst v63  }
0xb3: {  	p1 =	seq.s32 s24, $0x9;
	s29 =	sand.u32 $0x1, s24;
	_ =	swait.ge [sflag:s20], $0x4000  }
0xb4: {  	s0 =	sand.u32 @!p1 $0x1, s28;
	[sflag:s20] =	ssyncset.done $0x0  }
0xb5: {  	s15 =	simm.s32 @!p1 $0x0;
	s1 =	sshll.u32 @!p1 s0, $0x1;
	[sflag:s20] =	ssyncadd.s32 $0xFFFFC000  }
0xb6: {  	[spmem:s2] =	stream.indirect.scatter.add.f32 [tilespmem:s17], [sflag:$0x4], $0x80, s30, s16, $0xb8;
	[tilespmem:$0x1D000] =	vst v63  }
0xb7: {  	s31 =	sshll.u32 s29, $0x1;
	s0 =	sshll.u32 @!p1 s0, $0xA;
	s5 =	sor.u32 @!p1 $0x5, s1  }
0xb8: {  	[tilespmem:s0], [sflag:s5] =	stream.linear.gather @!p1 [hbm4b:s26+s15], $0x400, $0x38;
	[tilespmem:$0x1D000] =	vst v63  }
0xb9: {  	s1 =	sadd.s32 @!p1 $0x6, s1;
	s0 =	sor.u32 @!p1 $0x800, s0;
	s26 =	sor.u32 $0x5, s31  }
0xba: {  	[tilespmem:s0], [sflag:s1] =	stream.linear.gather @!p1 [hbm4b:s25+s15], $0x400, $0x38;
	[tilespmem:$0x1D000] =	vst v63  }
0xbb: {  	_ =	swait.ge [sflag:s26], $0x400  }
0xbc: {  	[sflag:s26] =	ssyncset.done $0x0  }
0xbd: {  	s28 =	sadd.s32 $0x6, s31;
	[sflag:s26] =	ssyncadd.s32 $0xFFFFFC00  }
0xbe: {  	_ =	swait.ge [sflag:s28], $0x400  }
0xbf: {  	p0 =	sne.s32 s24, $0x0;
	[sflag:s28] =	ssyncset.done $0x0  }
0xc0: {  	s0 =	simm.s32 @p0 $0x3;
	[sflag:s28] =	ssyncadd.s32 $0xFFFFFC00  }
0xc1: {  	_ =	swait.ge @p0 [sflag:s0], $0x4000  }
0xc2: {  	s24 =	sshll.u32 s29, $0xA;
	s5 =	simm.s32 @p0 $0x1000;
	[sflag:s0] =	ssyncset.done @p0 $0x0  }
0xc3: {  	s1 =	simm.s32 @p0 $0x4;
	[sflag:s0] =	ssyncadd.s32 @p0 $0xFFFFC000;
	s0 =	simm.s32 @p0 $0x80  }
0xc4: {  	[tilespmem:s5], [sflag:$0x1] =	stream.indirect.gather @p0 [hbm4b:s4+s0], $0x80, s24, s0, $0xb8;
	[tilespmem:$0x1D000] =	vst v63  }
0xc5: {  	_ =	swait.ge @p0 [sflag:s1], $0x4000  }
0xc6: {  	s15 =	simm.s32 @!p0 $0x0;
	s0 =	sor.u32 @p0 $0x80, s24;
	[sflag:s1] =	ssyncset.done @p0 $0x0  }
0xc7: {  	s5 =	simm.s32 @!p0 $0x1000;
	[sflag:s1] =	ssyncadd.s32 @p0 $0xFFFFC000;
	s1 =	simm.s32 @!p0 $0x80  }
0xc8: {  	[tilespmem:s5], [sflag:$0x1] =	stream.indirect.gather @!p0 [hbm4b:s4+s1], $0x80, s15, s1, $0xb8;
	[tilespmem:$0x1D000] =	vst v63  }
0xc9: {  	s0 =	simm.s32 @!p0 $0x80  }
0xca: {  	[tilespmem:s17], [sflag:$0x2] =	stream.indirect.gather [hbm4b:s4+s16], $0x80, s0, s16, $0xb8;
	[tilespmem:$0x1D000] =	vst v63  }
0xcb: {  	s1 =	smov.u32 s24;
	_ =	swait.ge [sflag:s18], $0x4000  }
0xcc: {  	s1 =	simm.s32 @!p0 $0x0;
	[sflag:s18] =	ssyncset.done $0x0  }
0xcd: {  	s1 =	sor.u32 $0x800, s1;
	[sflag:s18] =	ssyncadd.s32 $0xFFFFC000  }
0xce: {  	[spmem:s2] =	stream.indirect.scatter.add.f32 [tilespmem:s19], [sflag:$0x3], $0x80, s1, s16, $0xb8;
	[tilespmem:$0x1D000] =	vst v63  }
0xcf: {  	_ =	swait.ge [sflag:s20], $0x4000  }
0xd0: {  	[sflag:s20] =	ssyncset.done $0x0  }
0xd1: {  	s0 =	sor.u32 $0x800, s0;
	[sflag:s20] =	ssyncadd.s32 $0xFFFFC000  }
0xd2: {  	[spmem:s2] =	stream.indirect.scatter.add.f32 [tilespmem:s17], [sflag:$0x4], $0x80, s0, s16, $0xb8;
	[tilespmem:$0x1D000] =	vst v63  }
0xd3: {  	_ =	swait.ge [sflag:s21], $0x4000  }
0xd4: {  	[sflag:s21] =	ssyncset.done $0x0  }
0xd5: {  	s29 =	sor.u32 $0x100, s24;
	[sflag:s21] =	ssyncadd.s32 $0xFFFFC000  }
0xd6: {  	[tilespmem:s19], [sflag:$0x1] =	stream.indirect.gather [hbm4b:s4+s16], $0x80, s29, s16, $0xb8;
	[tilespmem:$0x1D000] =	vst v63  }
0xd7: {  	_ =	swait.ge [sflag:s22], $0x4000  }
0xd8: {  	[sflag:s22] =	ssyncset.done $0x0  }
0xd9: {  	s30 =	sor.u32 $0x180, s24;
	[sflag:s22] =	ssyncadd.s32 $0xFFFFC000  }
0xda: {  	[tilespmem:s17], [sflag:$0x2] =	stream.indirect.gather [hbm4b:s4+s16], $0x80, s30, s16, $0xb8;
	[tilespmem:$0x1D000] =	vst v63  }
0xdb: {  	_ =	swait.ge [sflag:s18], $0x4000  }
0xdc: {  	[sflag:s18] =	ssyncset.done $0x0  }
0xdd: {  	s31 =	sor.u32 $0x900, s24;
	[sflag:s18] =	ssyncadd.s32 $0xFFFFC000  }
0xde: {  	[spmem:s2] =	stream.indirect.scatter.add.f32 [tilespmem:s19], [sflag:$0x3], $0x80, s31, s16, $0xb8;
	[tilespmem:$0x1D000] =	vst v63  }
0xdf: {  	_ =	swait.ge [sflag:s20], $0x4000  }
0xe0: {  	[sflag:s20] =	ssyncset.done $0x0  }
0xe1: {  	s1 =	sor.u32 $0x980, s24;
	[sflag:s20] =	ssyncadd.s32 $0xFFFFC000  }
0xe2: {  	[spmem:s2] =	stream.indirect.scatter.add.f32 [tilespmem:s17], [sflag:$0x4], $0x80, s1, s16, $0xb8;
	[tilespmem:$0x1D000] =	vst v63  }
0xe3: {  	_ =	swait.ge [sflag:s21], $0x4000  }
0xe4: {  	[sflag:s21] =	ssyncset.done $0x0  }
0xe5: {  	s5 =	sor.u32 $0x200, s24;
	[sflag:s21] =	ssyncadd.s32 $0xFFFFC000  }
0xe6: {  	[tilespmem:s19], [sflag:$0x1] =	stream.indirect.gather [hbm4b:s4+s16], $0x80, s5, s16, $0xb8;
	[tilespmem:$0x1D000] =	vst v63  }
0xe7: {  	_ =	swait.ge [sflag:s22], $0x4000  }
0xe8: {  	[sflag:s22] =	ssyncset.done $0x0  }
0xe9: {  	s15 =	sor.u32 $0x280, s24;
	[sflag:s22] =	ssyncadd.s32 $0xFFFFC000  }
0xea: {  	[tilespmem:s17], [sflag:$0x2] =	stream.indirect.gather [hbm4b:s4+s16], $0x80, s15, s16, $0xb8;
	[tilespmem:$0x1D000] =	vst v63  }
0xeb: {  	_ =	swait.ge [sflag:s18], $0x4000  }
0xec: {  	[sflag:s18] =	ssyncset.done $0x0  }
0xed: {  	s25 =	sor.u32 $0xA00, s24;
	[sflag:s18] =	ssyncadd.s32 $0xFFFFC000  }
0xee: {  	[spmem:s2] =	stream.indirect.scatter.add.f32 [tilespmem:s19], [sflag:$0x3], $0x80, s25, s16, $0xb8;
	[tilespmem:$0x1D000] =	vst v63  }
0xef: {  	_ =	swait.ge [sflag:s20], $0x4000  }
0xf0: {  	[sflag:s20] =	ssyncset.done $0x0  }
0xf1: {  	s26 =	sor.u32 $0xA80, s24;
	[sflag:s20] =	ssyncadd.s32 $0xFFFFC000  }
0xf2: {  	[spmem:s2] =	stream.indirect.scatter.add.f32 [tilespmem:s17], [sflag:$0x4], $0x80, s26, s16, $0xb8;
	[tilespmem:$0x1D000] =	vst v63  }
0xf3: {  	_ =	swait.ge [sflag:s21], $0x4000  }
0xf4: {  	[sflag:s21] =	ssyncset.done $0x0  }
0xf5: {  	s28 =	sor.u32 $0x300, s24;
	[sflag:s21] =	ssyncadd.s32 $0xFFFFC000  }
0xf6: {  	[tilespmem:s19], [sflag:$0x1] =	stream.indirect.gather [hbm4b:s4+s16], $0x80, s28, s16, $0xb8;
	[tilespmem:$0x1D000] =	vst v63  }
0xf7: {  	_ =	swait.ge [sflag:s22], $0x4000  }
0xf8: {  	[sflag:s22] =	ssyncset.done $0x0  }
0xf9: {  	s29 =	sor.u32 $0x380, s24;
	[sflag:s22] =	ssyncadd.s32 $0xFFFFC000  }
0xfa: {  	[tilespmem:s17], [sflag:$0x2] =	stream.indirect.gather [hbm4b:s4+s16], $0x80, s29, s16, $0xb8;
	[tilespmem:$0x1D000] =	vst v63  }
0xfb: {  	_ =	swait.ge [sflag:s18], $0x4000  }
0xfc: {  	[sflag:s18] =	ssyncset.done $0x0  }
0xfd: {  	s30 =	sor.u32 $0xB00, s24;
	[sflag:s18] =	ssyncadd.s32 $0xFFFFC000  }
0xfe: {  	[spmem:s2] =	stream.indirect.scatter.add.f32 [tilespmem:s19], [sflag:$0x3], $0x80, s30, s16, $0xb8;
	[tilespmem:$0x1D000] =	vst v63  }
0xff: {  	_ =	swait.ge [sflag:s20], $0x4000  }
0x100: {  	[sflag:s20] =	ssyncset.done $0x0  }
0x101: {  	s31 =	sor.u32 $0xB80, s24;
	[sflag:s20] =	ssyncadd.s32 $0xFFFFC000  }
0x102: {  	[spmem:s2] =	stream.indirect.scatter.add.f32 [tilespmem:s17], [sflag:$0x4], $0x80, s31, s16, $0xb8;
	[tilespmem:$0x1D000] =	vst v63  }
0x103: {  	_ =	swait.ge [sflag:s21], $0x4000  }
0x104: {  	[sflag:s21] =	ssyncset.done $0x0  }
0x105: {  	[sflag:s21] =	ssyncadd.s32 $0xFFFFC000  }
0x106: {  	_ =	swait.ge [sflag:s22], $0x4000  }
0x107: {  	s23 =	sadd.s32 $0x1, s23;
	[sflag:s22] =	ssyncset.done $0x0  }
0x108: {  	p0 =	sne.s32 s23, s10;
	[sflag:s22] =	ssyncadd.s32 $0xFFFFC000  }
.Ltmp1:
0x109: {  	[bflag:$0x0] =	sbarrier.arrive $0xFFFF;
	(pc) =	sbr.rel @p0 .LBB2_1-.Ltmp1, $4  }
0x10a: {  	[hbm:s9], [sflag:s6] =	dma.local [spmem:s13], $0x2800  }
0x10b: {  	_ =	swait.ge [sflag:s14], $0x2800  }
0x10c: {  	[sflag:s14] =	ssyncset.done $0x0  }
0x10d: {  	[sflag:s14] =	ssyncadd.s32 $0xFFFFD800  }
0x10e: {  	_ =	sfence.sel $0x180000  }
0x10f: {  	[bflag:$0x0] =	sbarrier.arrive $0xFFFF  }
0x110: {  	_ =	strace $0x9000004D  }
0x111: {  	s0 =	stileid.u32;
	[bflag:$0x2] =	sbarrier.arrive $0xFFFF  }
0x112: {  	p0 =	sne.s32 s0, $0x0;
	s0 =	rddreg [dreg:$0x2]  }
0x113: {  	s0 =	sadd.s32 @!p0 $0x100000, s0  }
0x114: {  	[sflag:s0] =	ssyncadd.tile.s32 @!p0 $0x1;
	_ =	shalt  }
.Lfunc_end2:
_tile_overlayer_lowered:
.L_overlay_start_2:
0x115: {  	(tag) =	ssettag $0x2  }
0x116: {  	s0 =	rddreg [dreg:$0x0];
	s2 =	stileid.u32  }
0x117: {  	s1 =	rddreg [dreg:$0x1];
	p0 =	sne.s32 s2, $0x0  }
0x118: {  	s3 =	rddreg [dreg:$0x2];
	[bflag:$0x3] =	sbarrier.arrive $0xFFFF;
	s2 =	simm.s32 @!p0 $0x1C09  }
0x119: {  	[timem:s3], [sflag:s2] =	dma.local @!p0 [hbm:s0], s1  }
0x11a: {  	s0 =	simm.s32 @!p0 $0x9  }
0x11b: {  	_ =	swait.ge @!p0 [sflag:s0], s1  }
0x11c: {  	s1 =	ssub.s32 @!p0 $0x0, s1;
	[sflag:s0] =	ssyncset.done @!p0 $0x0  }
0x11d: {  	[sflag:s0] =	ssyncadd.s32 @!p0 s1  }
0x11e: {  	[bflag:$0x3] =	sbarrier.arrive $0xFFFF  }
0x11f: {  	_ =	shalt  }

// kernel: kernel.8.cloned.1.call-start
scs
__scs_entry_jumppad:
0x0: {  	(pc) =	sbr.rel $0x88, $3  }
0x1: {  	(tag) =	ssettag $0x0;
	lr =	simm.s32 $0x1  }
0x2: {  	[smem:$0x3F92] =	sst lr;
	_ =	strace $0xD0000000  }
0x3: {  	_ = 	snop  }
0x4: {  	_ = 	snop  }
0x5: {  	_ = 	snop  }
0x6: {  	_ = 	snop  }
0x7: {  	_ = 	snop  }
__scs_overlays_trampoline_lowered:
0x8: {  	[smem:$0x3FA1] =	sst s0  }
0x9: {  	[smem:$0x3FA2] =	sst s1  }
0xa: {  	[smem:$0x3FA3] =	sst s2  }
0xb: {  	[smem:$0x3FA4] =	sst s3  }
0xc: {  	[smem:$0x3FA5] =	sst s4  }
0xd: {  	[smem:$0x3FA6] =	sst s5  }
0xe: {  	[smem:$0x3FA7] =	sst s6  }
0xf: {  	[smem:$0x3FA8] =	sst s7  }
0x10: {  	[smem:$0x3FA9] =	sst s8  }
0x11: {  	[smem:$0x3FAA] =	sst s9;
	s0 =	simm.s32 @!p0 $0x0  }
0x12: {  	s1 =	sld [smem:$0x3F90];
	s0 =	simm.s32 @p0 $0x1  }
0x13: {  	[smem:$0x3FAB] =	sst s0;
	s0 =	simm.s32 @!p1 $0x0  }
0x14: {  	s2 =	sld [smem:$0x3F8F];
	s0 =	simm.s32 @p1 $0x1  }
0x15: {  	[smem:$0x3FAC] =	sst s0;
	s0 =	simm.s32 @!p2 $0x0  }
0x16: {  	s3 =	sld [smem:$0x3FDB];
	s0 =	simm.s32 @p2 $0x1  }
0x17: {  	s4 =	simm.s32 $0x1BF5;
	[smem:$0x3FAE] =	sst s0  }
0x18: {  	s0 =	sld [smem:$0x3F91];
	_ =	swait.ge [sflag:s4], $0x0  }
0x19: {  	s7 =	sld [smem:$0x3F92]  }
0x1a: {  	s8 =	sadd.s32 $0xFFFFE003, lr  }
0x1b: {  	s9 =	sadd.s32 $0xFFFFFEF7, lr;
	s5 =	simm.s32 $0xFFFFFFFF;
	p2 =	slt.u32 s8, $0xFFFFF086  }
0x1c: {  	p1 =	slt.u32 s9, $0xF7A;
	s5 =	simm.s32 @!p2 $0x0  }
0x1d: {  	s5 =	simm.s32 @p1 $0x1;
	p0 =	seq.s32 s7, s2  }
0x1e: {  	s7 =	smul.u32 @!p0 $0xF7A, s2;
	p2 =	seq.s32 @!p0 s5, $0x0  }
0x1f: {  	s9 =	smul.u32 $0xF7A, s1;
	s8 =	simm.s32 @!p0 $0x1BF5;
	p2 =	por !p2, p0  }
0x20: {  	[sflag:s8] =	ssyncset.s32 @!p0 $0xFFFFF086;
	s6 =	sadd.s32 @!p0 s3, s7;
	s7 =	simm.s32 @!p0 $0x108  }
0x21: {  	s3 =	sadd.s32 s3, s9;
	s6 =	sadd.s32 @!p0 $0x88, s6;
	s7 =	simm.s32 @p2 $0x1082  }
0x22: {  	[simem:s7], [sflag:s8] =	dma.local @!p0 [hbm:s6], $0xF7A  }
0x23: {  	s9 =	sor.u32 $0xD0000000, s2;
	s6 =	simm.s32 $0x108;
	_ =	swait.ge @!p0 [sflag:s8], $0x0  }
0x24: {  	s3 =	sadd.s32 $0x88, s3;
	s6 =	simm.s32 @!p1 $0x1082;
	[sflag:s4] =	ssyncset.s32 $0xFFFFF086  }
0x25: {  	[simem:s6], [sflag:s4] =	dma.local [hbm:s3], $0xF7A  }
0x26: {  	[smem:$0x3F92] =	sst s1;
	(tag) =	ssettag s2;
	_ =	strace s9  }
0x27: {  	s1 =	sld [smem:$0x3FA2]  }
0x28: {  	s2 =	sld [smem:$0x3FA3]  }
0x29: {  	s4 =	sld [smem:$0x3FA5]  }
0x2a: {  	p0 =	seq.s32 s5, $0x0;
	s5 =	sld [smem:$0x3FA6]  }
0x2b: {  	s6 =	sld [smem:$0x3FA7]  }
0x2c: {  	s7 =	sld [smem:$0x3FA8]  }
0x2d: {  	s3 =	simm.s32 $0x108;
	s8 =	sld [smem:$0x3FA9]  }
0x2e: {  	s3 =	simm.s32 @!p0 $0x1082;
	s9 =	sld [smem:$0x3FAA]  }
0x2f: {  	lr =	sadd.s32 s0, s3;
	s0 =	sld [smem:$0x3FA1]  }
0x30: {  	s3 =	sld [smem:$0x3FA4]  }
0x31: {  	[smem:$0x3FAD] =	sst s10  }
0x32: {  	s10 =	sld [smem:$0x3FAB];
	_ =	sdelay $0x3  }
0x33: {  	p0 =	seq.s32 s10, $0x1;
	s10 =	sld [smem:$0x3FAD];
	_ =	sdelay $0x3  }
0x34: {  	[smem:$0x3FAD] =	sst s10  }
0x35: {  	s10 =	sld [smem:$0x3FAC];
	_ =	sdelay $0x3  }
0x36: {  	p1 =	seq.s32 s10, $0x1;
	s10 =	sld [smem:$0x3FAD];
	_ =	sdelay $0x3  }
0x37: {  	[smem:$0x3FAD] =	sst s10  }
0x38: {  	s10 =	sld [smem:$0x3FAE]  }
0x39: {  	_ = 	snop;
	(pc) =	sbr.ind lr, $3  }
0x3a: {  	_ = 	snop  }
0x3b: {  	_ = 	snop  }
0x3c: {  	p2 =	seq.s32 s10, $0x1;
	s10 =	sld [smem:$0x3FAD]  }
0x3d: {  	_ =	shalt  }
0x3e: {  	_ =	shalt  }
0x3f: {  	_ =	shalt  }
0x40: {  	_ =	shalt  }
0x41: {  	_ =	shalt  }
0x42: {  	_ =	shalt  }
0x43: {  	_ =	shalt  }
0x44: {  	_ =	shalt  }
0x45: {  	_ =	shalt  }
0x46: {  	_ =	shalt  }
0x47: {  	_ =	shalt  }
0x48: {  	_ =	shalt  }
0x49: {  	_ =	shalt  }
0x4a: {  	_ =	shalt  }
0x4b: {  	_ =	shalt  }
0x4c: {  	_ =	shalt  }
0x4d: {  	_ =	shalt  }
0x4e: {  	_ =	shalt  }
0x4f: {  	_ =	shalt  }
0x50: {  	_ =	shalt  }
0x51: {  	_ =	shalt  }
0x52: {  	_ =	shalt  }
0x53: {  	_ =	shalt  }
0x54: {  	_ =	shalt  }
0x55: {  	_ =	shalt  }
0x56: {  	_ =	shalt  }
0x57: {  	_ =	shalt  }
0x58: {  	_ =	shalt  }
0x59: {  	_ =	shalt  }
0x5a: {  	_ =	shalt  }
0x5b: {  	_ =	shalt  }
0x5c: {  	_ =	shalt  }
0x5d: {  	_ =	shalt  }
0x5e: {  	_ =	shalt  }
0x5f: {  	_ =	shalt  }
0x60: {  	_ =	shalt  }
0x61: {  	_ =	shalt  }
0x62: {  	_ =	shalt  }
0x63: {  	_ =	shalt  }
0x64: {  	_ =	shalt  }
0x65: {  	_ =	shalt  }
0x66: {  	_ =	shalt  }
0x67: {  	_ =	shalt  }
0x68: {  	_ =	shalt  }
0x69: {  	_ =	shalt  }
0x6a: {  	_ =	shalt  }
0x6b: {  	_ =	shalt  }
0x6c: {  	_ =	shalt  }
0x6d: {  	_ =	shalt  }
0x6e: {  	_ =	shalt  }
0x6f: {  	_ =	shalt  }
0x70: {  	_ =	shalt  }
0x71: {  	_ =	shalt  }
0x72: {  	_ =	shalt  }
0x73: {  	_ =	shalt  }
0x74: {  	_ =	shalt  }
0x75: {  	_ =	shalt  }
0x76: {  	_ =	shalt  }
0x77: {  	_ =	shalt  }
0x78: {  	_ =	shalt  }
0x79: {  	_ =	shalt  }
0x7a: {  	_ =	shalt  }
0x7b: {  	_ =	shalt  }
0x7c: {  	_ =	shalt  }
0x7d: {  	_ =	shalt  }
0x7e: {  	_ =	shalt  }
0x7f: {  	_ =	shalt  }
0x80: {  	_ =	shalt  }
0x81: {  	_ =	shalt  }
0x82: {  	_ =	shalt  }
0x83: {  	_ =	shalt  }
0x84: {  	_ =	shalt  }
0x85: {  	_ =	shalt  }
0x86: {  	_ =	shalt  }
0x87: {  	_ =	shalt  }
.Lfunc_end0:
.L_simem_size_0:
called_computation_lowered:
.L_overlay_start_0:
0x88: {  	s2 =	sld [smem:$0x3FD9]  }
0x89: {  	s3 =	sld [smem:$0x3FFE];
	_ =	sdelay $0x1  }
0x8a: {  	s1 =	srdreg.scid  }
0x8b: {  	s0 =	sand.u32 $0x1, s1  }
0x8c: {  	s16 =	sshll.u32 s0, $0xA;
	s2 =	sadd.s32 s3, s2  }
0x8d: {  	s2 =	sadd.s32 s2, s16  }
0x8e: {  	[smem:$0x3FB9] =	sst s2  }
0x8f: {  	_ = 	snop  }
0x90: {  	(tm) =	ssettm $0x1  }
0x91: {  	s17 =	sld [smem:$0x3FFB];
	_ =	sdelay $0x3  }
0x92: {  	_ =	strace s17  }
0x93: {  	s2 =	sld [smem:$0x3FFC];
	_ =	sdelay $0x3  }
0x94: {  	_ =	strace s2  }
0x95: {  	s2 =	sld [smem:$0x3FFD];
	_ =	sdelay $0x3  }
0x96: {  	_ =	strace s2  }
0x97: {  	_ =	strace $0x8FFFFFFF  }
0x98: {  	s18 =	sld [smem:$0x3FDB];
	_ =	sdelay $0x1  }
0x99: {  	s19 =	simm.s32 $_scs_section_size  }
0x9a: {  	s4 =	simm.s32 $_size__tile_overlayer_lowered;
	s5 =	simm.s32 $_tile_overlayer_lowered  }
0x9b: {  	s22 =	simm.s32 $0x1BFF;
	s21 =	sshll.u32 s5, $0x1;
	s2 =	sadd.s32 s19, s18  }
0x9c: {  	s6 =	simm.s32 $0x0;
	s20 =	sshll.u32 s4, $0x1;
	s4 =	sadd.s32 s21, s2  }
0x9d: {  	[timem:s6], [sflag:s22] =	dma.local [hbm:s4], s20  }
0x9e: {  	_ =	swait.ge [sflag:s22], s20  }
0x9f: {  	s3 =	ssub.s32 $0x0, s20;
	[sflag:s22] =	ssyncset.done $0x0  }
0xa0: {  	[sflag:s22] =	ssyncadd.s32 s3;
	_ =	sdelay $0x1  }
0xa1: {  	s23 =	simm.s32 $0x1B8B  }
0xa2: {  	_ =	swait.ge [sflag:s23], $0x1  }
0xa3: {  	[sflag:s23] =	ssyncset.done $0x0  }
0xa4: {  	s25 =	simm.s32 $0x1B8E;
	s24 =	sld [smem:$0x3FFE];
	[sflag:s23] =	ssyncadd.s32 $0xFFFFFFFF  }
0xa5: {  	s26 =	simm.s32 $execute0_lowered;
	[smem:$0x3FD2] =	sst s25  }
0xa6: {  	s4 =	sshll.u32 s26, $0x1;
	_ =	strace $0x80000046;
	[dreg:$0x1] =	wrdreg $0xFFFFFFFF  }
0xa7: {  	s28 =	simm.s32 $_size_execute0_lowered;
	s2 =	sadd.s32 s2, s4;
	[dreg:$0x0] =	wrdreg $0x0  }
0xa8: {  	s4 =	sshll.u32 s28, $0x1;
	[dreg:$0x2] =	wrdreg s2  }
0xa9: {  	[dreg:$0x3] =	wrdreg s4  }
0xaa: {  	[dreg:$0x4] =	wrdreg $0xC0  }
0xab: {  	_ =	task [dreg:s6], $0x5FFFF  }
0xac: {  	[dreg:$0x1] =	wrdreg $0xFFFFFFFF  }
0xad: {  	[dreg:$0x0] =	wrdreg $0x60  }
0xae: {  	[dreg:$0x2] =	wrdreg s24  }
0xaf: {  	[dreg:$0x3] =	wrdreg $0x9  }
0xb0: {  	_ =	task.clear_ibuf [dreg:s6], $0x4FFFF;
	_ =	strace $0x90000046  }
0xb1: {  	s29 =	simm.s32 $0x9;
	_ =	strace $0x80000048  }
0xb2: {  	_ =	swait.ge [sflag:s29], $0x1  }
0xb3: {  	[sflag:s29] =	ssyncadd.s32 $0xFFFFFFFF  }
0xb4: {  	_ =	strace $0x90000048  }
0xb5: {  	_ =	sfence  }
0xb6: {  	s30 =	sld [smem:$0x0];
	_ =	sdelay $0x2  }
0xb7: {  	s31 =	sshll.u32 s1, $0xD;
	s1 =	sshrl.u32 s1, $0x2  }
0xb8: {  	s3 =	sand.u32 $0x4000, s31;
	s1 =	sadd.s32 s1, s30  }
0xb9: {  	s0 =	sor.u32 s3, s0;
	s1 =	sshll.u32 s1, $0x11  }
0xba: {  	s0 =	sor.u32 s1, s0  }
0xbb: {  	s0 =	sadd.s32 $0x8F2B, s0  }
0xbc: {  	[sflag:s0] =	ssyncadd.remote.s32 $0x1  }
0xbd: {  	_ =	sfence.sel $0xFFFF  }
0xbe: {  	[dreg:$0x0] =	wrdreg $0xFFFFFFFF;
	(pc) =	sbr.abs _section_cstart, $3  }
0xbf: {  	[dreg:$0x1] =	wrdreg $0xFFFFFFFF  }
0xc0: {  	_ =	task.clear_ibuf [dreg:s6], $0x2FFFF;
	_ =	strace $0x9FFFFFFF  }
0xc1: {  	(tm) =	ssettm $0x7FFFFFFF  }
tec
execute0_lowered:
.L_overlay_start_1:
0x0: {  	(tag) =	ssettag $0x1  }
0x1: {  	s0 =	srdreg.scid  }
0x2: {  	s4 =	rddreg [dreg:$0x0];
	s2 =	simm.s32 $0x0;
	s3 =	sand.u32 $0x1, s0  }
0x3: {  	s8 =	simm.s32 $0x2800;
	s0 =	stileid.u32;
	s1 =	sshll.u32 s3, $0x4  }
0x4: {  	s9 =	simm.s32 $0x80;
	s10 =	simm.s32 $0x400;
	s5 =	sor.u32 s0, s1  }
0x5: {  	s11 =	simm.s32 $0x0;
	[smem:$0x7FF] =	sst s2;
	s6 =	sshrl.u32 s5, $0x3  }
0x6: {  	s7 =	sshll.u32 s0, $0x7;
	s30 =	ssub.s32 $0x2, s3;
	s6 =	smul.u32 $0x14000, s6  }
0x7: {  	s3 =	sadd.s32 $0x17400, s4;
	s7 =	sand.u32 $0x380, s7;
	s5 =	smul.u32 $0x500, s5  }
0x8: {  	s1 =	rddreg [dreg:$0x1];
	_ =	strace $0x80000047;
	s6 =	sor.u32 s7, s6  }
0x9: {  	s31 =	sshrl.u32 s30, $0x1;
	s5 =	sadd.s32 s5, s4;
	s6 =	sshrl.u32 s6, $0x3  }
0xa: {  	s7 =	ssub.s32 s30, s31;
	s6 =	sadd.s32 s6, s4;
	s4 =	sadd.s32 $0xD400, s5  }
0xb: {  	v0 =	vimm.f32 $1.000000000e+00;
	s5 =	sadd.s32 $0x17A00, s6;
	s6 =	smax.u32 s7, $0x1;
	s7 =	simm.s32 $0x1  }
.LBB2_1:
0xc: {  	[tilespmem:s2], [sflag:$0x1] =	stream.linear.gather [hbm4b:s4+s2], $0x2800, $0x38;
	[tilespmem:$0x5000] =	vst v63  }
0xd: {  	_ =	swait.ge [sflag:s7], $0x2800  }
0xe: {  	[sflag:s7] =	ssyncset.done $0x0  }
0xf: {  	[sflag:s7] =	ssyncadd.s32 $0xFFFFD800  }
0x10: {  	[tilespmem:s8], [sflag:$0x1] =	stream.linear.gather [hbm4b:s3+s2], $0x2800, $0x38;
	[tilespmem:$0x5000] =	vst v63  }
0x11: {  	_ =	swait.ge [sflag:s7], $0x2800  }
0x12: {  	[sflag:s7] =	ssyncset.done $0x0  }
0x13: {  	s12 =	simm.s32 $0x0;
	[sflag:s7] =	ssyncadd.s32 $0xFFFFD800  }
.LBB2_2:
0x14: {  	s13 =	sshra.s32 s12, $0x2  }
0x15: {  	v1 =	vld [tilespmem:s13+$0x0];
	_ =	sdelay $0x7  }
0x16: {  	[tilespmem:v1+s8+$0x0] =	vst.idx.add.f32.msk $0xffff, v0  }
0x17: {  	v1 =	vld [tilespmem:s13+$0x10];
	_ =	sdelay $0x7  }
0x18: {  	[tilespmem:v1+s8+$0x0] =	vst.idx.add.f32.msk $0xffff, v0  }
0x19: {  	v1 =	vld [tilespmem:s13+$0x20];
	_ =	sdelay $0x7  }
0x1a: {  	[tilespmem:v1+s8+$0x0] =	vst.idx.add.f32.msk $0xffff, v0  }
0x1b: {  	v1 =	vld [tilespmem:s13+$0x30];
	_ =	sdelay $0x7  }
0x1c: {  	[tilespmem:v1+s8+$0x0] =	vst.idx.add.f32.msk $0xffff, v0  }
0x1d: {  	v1 =	vld [tilespmem:s13+$0x40];
	_ =	sdelay $0x7  }
0x1e: {  	[tilespmem:v1+s8+$0x0] =	vst.idx.add.f32.msk $0xffff, v0  }
0x1f: {  	v1 =	vld [tilespmem:s13+$0x50];
	_ =	sdelay $0x7  }
0x20: {  	[tilespmem:v1+s8+$0x0] =	vst.idx.add.f32.msk $0xffff, v0  }
0x21: {  	v1 =	vld [tilespmem:s13+$0x60];
	_ =	sdelay $0x7  }
0x22: {  	[tilespmem:v1+s8+$0x0] =	vst.idx.add.f32.msk $0xffff, v0  }
0x23: {  	v1 =	vld [tilespmem:s13+$0x70];
	_ =	sdelay $0x2  }
0x24: {  	p0 =	sne.s32 s12, $0x9E00  }
.Ltmp0:
0x25: {  	_ = 	snop;
	(pc) =	sbr.rel @p0 .LBB2_2-.Ltmp0, $2  }
0x26: {  	_ =	sdelay $0x2  }
0x27: {  	s12 =	sadd.s32 $0x200, s12;
	[tilespmem:v1+s8+$0x0] =	vst.idx.add.f32.msk $0xffff, v0  }
0x28: {  	s11 =	sadd.s32 $0x1, s11  }
0x29: {  	p0 =	sne.s32 s11, s6  }
.Ltmp1:
0x2a: {  	_ = 	snop;
	(pc) =	sbr.rel @p0 .LBB2_1-.Ltmp1, $4  }
0x2b: {  	[hbm4b:s5+s9] =	stream.strided.scatter [tilespmem:s8], [sflag:$0x1], $0x2800, s10, s9, $0x38;
	[tilespmem:$0x5000] =	vst v63  }
0x2c: {  	_ =	swait.ge [sflag:s7], $0x2800  }
0x2d: {  	[sflag:s7] =	ssyncset.done $0x0  }
0x2e: {  	[sflag:s7] =	ssyncadd.s32 $0xFFFFD800  }
0x2f: {  	_ =	sfence.sel $0x180000  }
0x30: {  	[bflag:$0x0] =	sbarrier.arrive $0xFFFF  }
0x31: {  	p0 =	sne.s32 s0, $0x0;
	_ =	strace $0x90000047  }
0x32: {  	s0 =	sadd.s32 @!p0 $0x100000, s1;
	[bflag:$0x2] =	sbarrier.arrive $0xFFFF  }
0x33: {  	[sflag:s0] =	ssyncadd.tile.s32 @!p0 $0x1;
	_ =	shalt  }
.Lfunc_end2:
_tile_overlayer_lowered:
.L_overlay_start_2:
0x34: {  	(tag) =	ssettag $0x2  }
0x35: {  	s0 =	rddreg [dreg:$0x0];
	s2 =	stileid.u32  }
0x36: {  	s1 =	rddreg [dreg:$0x1];
	p0 =	sne.s32 s2, $0x0  }
0x37: {  	s3 =	rddreg [dreg:$0x2];
	[bflag:$0x3] =	sbarrier.arrive $0xFFFF;
	s2 =	simm.s32 @!p0 $0x1C02  }
0x38: {  	[timem:s3], [sflag:s2] =	dma.local @!p0 [hbm:s0], s1  }
0x39: {  	s0 =	simm.s32 @!p0 $0x2  }
0x3a: {  	_ =	swait.ge @!p0 [sflag:s0], s1  }
0x3b: {  	s1 =	ssub.s32 @!p0 $0x0, s1;
	[sflag:s0] =	ssyncset.done @!p0 $0x0  }
0x3c: {  	[sflag:s0] =	ssyncadd.s32 @!p0 s1  }
0x3d: {  	[bflag:$0x3] =	sbarrier.arrive $0xFFFF  }
0x3e: {  	_ =	shalt  }

</sc_bundles>
